<compile_context>
chip_gen: v7x
topology: tpu7x:2x2x1
jax: 0.10.2.dev20260603
libtpu: 0.0.44.dev20260713+nightly
codegen_flags: <defaults>
</compile_context>

<pallas_src>
import functools

import jax
import jax.numpy as jnp
from jax import lax
from jax.experimental import pallas as pl
from jax.experimental.pallas import tpu as pltpu
from jax.experimental.pallas import tpu_sc as plsc

NC = 2
NS = 16
NW = NC * NS
AW = 128


def _pick_chunk(epw):
    for c in range(128, 7, -8):
        if epw % c == 0:
            return c
    raise ValueError(f"no valid chunk for {epw}")


def _precompute(nf, w_src, w_dst, bn):
    n, nd = nf.shape
    h = w_src.shape[1]

    def body(nf_ref, ws_ref, wd_ref, o1_ref, o2_ref):
        x = nf_ref[...]
        o1_ref[...] = jnp.dot(x, ws_ref[...], preferred_element_type=jnp.float32)
        o2_ref[...] = jnp.dot(x, wd_ref[...], preferred_element_type=jnp.float32)

    return pl.pallas_call(
        body,
        grid=(n // bn,),
        in_specs=[
            pl.BlockSpec((bn, nd), lambda i: (i, 0)),
            pl.BlockSpec((nd, h), lambda i: (0, 0)),
            pl.BlockSpec((nd, h), lambda i: (0, 0)),
        ],
        out_specs=[
            pl.BlockSpec((bn, h), lambda i: (i, 0)),
            pl.BlockSpec((bn, h), lambda i: (i, 0)),
        ],
        out_shape=[
            jax.ShapeDtypeStruct((n, h), jnp.float32),
            jax.ShapeDtypeStruct((n, h), jnp.float32),
        ],
    )(nf, w_src, w_dst)


def _sc_gather(psrc, pdst, src, dst, ch):
    n, h = psrc.shape
    nw, k, ch2 = src.shape
    assert ch2 == ch
    e = nw * k * ch
    epw = e // NW
    mesh = plsc.VectorSubcoreMesh(core_axis_name="c", subcore_axis_name="s")

    @functools.partial(
        pl.kernel,
        out_type=jax.ShapeDtypeStruct((e, h), jnp.float32),
        mesh=mesh,
        scratch_types=[
            pltpu.VMEM((k, ch), jnp.int32),
            pltpu.VMEM((k, ch), jnp.int32),
            pltpu.VMEM((ch, h), jnp.float32),
            pltpu.VMEM((ch, h), jnp.float32),
            pltpu.VMEM((ch, h), jnp.float32),
            pltpu.VMEM((ch, h), jnp.float32),
            pltpu.VMEM((ch, h), jnp.float32),
            pltpu.VMEM((ch, h), jnp.float32),
            pltpu.SemaphoreType.DMA,
            pltpu.SemaphoreType.DMA,
            pltpu.SemaphoreType.DMA,
            pltpu.SemaphoreType.DMA,
            pltpu.SemaphoreType.DMA,
            pltpu.SemaphoreType.DMA,
        ],
    )
    def gather_k(psrc_hbm, pdst_hbm, src_hbm, dst_hbm, g_hbm,
                 si_v, di_v, a0, a1, b0, b1, o0, o1,
                 sa0, sa1, sb0, sb1, sw0, sw1):
        wid = lax.axis_index("s") * NC + lax.axis_index("c")
        pltpu.sync_copy(src_hbm.at[wid], si_v)
        pltpu.sync_copy(dst_hbm.at[wid], di_v)

        def fire(j, a, b, sa, sb):
            pltpu.async_copy(psrc_hbm.at[si_v.at[j]], a, sa)
            pltpu.async_copy(pdst_hbm.at[di_v.at[j]], b, sb)

        def stage(j, a, b, o, sa, sb, sw, first):
            pltpu.make_async_copy(
                psrc_hbm.at[si_v.at[j]], a, sa).wait()
            pltpu.make_async_copy(
                pdst_hbm.at[di_v.at[j]], b, sb).wait()
            if not first:
                pltpu.make_async_copy(o, g_hbm.at[pl.ds(0, ch)], sw).wait()

            def row(i, carry):
                for g in range(h // 16):
                    o[i, pl.ds(16 * g, 16)] = (a[i, pl.ds(16 * g, 16)]
                                               + b[i, pl.ds(16 * g, 16)])
                return carry

            lax.fori_loop(0, ch, row, 0)

            @pl.when(jnp.int32(j) + 2 < k)
            def _prefetch():
                fire(jnp.int32(j) + 2, a, b, sa, sb)

            pltpu.async_copy(o, g_hbm.at[pl.ds(wid * epw + j * ch, ch)], sw)

        fire(0, a0, b0, sa0, sb0)
        fire(1, a1, b1, sa1, sb1)
        stage(0, a0, b0, o0, sa0, sb0, sw0, True)
        stage(1, a1, b1, o1, sa1, sb1, sw1, True)

        def pair(i2, carry):
            stage(2 * i2, a0, b0, o0, sa0, sb0, sw0, False)
            stage(2 * i2 + 1, a1, b1, o1, sa1, sb1, sw1, False)
            return carry

        lax.fori_loop(1, k // 2, pair, 0)
        if k % 2 == 1:
            stage(k - 1, a0, b0, o0, sa0, sb0, sw0, False)

        pltpu.make_async_copy(o0, g_hbm.at[pl.ds(0, ch)], sw0).wait()
        pltpu.make_async_copy(o1, g_hbm.at[pl.ds(0, ch)], sw1).wait()

    return gather_k(psrc, pdst, src, dst)


def _edge_mlp(ef, g, w1e, b1, w2, b2, be):
    e, ed = ef.shape
    h = w1e.shape[1]

    def body(ef_ref, g_ref, w1_ref, b1_ref, w2_ref, b2_ref, out_ref):
        x = ef_ref[...]
        pre = (g_ref[...] + b1_ref[...]
               + jnp.dot(x, w1_ref[...], preferred_element_type=jnp.float32))
        hid = pre * jax.nn.sigmoid(pre)
        out_ref[...] = x + b2_ref[...] + jnp.dot(
            hid, w2_ref[...], preferred_element_type=jnp.float32)

    return pl.pallas_call(
        body,
        grid=(e // be,),
        in_specs=[
            pl.BlockSpec((be, ed), lambda i: (i, 0)),
            pl.BlockSpec((be, h), lambda i: (i, 0)),
            pl.BlockSpec((ed, h), lambda i: (0, 0)),
            pl.BlockSpec((1, h), lambda i: (0, 0)),
            pl.BlockSpec((h, ed), lambda i: (0, 0)),
            pl.BlockSpec((1, ed), lambda i: (0, 0)),
        ],
        out_specs=pl.BlockSpec((be, ed), lambda i: (i, 0)),
        out_shape=jax.ShapeDtypeStruct((e, ed), jnp.float32),
    )(ef, g, w1e, b1, w2, b2)


def _sc_scatter(eo, dst, zeros_tab, n, ch):
    e, ed = eo.shape
    epw = e // NW
    k = epw // ch
    nrs = 1000
    ndt = n // nrs
    mesh = plsc.VectorSubcoreMesh(core_axis_name="c", subcore_axis_name="s")

    @functools.partial(
        pl.kernel,
        out_type=jax.ShapeDtypeStruct((NC, n, AW), jnp.float32),
        mesh=mesh,
        scratch_types=[
            pltpu.VMEM((k, ch), jnp.int32),
            pltpu.VMEM((ch, ed), jnp.float32),
            pltpu.VMEM((ch, ed), jnp.float32),
            pltpu.VMEM((ch, AW), jnp.float32),
            pltpu.SemaphoreType.DMA,
            pltpu.SemaphoreType.DMA,
            pltpu.SemaphoreType.DMA,
            pltpu.VMEM_SHARED((n, AW), jnp.float32),
        ],
    )
    def scatter_k(eo_hbm, dst_hbm, z_hbm, part_hbm,
                  di2, in0, in1, pay, sl0, sl1, ss, tab_sh):
        cid = lax.axis_index("c")
        sid = lax.axis_index("s")
        wid = sid * NC + cid
        rb = sid * nrs

        @pl.when(sid < ndt)
        def _init():
            pltpu.sync_copy(z_hbm, tab_sh.at[pl.ds(rb, nrs)])

        pltpu.sync_copy(dst_hbm.at[wid], di2)

        pltpu.sync_copy(z_hbm.at[pl.ds(0, ch)], pay)
        cnt_vec = jnp.where(lax.iota(jnp.int32, 16) == 0,
                            jnp.float32(1.0), jnp.float32(0.0))

        def prow(i, carry):
            pay[i, pl.ds(16, 16)] = cnt_vec
            return carry

        lax.fori_loop(0, ch, prow, 0)
        plsc.subcore_barrier()

        def load(j, in_v, sl):
            pltpu.async_copy(
                eo_hbm.at[pl.ds(wid * epw + j * ch, ch)], in_v, sl)

        def stage(j, in_v, sl, first):
            pltpu.make_async_copy(
                eo_hbm.at[pl.ds(0, ch)], in_v, sl).wait()
            if not first:
                pltpu.make_async_copy(pay, tab_sh.at[di2.at[0]], ss).wait()

            def crow(i, carry2):
                pay[i, pl.ds(0, 16)] = in_v[i, :]
                return carry2

            lax.fori_loop(0, ch, crow, 0)

            @pl.when(jnp.int32(j) + 2 < k)
            def _prefetch():
                load(jnp.int32(j) + 2, in_v, sl)

            pltpu.async_copy(pay, tab_sh.at[di2.at[j]], ss, add=True)

        load(0, in0, sl0)
        load(1, in1, sl1)
        stage(0, in0, sl0, True)
        stage(1, in1, sl1, False)

        def pair(i2, carry):
            stage(2 * i2, in0, sl0, False)
            stage(2 * i2 + 1, in1, sl1, False)
            return carry

        lax.fori_loop(1, k // 2, pair, 0)
        if k % 2 == 1:
            stage(k - 1, in0, sl0, False)

        pltpu.make_async_copy(pay, tab_sh.at[di2.at[0]], ss).wait()
        plsc.subcore_barrier()

        @pl.when(sid < ndt)
        def _drain():
            pltpu.sync_copy(tab_sh.at[pl.ds(rb, nrs)],
                            part_hbm.at[cid, pl.ds(rb, nrs)])

    return scatter_k(eo, dst, zeros_tab)


def _node_mlp(nf, p0, p1, w1a, w1b, b1, w2, b2, bn):
    n, nd = nf.shape
    ed = w1b.shape[0]
    h = w1a.shape[1]

    def body(nf_ref, p0_ref, p1_ref,
             w1a_ref, w1b_ref, b1_ref, w2_ref, b2_ref, out_ref):
        x = nf_ref[...]
        tab = p0_ref[...] + p1_ref[...]
        agg = tab[:, :ed]
        cts = tab[:, ed:ed + 1]
        mean = agg / jnp.maximum(cts, 1.0)
        pre = (jnp.dot(x, w1a_ref[...], preferred_element_type=jnp.float32)
               + jnp.dot(mean, w1b_ref[...], preferred_element_type=jnp.float32)
               + b1_ref[...])
        hid = pre * jax.nn.sigmoid(pre)
        out_ref[...] = x + b2_ref[...] + jnp.dot(
            hid, w2_ref[...], preferred_element_type=jnp.float32)

    return pl.pallas_call(
        body,
        grid=(n // bn,),
        in_specs=[
            pl.BlockSpec((bn, nd), lambda i: (i, 0)),
            pl.BlockSpec((bn, AW), lambda i: (i, 0)),
            pl.BlockSpec((bn, AW), lambda i: (i, 0)),
            pl.BlockSpec((nd, h), lambda i: (0, 0)),
            pl.BlockSpec((ed, h), lambda i: (0, 0)),
            pl.BlockSpec((1, h), lambda i: (0, 0)),
            pl.BlockSpec((h, nd), lambda i: (0, 0)),
            pl.BlockSpec((1, nd), lambda i: (0, 0)),
        ],
        out_specs=pl.BlockSpec((bn, nd), lambda i: (i, 0)),
        out_shape=jax.ShapeDtypeStruct((n, nd), jnp.float32),
    )(nf, p0, p1, w1a, w1b, b1, w2, b2)


def kernel(node_feat, edge_feat, edge_index, We1, be1, We2, be2,
           Wn1, bn1, Wn2, bn2):
    n, nd = node_feat.shape
    e, ed = edge_feat.shape
    h = We1.shape[1]

    src = edge_index[0].astype(jnp.int32)
    dst = edge_index[1].astype(jnp.int32)
    epw = e // NW
    ch = _pick_chunk(epw)
    k = epw // ch

    psrc, pdst = _precompute(node_feat, We1[ed:ed + nd], We1[ed + nd:], bn=2000)
    g12 = _sc_gather(psrc, pdst, src.reshape(NW, k, ch),
                     dst.reshape(NW, k, ch), ch)

    edge_out = _edge_mlp(edge_feat, g12, We1[:ed],
                         be1.reshape(1, h), We2, be2.reshape(1, ed), be=3200)

    zeros_tab = jnp.zeros((1000, AW), jnp.float32)
    parts = _sc_scatter(edge_out, dst.reshape(NW, k, ch), zeros_tab, n, ch)

    node_out = _node_mlp(node_feat, parts[0], parts[1],
                         Wn1[:nd], Wn1[nd:], bn1.reshape(1, nd),
                         Wn2, bn2.reshape(1, nd), bn=2000)
    return (node_out, edge_out)

# --- scband reference (transcript-rebuilt; emitter-appended) ---
"""Pipeline reference for scband-alignnlayer-30107720745191 (READ-ONLY COPY).

The authoritative reference and input builder live on the scoring server;
editing this copy changes nothing except your own understanding.
"""

import jax, jax.numpy as jnp
import numpy as np

N = 10000
E = 320000
ND = 128
ED = 16
H = 128  # hidden = max(node_dim, edge_dim)


def setup_inputs(seed: int = 0) -> dict:
    key = jax.random.key(seed)
    ks = jax.random.split(key, 12)
    node_feat = jax.random.normal(ks[0], (N, ND), dtype=jnp.float32)
    edge_feat = jax.random.normal(ks[1], (E, ED), dtype=jnp.float32)
    edge_index = jax.random.randint(ks[2], (2, E), 0, N)
    # edge_mlp: Linear(2*ND+ED -> H), SiLU, Linear(H -> ED)
    We1 = jax.random.normal(ks[3], (2 * ND + ED, H), dtype=jnp.float32) * 0.02
    be1 = jnp.zeros((H,), dtype=jnp.float32)
    We2 = jax.random.normal(ks[4], (H, ED), dtype=jnp.float32) * 0.02
    be2 = jnp.zeros((ED,), dtype=jnp.float32)
    # node_mlp: Linear(ND+ED -> ND), SiLU, Linear(ND -> ND)
    Wn1 = jax.random.normal(ks[5], (ND + ED, ND), dtype=jnp.float32) * 0.02
    bn1 = jnp.zeros((ND,), dtype=jnp.float32)
    Wn2 = jax.random.normal(ks[6], (ND, ND), dtype=jnp.float32) * 0.02
    bn2 = jnp.zeros((ND,), dtype=jnp.float32)
    return {"node_feat": node_feat, "edge_feat": edge_feat, "edge_index": edge_index,
            "We1": We1, "be1": be1, "We2": We2, "be2": be2,
            "Wn1": Wn1, "bn1": bn1, "Wn2": Wn2, "bn2": bn2}


def reference(node_feat, edge_feat, edge_index, We1, be1, We2, be2, Wn1, bn1, Wn2, bn2):
    src = edge_index[0]
    dst = edge_index[1]
    # edge update: edge_feat + edge_mlp([edge_feat, node_feat[src], node_feat[dst]])
    edge_input = jnp.concatenate([edge_feat, node_feat[src], node_feat[dst]], axis=-1)
    h_e = jax.nn.silu(edge_input @ We1 + be1)
    edge_out = edge_feat + (h_e @ We2 + be2)
    # mean aggregation of edge states into dst nodes
    n = node_feat.shape[0]
    agg = jax.ops.segment_sum(edge_out, dst, num_segments=n)
    ones = jnp.ones((dst.shape[0], 1), dtype=node_feat.dtype)
    counts = jax.ops.segment_sum(ones, dst, num_segments=n)
    agg = agg / jnp.clip(counts, 1.0, None)
    # node update
    node_input = jnp.concatenate([node_feat, agg], axis=-1)
    h_n = jax.nn.silu(node_input @ Wn1 + bn1)
    node_out = node_feat + (h_n @ Wn2 + bn2)
    return (node_out, edge_out)

if __name__ == "__main__":
    import jax
    _d = setup_inputs()
    print(jax.jit(kernel)(*tuple(_d.values())))

</pallas_src>

<mosaic_0001>
#map = affine_map<(d0, d1) -> (0, 0)>
#map1 = affine_map<(d0, d1) -> (0, 0, 0)>
module attributes {stable_mosaic.version = 14 : i64} {
  func.func @scatter_k(%arg0: i32, %arg1: i32, %arg2: memref<320000x16xf32, #tpu.memory_space<hbm>>, %arg3: memref<32x125x80xi32, #tpu.memory_space<hbm>>, %arg4: memref<1000x128xf32, #tpu.memory_space<hbm>>, %arg5: memref<2x10000x128xf32, #tpu.memory_space<hbm>>, %arg6: memref<125x80xi32, #tpu.memory_space<vmem>>, %arg7: memref<80x16xf32, #tpu.memory_space<vmem>>, %arg8: memref<80x16xf32, #tpu.memory_space<vmem>>, %arg9: memref<80x128xf32, #tpu.memory_space<vmem>>, %arg10: memref<!tpu.dma_semaphore, #tpu.memory_space<semaphore_mem>>, %arg11: memref<!tpu.dma_semaphore, #tpu.memory_space<semaphore_mem>>, %arg12: memref<!tpu.dma_semaphore, #tpu.memory_space<semaphore_mem>>, %arg13: memref<10000x128xf32, #tpu.memory_space<vmem_shared>>) attributes {dimension_semantics = [#tpu.dimension_semantics<core_parallel>, #tpu.dimension_semantics<subcore_parallel>], iteration_bounds = array<i64: 2, 16>, scalar_prefetch = 0 : i64, scratch_operands = 8 : i64, tpu.core_type = #tpu.core_type<sc_vector_subcore>, window_params = [{transform_indices = #map}, {transform_indices = #map1}, {transform_indices = #map}, {transform_indices = #map1}]} {
    %mul3A = arith.constant 2 : i32
    %mul3A_0 = arith.muli %arg1, %mul3A : i32
    %add3A = arith.addi %mul3A_0, %arg0 : i32
    %mul3A_1 = arith.constant 1000 : i32
    %mul3A_2 = arith.muli %arg1, %mul3A_1 : i32
    %lt3A = arith.constant 10 : i32
    %lt3A_3 = arith.cmpi slt, %arg1, %lt3A : i32
    %convert_element_type3A = arith.extui %lt3A_3 : i1 to i32
    %cond3A = arith.constant 0 : i32
    %cond3A_4 = arith.cmpi ne, %convert_element_type3A, %cond3A : i32
    scf.if %cond3A_4 {
      "tpu.region"() ({
        %run_scoped3A = tpu.sem_alloc : memref<!tpu.dma_semaphore, #tpu.memory_space<semaphore_mem>>
        %dma_start3A_142 = arith.constant 0 : i32
        %dma_start3A_143 = tpu.memref_slice %arg13[%mul3A_2, %dma_start3A_142] : memref<10000x128xf32, #tpu.memory_space<vmem_shared>> -> memref<1000x128xf32, #tpu.memory_space<vmem_shared>>
        tpu.enqueue_dma source(%arg4 : memref<1000x128xf32, #tpu.memory_space<hbm>>) target(%dma_start3A_143 : memref<1000x128xf32, #tpu.memory_space<vmem_shared>>) target_semaphore(%run_scoped3A : memref<!tpu.dma_semaphore, #tpu.memory_space<semaphore_mem>>)
        %dma_wait3A_144 = arith.constant 0 : i32
        %dma_wait3A_145 = tpu.memref_slice %arg13[%mul3A_2, %dma_wait3A_144] : memref<10000x128xf32, #tpu.memory_space<vmem_shared>> -> memref<1000x128xf32, #tpu.memory_space<vmem_shared>>
        tpu.wait_dma2 semaphore(%run_scoped3A : memref<!tpu.dma_semaphore, #tpu.memory_space<semaphore_mem>>) src(%arg4 : memref<1000x128xf32, #tpu.memory_space<hbm>>) dst(%dma_wait3A_145 : memref<1000x128xf32, #tpu.memory_space<vmem_shared>>)
        tpu.yield
      }) : () -> ()
    } else {
    }
    "tpu.region"() ({
      %run_scoped3A = tpu.sem_alloc : memref<!tpu.dma_semaphore, #tpu.memory_space<semaphore_mem>>
      %dma_start3A_142 = arith.constant 0 : i32
      %dma_start3A_143 = arith.constant 0 : i32
      %dma_start3A_144 = tpu.memref_slice %arg3[%add3A, %dma_start3A_142, %dma_start3A_143] : memref<32x125x80xi32, #tpu.memory_space<hbm>> -> memref<1x125x80xi32, #tpu.memory_space<hbm>>
      %dma_start3A_145 = tpu.memref_squeeze %dma_start3A_144 : memref<1x125x80xi32, #tpu.memory_space<hbm>> -> memref<125x80xi32, #tpu.memory_space<hbm>>
      %dma_start3A_146 = arith.constant 0 : i32
      %dma_start3A_147 = arith.constant 0 : i32
      %dma_start3A_148 = tpu.memref_slice %arg3[%add3A, %dma_start3A_146, %dma_start3A_147] : memref<32x125x80xi32, #tpu.memory_space<hbm>> -> memref<1x125x80xi32, #tpu.memory_space<hbm>>
      %dma_start3A_149 = tpu.memref_squeeze %dma_start3A_148 : memref<1x125x80xi32, #tpu.memory_space<hbm>> -> memref<125x80xi32, #tpu.memory_space<hbm>>
      tpu.enqueue_dma source(%dma_start3A_149 : memref<125x80xi32, #tpu.memory_space<hbm>>) target(%arg6 : memref<125x80xi32, #tpu.memory_space<vmem>>) target_semaphore(%run_scoped3A : memref<!tpu.dma_semaphore, #tpu.memory_space<semaphore_mem>>)
      %dma_wait3A_150 = arith.constant 0 : i32
      %dma_wait3A_151 = arith.constant 0 : i32
      %dma_wait3A_152 = tpu.memref_slice %arg3[%add3A, %dma_wait3A_150, %dma_wait3A_151] : memref<32x125x80xi32, #tpu.memory_space<hbm>> -> memref<1x125x80xi32, #tpu.memory_space<hbm>>
      %dma_wait3A_153 = tpu.memref_squeeze %dma_wait3A_152 : memref<1x125x80xi32, #tpu.memory_space<hbm>> -> memref<125x80xi32, #tpu.memory_space<hbm>>
      %dma_wait3A_154 = arith.constant 0 : i32
      %dma_wait3A_155 = arith.constant 0 : i32
      %dma_wait3A_156 = tpu.memref_slice %arg3[%add3A, %dma_wait3A_154, %dma_wait3A_155] : memref<32x125x80xi32, #tpu.memory_space<hbm>> -> memref<1x125x80xi32, #tpu.memory_space<hbm>>
      %dma_wait3A_157 = tpu.memref_squeeze %dma_wait3A_156 : memref<1x125x80xi32, #tpu.memory_space<hbm>> -> memref<125x80xi32, #tpu.memory_space<hbm>>
      tpu.wait_dma2 semaphore(%run_scoped3A : memref<!tpu.dma_semaphore, #tpu.memory_space<semaphore_mem>>) src(%dma_wait3A_157 : memref<125x80xi32, #tpu.memory_space<hbm>>) dst(%arg6 : memref<125x80xi32, #tpu.memory_space<vmem>>)
      tpu.yield
    }) : () -> ()
    "tpu.region"() ({
      %run_scoped3A = tpu.sem_alloc : memref<!tpu.dma_semaphore, #tpu.memory_space<semaphore_mem>>
      %dma_start3A_142 = arith.constant 0 : i32
      %dma_start3A_143 = arith.constant 0 : i32
      %dma_start3A_144 = tpu.memref_slice %arg4[%dma_start3A_142, %dma_start3A_143] : memref<1000x128xf32, #tpu.memory_space<hbm>> -> memref<80x128xf32, #tpu.memory_space<hbm>>
      %dma_start3A_145 = arith.constant 0 : i32
      %dma_start3A_146 = arith.constant 0 : i32
      %dma_start3A_147 = tpu.memref_slice %arg4[%dma_start3A_145, %dma_start3A_146] : memref<1000x128xf32, #tpu.memory_space<hbm>> -> memref<80x128xf32, #tpu.memory_space<hbm>>
      tpu.enqueue_dma source(%dma_start3A_147 : memref<80x128xf32, #tpu.memory_space<hbm>>) target(%arg9 : memref<80x128xf32, #tpu.memory_space<vmem>>) target_semaphore(%run_scoped3A : memref<!tpu.dma_semaphore, #tpu.memory_space<semaphore_mem>>)
      %dma_wait3A_148 = arith.constant 0 : i32
      %dma_wait3A_149 = arith.constant 0 : i32
      %dma_wait3A_150 = tpu.memref_slice %arg4[%dma_wait3A_148, %dma_wait3A_149] : memref<1000x128xf32, #tpu.memory_space<hbm>> -> memref<80x128xf32, #tpu.memory_space<hbm>>
      %dma_wait3A_151 = arith.constant 0 : i32
      %dma_wait3A_152 = arith.constant 0 : i32
      %dma_wait3A_153 = tpu.memref_slice %arg4[%dma_wait3A_151, %dma_wait3A_152] : memref<1000x128xf32, #tpu.memory_space<hbm>> -> memref<80x128xf32, #tpu.memory_space<hbm>>
      tpu.wait_dma2 semaphore(%run_scoped3A : memref<!tpu.dma_semaphore, #tpu.memory_space<semaphore_mem>>) src(%dma_wait3A_153 : memref<80x128xf32, #tpu.memory_space<hbm>>) dst(%arg9 : memref<80x128xf32, #tpu.memory_space<vmem>>)
      tpu.yield
    }) : () -> ()
    %iota3A = tpu.iota {dimensions = array<i32: 0>} : vector<16xi32>
    %eq3A = arith.constant 0 : i32
    %eq3A_5 = vector.broadcast %eq3A : i32 to vector<16xi32>
    %eq3A_6 = arith.cmpi eq, %iota3A, %eq3A_5 : vector<16xi32>
    %jit3A = arith.constant 1.000000e+00 : f32
    %jit3A_7 = arith.constant 0.000000e+00 : f32
    %broadcast_in_dim3A = vector.broadcast %jit3A : f32 to vector<16xf32>
    %broadcast_in_dim3A_8 = vector.broadcast %jit3A_7 : f32 to vector<16xf32>
    %select_n3A = arith.select %eq3A_6, %broadcast_in_dim3A, %broadcast_in_dim3A_8 : vector<16xi1>, vector<16xf32>
    %scan3A = arith.constant 0 : i32
    %scan3A_9 = arith.constant 0 : i32
    %scan3A_10 = arith.constant 80 : i32
    %scan3A_11 = arith.addi %scan3A_9, %scan3A_10 : i32
    %scan3A_12 = arith.constant 1 : i32
    scf.for %scan3A_142 = %scan3A_9 to %scan3A_11 step %scan3A_12  : i32 {
      %swap3A = arith.index_cast %scan3A_142 : i32 to index
      %swap3A_143 = arith.constant 16 : index
      %swap3A_144 = tpu.vector_load %arg9[%swap3A, %swap3A_143] {strides = array<i32>} : memref<80x128xf32, #tpu.memory_space<vmem>>, vector<1x16xf32>,
      %swap3A_145 = vector.shape_cast %swap3A_144 : vector<1x16xf32> to vector<16xf32>
      %swap3A_146 = vector.shape_cast %select_n3A : vector<16xf32> to vector<1x16xf32>
      tpu.vector_store %arg9[%swap3A, %swap3A_143], %swap3A_146 {strides = array<i32>} : memref<80x128xf32, #tpu.memory_space<vmem>>, vector<1x16xf32>,
    }
    %scan3A_13 = arith.constant 80 : i32
    %barrier3A = arith.constant 0 : index
    tpu.barrier barrier_id(%barrier3A)
    %mul3A_14 = arith.constant 10000 : i32
    %mul3A_15 = arith.muli %add3A, %mul3A_14 : i32
    %add3A_16 = arith.constant 0 : i32
    %add3A_17 = arith.addi %mul3A_15, %add3A_16 : i32
    %dma_start3A = arith.constant 0 : i32
    %dma_start3A_18 = tpu.memref_slice %arg2[%add3A_17, %dma_start3A] : memref<320000x16xf32, #tpu.memory_space<hbm>> -> memref<80x16xf32, #tpu.memory_space<hbm>>
    %dma_start3A_19 = arith.constant 0 : i32
    %dma_start3A_20 = tpu.memref_slice %arg2[%add3A_17, %dma_start3A_19] : memref<320000x16xf32, #tpu.memory_space<hbm>> -> memref<80x16xf32, #tpu.memory_space<hbm>>
    tpu.enqueue_dma source(%dma_start3A_20 : memref<80x16xf32, #tpu.memory_space<hbm>>) target(%arg7 : memref<80x16xf32, #tpu.memory_space<vmem>>) target_semaphore(%arg10 : memref<!tpu.dma_semaphore, #tpu.memory_space<semaphore_mem>>)
    %mul3A_21 = arith.constant 10000 : i32
    %mul3A_22 = arith.muli %add3A, %mul3A_21 : i32
    %add3A_23 = arith.constant 80 : i32
    %add3A_24 = arith.addi %mul3A_22, %add3A_23 : i32
    %dma_start3A_25 = arith.constant 0 : i32
    %dma_start3A_26 = tpu.memref_slice %arg2[%add3A_24, %dma_start3A_25] : memref<320000x16xf32, #tpu.memory_space<hbm>> -> memref<80x16xf32, #tpu.memory_space<hbm>>
    %dma_start3A_27 = arith.constant 0 : i32
    %dma_start3A_28 = tpu.memref_slice %arg2[%add3A_24, %dma_start3A_27] : memref<320000x16xf32, #tpu.memory_space<hbm>> -> memref<80x16xf32, #tpu.memory_space<hbm>>
    tpu.enqueue_dma source(%dma_start3A_28 : memref<80x16xf32, #tpu.memory_space<hbm>>) target(%arg8 : memref<80x16xf32, #tpu.memory_space<vmem>>) target_semaphore(%arg11 : memref<!tpu.dma_semaphore, #tpu.memory_space<semaphore_mem>>)
    %dma_wait3A = arith.constant 0 : i32
    %dma_wait3A_29 = arith.constant 0 : i32
    %dma_wait3A_30 = tpu.memref_slice %arg2[%dma_wait3A, %dma_wait3A_29] : memref<320000x16xf32, #tpu.memory_space<hbm>> -> memref<80x16xf32, #tpu.memory_space<hbm>>
    %dma_wait3A_31 = arith.constant 0 : i32
    %dma_wait3A_32 = arith.constant 0 : i32
    %dma_wait3A_33 = tpu.memref_slice %arg2[%dma_wait3A_31, %dma_wait3A_32] : memref<320000x16xf32, #tpu.memory_space<hbm>> -> memref<80x16xf32, #tpu.memory_space<hbm>>
    tpu.wait_dma2 semaphore(%arg10 : memref<!tpu.dma_semaphore, #tpu.memory_space<semaphore_mem>>) src(%dma_wait3A_33 : memref<80x16xf32, #tpu.memory_space<hbm>>) dst(%arg7 : memref<80x16xf32, #tpu.memory_space<vmem>>)
    %scan3A_34 = arith.constant 0 : i32
    %scan3A_35 = arith.constant 0 : i32
    %scan3A_36 = arith.constant 80 : i32
    %scan3A_37 = arith.addi %scan3A_35, %scan3A_36 : i32
    %scan3A_38 = arith.constant 1 : i32
    scf.for %scan3A_142 = %scan3A_35 to %scan3A_37 step %scan3A_38  : i32 {
      %get3A = arith.index_cast %scan3A_142 : i32 to index
      %get3A_143 = arith.constant 0 : index
      %get3A_144 = tpu.vector_load %arg7[%get3A, %get3A_143] {strides = array<i32>} : memref<80x16xf32, #tpu.memory_space<vmem>>, vector<1x16xf32>,
      %get3A_145 = vector.shape_cast %get3A_144 : vector<1x16xf32> to vector<16xf32>
      %swap3A = arith.index_cast %scan3A_142 : i32 to index
      %swap3A_146 = arith.constant 0 : index
      %swap3A_147 = tpu.vector_load %arg9[%swap3A, %swap3A_146] {strides = array<i32>} : memref<80x128xf32, #tpu.memory_space<vmem>>, vector<1x16xf32>,
      %swap3A_148 = vector.shape_cast %swap3A_147 : vector<1x16xf32> to vector<16xf32>
      %swap3A_149 = vector.shape_cast %get3A_145 : vector<16xf32> to vector<1x16xf32>
      tpu.vector_store %arg9[%swap3A, %swap3A_146], %swap3A_149 {strides = array<i32>} : memref<80x128xf32, #tpu.memory_space<vmem>>, vector<1x16xf32>,
    }
    %scan3A_39 = arith.constant 80 : i32
    %add3A_40 = arith.constant 0 : i32
    %add3A_41 = arith.constant 2 : i32
    %add3A_42 = arith.addi %add3A_40, %add3A_41 : i32
    %lt3A_43 = arith.constant 125 : i32
    %lt3A_44 = arith.cmpi slt, %add3A_42, %lt3A_43 : i32
    %convert_element_type3A_45 = arith.extui %lt3A_44 : i1 to i32
    %cond3A_46 = arith.constant 0 : i32
    %cond3A_47 = arith.cmpi ne, %convert_element_type3A_45, %cond3A_46 : i32
    scf.if %cond3A_47 {
      %add3A_142 = arith.constant 0 : i32
      %add3A_143 = arith.constant 2 : i32
      %add3A_144 = arith.addi %add3A_142, %add3A_143 : i32
      %mul3A_145 = arith.constant 10000 : i32
      %mul3A_146 = arith.muli %add3A, %mul3A_145 : i32
      %mul3A_147 = arith.constant 80 : i32
      %mul3A_148 = arith.muli %add3A_144, %mul3A_147 : i32
      %add3A_149 = arith.addi %mul3A_146, %mul3A_148 : i32
      %dma_start3A_150 = arith.constant 0 : i32
      %dma_start3A_151 = tpu.memref_slice %arg2[%add3A_149, %dma_start3A_150] : memref<320000x16xf32, #tpu.memory_space<hbm>> -> memref<80x16xf32, #tpu.memory_space<hbm>>
      %dma_start3A_152 = arith.constant 0 : i32
      %dma_start3A_153 = tpu.memref_slice %arg2[%add3A_149, %dma_start3A_152] : memref<320000x16xf32, #tpu.memory_space<hbm>> -> memref<80x16xf32, #tpu.memory_space<hbm>>
      tpu.enqueue_dma source(%dma_start3A_153 : memref<80x16xf32, #tpu.memory_space<hbm>>) target(%arg7 : memref<80x16xf32, #tpu.memory_space<vmem>>) target_semaphore(%arg10 : memref<!tpu.dma_semaphore, #tpu.memory_space<semaphore_mem>>)
    } else {
    }
    %dma_start3A_48 = arith.constant 0 : i32
    %dma_start3A_49 = arith.constant 0 : i32
    %dma_start3A_50 = tpu.memref_slice %arg6[%dma_start3A_48, %dma_start3A_49] : memref<125x80xi32, #tpu.memory_space<vmem>> -> memref<1x80xi32, #tpu.memory_space<vmem>>
    %dma_start3A_51 = tpu.memref_squeeze %dma_start3A_50 : memref<1x80xi32, #tpu.memory_space<vmem>> -> memref<80xi32, #tpu.memory_space<vmem>>
    %dma_start3A_52 = arith.constant 0 : i32
    %dma_start3A_53 = arith.constant 0 : i32
    %dma_start3A_54 = tpu.memref_slice %arg13[%dma_start3A_52, %dma_start3A_53] : memref<10000x128xf32, #tpu.memory_space<vmem_shared>> -> memref<10000x128xf32, #tpu.memory_space<vmem_shared>>
    tpu.enqueue_indirect_dma source(%arg9 : memref<80x128xf32, #tpu.memory_space<vmem>>) target(%dma_start3A_54 : memref<10000x128xf32, #tpu.memory_space<vmem_shared>>) offsets(%dma_start3A_51 : memref<80xi32, #tpu.memory_space<vmem>>) semaphore(%arg12 : memref<!tpu.dma_semaphore, #tpu.memory_space<semaphore_mem>>) {add = true}
    %dma_wait3A_55 = arith.constant 0 : i32
    %dma_wait3A_56 = arith.constant 0 : i32
    %dma_wait3A_57 = tpu.memref_slice %arg2[%dma_wait3A_55, %dma_wait3A_56] : memref<320000x16xf32, #tpu.memory_space<hbm>> -> memref<80x16xf32, #tpu.memory_space<hbm>>
    %dma_wait3A_58 = arith.constant 0 : i32
    %dma_wait3A_59 = arith.constant 0 : i32
    %dma_wait3A_60 = tpu.memref_slice %arg2[%dma_wait3A_58, %dma_wait3A_59] : memref<320000x16xf32, #tpu.memory_space<hbm>> -> memref<80x16xf32, #tpu.memory_space<hbm>>
    tpu.wait_dma2 semaphore(%arg11 : memref<!tpu.dma_semaphore, #tpu.memory_space<semaphore_mem>>) src(%dma_wait3A_60 : memref<80x16xf32, #tpu.memory_space<hbm>>) dst(%arg8 : memref<80x16xf32, #tpu.memory_space<vmem>>)
    %dma_wait3A_61 = arith.constant 0 : i32
    %dma_wait3A_62 = arith.constant 0 : i32
    %dma_wait3A_63 = tpu.memref_slice %arg6[%dma_wait3A_61, %dma_wait3A_62] : memref<125x80xi32, #tpu.memory_space<vmem>> -> memref<1x80xi32, #tpu.memory_space<vmem>>
    %dma_wait3A_64 = tpu.memref_squeeze %dma_wait3A_63 : memref<1x80xi32, #tpu.memory_space<vmem>> -> memref<80xi32, #tpu.memory_space<vmem>>
    %dma_wait3A_65 = arith.constant 0 : i32
    %dma_wait3A_66 = arith.constant 0 : i32
    %dma_wait3A_67 = tpu.memref_slice %arg13[%dma_wait3A_65, %dma_wait3A_66] : memref<10000x128xf32, #tpu.memory_space<vmem_shared>> -> memref<10000x128xf32, #tpu.memory_space<vmem_shared>>
    tpu.wait_indirect_dma semaphore(%arg12 : memref<!tpu.dma_semaphore, #tpu.memory_space<semaphore_mem>>) src(%arg9 : memref<80x128xf32, #tpu.memory_space<vmem>>) dst(%dma_wait3A_67 : memref<10000x128xf32, #tpu.memory_space<vmem_shared>>)
    %scan3A_68 = arith.constant 0 : i32
    %scan3A_69 = arith.constant 0 : i32
    %scan3A_70 = arith.constant 80 : i32
    %scan3A_71 = arith.addi %scan3A_69, %scan3A_70 : i32
    %scan3A_72 = arith.constant 1 : i32
    scf.for %scan3A_142 = %scan3A_69 to %scan3A_71 step %scan3A_72  : i32 {
      %get3A = arith.index_cast %scan3A_142 : i32 to index
      %get3A_143 = arith.constant 0 : index
      %get3A_144 = tpu.vector_load %arg8[%get3A, %get3A_143] {strides = array<i32>} : memref<80x16xf32, #tpu.memory_space<vmem>>, vector<1x16xf32>,
      %get3A_145 = vector.shape_cast %get3A_144 : vector<1x16xf32> to vector<16xf32>
      %swap3A = arith.index_cast %scan3A_142 : i32 to index
      %swap3A_146 = arith.constant 0 : index
      %swap3A_147 = tpu.vector_load %arg9[%swap3A, %swap3A_146] {strides = array<i32>} : memref<80x128xf32, #tpu.memory_space<vmem>>, vector<1x16xf32>,
      %swap3A_148 = vector.shape_cast %swap3A_147 : vector<1x16xf32> to vector<16xf32>
      %swap3A_149 = vector.shape_cast %get3A_145 : vector<16xf32> to vector<1x16xf32>
      tpu.vector_store %arg9[%swap3A, %swap3A_146], %swap3A_149 {strides = array<i32>} : memref<80x128xf32, #tpu.memory_space<vmem>>, vector<1x16xf32>,
    }
    %scan3A_73 = arith.constant 80 : i32
    %add3A_74 = arith.constant 1 : i32
    %add3A_75 = arith.constant 2 : i32
    %add3A_76 = arith.addi %add3A_74, %add3A_75 : i32
    %lt3A_77 = arith.constant 125 : i32
    %lt3A_78 = arith.cmpi slt, %add3A_76, %lt3A_77 : i32
    %convert_element_type3A_79 = arith.extui %lt3A_78 : i1 to i32
    %cond3A_80 = arith.constant 0 : i32
    %cond3A_81 = arith.cmpi ne, %convert_element_type3A_79, %cond3A_80 : i32
    scf.if %cond3A_81 {
      %add3A_142 = arith.constant 1 : i32
      %add3A_143 = arith.constant 2 : i32
      %add3A_144 = arith.addi %add3A_142, %add3A_143 : i32
      %mul3A_145 = arith.constant 10000 : i32
      %mul3A_146 = arith.muli %add3A, %mul3A_145 : i32
      %mul3A_147 = arith.constant 80 : i32
      %mul3A_148 = arith.muli %add3A_144, %mul3A_147 : i32
      %add3A_149 = arith.addi %mul3A_146, %mul3A_148 : i32
      %dma_start3A_150 = arith.constant 0 : i32
      %dma_start3A_151 = tpu.memref_slice %arg2[%add3A_149, %dma_start3A_150] : memref<320000x16xf32, #tpu.memory_space<hbm>> -> memref<80x16xf32, #tpu.memory_space<hbm>>
      %dma_start3A_152 = arith.constant 0 : i32
      %dma_start3A_153 = tpu.memref_slice %arg2[%add3A_149, %dma_start3A_152] : memref<320000x16xf32, #tpu.memory_space<hbm>> -> memref<80x16xf32, #tpu.memory_space<hbm>>
      tpu.enqueue_dma source(%dma_start3A_153 : memref<80x16xf32, #tpu.memory_space<hbm>>) target(%arg8 : memref<80x16xf32, #tpu.memory_space<vmem>>) target_semaphore(%arg11 : memref<!tpu.dma_semaphore, #tpu.memory_space<semaphore_mem>>)
    } else {
    }
    %dma_start3A_82 = arith.constant 1 : i32
    %dma_start3A_83 = arith.constant 0 : i32
    %dma_start3A_84 = tpu.memref_slice %arg6[%dma_start3A_82, %dma_start3A_83] : memref<125x80xi32, #tpu.memory_space<vmem>> -> memref<1x80xi32, #tpu.memory_space<vmem>>
    %dma_start3A_85 = tpu.memref_squeeze %dma_start3A_84 : memref<1x80xi32, #tpu.memory_space<vmem>> -> memref<80xi32, #tpu.memory_space<vmem>>
    %dma_start3A_86 = arith.constant 0 : i32
    %dma_start3A_87 = arith.constant 0 : i32
    %dma_start3A_88 = tpu.memref_slice %arg13[%dma_start3A_86, %dma_start3A_87] : memref<10000x128xf32, #tpu.memory_space<vmem_shared>> -> memref<10000x128xf32, #tpu.memory_space<vmem_shared>>
    tpu.enqueue_indirect_dma source(%arg9 : memref<80x128xf32, #tpu.memory_space<vmem>>) target(%dma_start3A_88 : memref<10000x128xf32, #tpu.memory_space<vmem_shared>>) offsets(%dma_start3A_85 : memref<80xi32, #tpu.memory_space<vmem>>) semaphore(%arg12 : memref<!tpu.dma_semaphore, #tpu.memory_space<semaphore_mem>>) {add = true}
    %scan3A_89 = arith.constant 0 : i32
    %scan3A_90 = arith.constant 1 : i32
    %scan3A_91 = arith.constant 61 : i32
    %scan3A_92 = arith.addi %scan3A_90, %scan3A_91 : i32
    %scan3A_93 = arith.constant 1 : i32
    scf.for %scan3A_142 = %scan3A_90 to %scan3A_92 step %scan3A_93  : i32 {
      %mul3A_143 = arith.constant 2 : i32
      %mul3A_144 = arith.muli %mul3A_143, %scan3A_142 : i32
      %dma_wait3A_145 = arith.constant 0 : i32
      %dma_wait3A_146 = arith.constant 0 : i32
      %dma_wait3A_147 = tpu.memref_slice %arg2[%dma_wait3A_145, %dma_wait3A_146] : memref<320000x16xf32, #tpu.memory_space<hbm>> -> memref<80x16xf32, #tpu.memory_space<hbm>>
      %dma_wait3A_148 = arith.constant 0 : i32
      %dma_wait3A_149 = arith.constant 0 : i32
      %dma_wait3A_150 = tpu.memref_slice %arg2[%dma_wait3A_148, %dma_wait3A_149] : memref<320000x16xf32, #tpu.memory_space<hbm>> -> memref<80x16xf32, #tpu.memory_space<hbm>>
      tpu.wait_dma2 semaphore(%arg10 : memref<!tpu.dma_semaphore, #tpu.memory_space<semaphore_mem>>) src(%dma_wait3A_150 : memref<80x16xf32, #tpu.memory_space<hbm>>) dst(%arg7 : memref<80x16xf32, #tpu.memory_space<vmem>>)
      %dma_wait3A_151 = arith.constant 0 : i32
      %dma_wait3A_152 = arith.constant 0 : i32
      %dma_wait3A_153 = tpu.memref_slice %arg6[%dma_wait3A_151, %dma_wait3A_152] : memref<125x80xi32, #tpu.memory_space<vmem>> -> memref<1x80xi32, #tpu.memory_space<vmem>>
      %dma_wait3A_154 = tpu.memref_squeeze %dma_wait3A_153 : memref<1x80xi32, #tpu.memory_space<vmem>> -> memref<80xi32, #tpu.memory_space<vmem>>
      %dma_wait3A_155 = arith.constant 0 : i32
      %dma_wait3A_156 = arith.constant 0 : i32
      %dma_wait3A_157 = tpu.memref_slice %arg13[%dma_wait3A_155, %dma_wait3A_156] : memref<10000x128xf32, #tpu.memory_space<vmem_shared>> -> memref<10000x128xf32, #tpu.memory_space<vmem_shared>>
      tpu.wait_indirect_dma semaphore(%arg12 : memref<!tpu.dma_semaphore, #tpu.memory_space<semaphore_mem>>) src(%arg9 : memref<80x128xf32, #tpu.memory_space<vmem>>) dst(%dma_wait3A_157 : memref<10000x128xf32, #tpu.memory_space<vmem_shared>>)
      %scan3A_158 = arith.constant 0 : i32
      %scan3A_159 = arith.constant 0 : i32
      %scan3A_160 = arith.constant 80 : i32
      %scan3A_161 = arith.addi %scan3A_159, %scan3A_160 : i32
      %scan3A_162 = arith.constant 1 : i32
      scf.for %scan3A_213 = %scan3A_159 to %scan3A_161 step %scan3A_162  : i32 {
        %get3A = arith.index_cast %scan3A_213 : i32 to index
        %get3A_214 = arith.constant 0 : index
        %get3A_215 = tpu.vector_load %arg7[%get3A, %get3A_214] {strides = array<i32>} : memref<80x16xf32, #tpu.memory_space<vmem>>, vector<1x16xf32>,
        %get3A_216 = vector.shape_cast %get3A_215 : vector<1x16xf32> to vector<16xf32>
        %swap3A = arith.index_cast %scan3A_213 : i32 to index
        %swap3A_217 = arith.constant 0 : index
        %swap3A_218 = tpu.vector_load %arg9[%swap3A, %swap3A_217] {strides = array<i32>} : memref<80x128xf32, #tpu.memory_space<vmem>>, vector<1x16xf32>,
        %swap3A_219 = vector.shape_cast %swap3A_218 : vector<1x16xf32> to vector<16xf32>
        %swap3A_220 = vector.shape_cast %get3A_216 : vector<16xf32> to vector<1x16xf32>
        tpu.vector_store %arg9[%swap3A, %swap3A_217], %swap3A_220 {strides = array<i32>} : memref<80x128xf32, #tpu.memory_space<vmem>>, vector<1x16xf32>,
      }
      %scan3A_163 = arith.constant 80 : i32
      %add3A_164 = arith.constant 2 : i32
      %add3A_165 = arith.addi %mul3A_144, %add3A_164 : i32
      %lt3A_166 = arith.constant 125 : i32
      %lt3A_167 = arith.cmpi slt, %add3A_165, %lt3A_166 : i32
      %convert_element_type3A_168 = arith.extui %lt3A_167 : i1 to i32
      %cond3A_169 = arith.constant 0 : i32
      %cond3A_170 = arith.cmpi ne, %convert_element_type3A_168, %cond3A_169 : i32
      scf.if %cond3A_170 {
        %add3A_213 = arith.constant 2 : i32
        %add3A_214 = arith.addi %mul3A_144, %add3A_213 : i32
        %mul3A_215 = arith.constant 10000 : i32
        %mul3A_216 = arith.muli %add3A, %mul3A_215 : i32
        %mul3A_217 = arith.constant 80 : i32
        %mul3A_218 = arith.muli %add3A_214, %mul3A_217 : i32
        %add3A_219 = arith.addi %mul3A_216, %mul3A_218 : i32
        %dma_start3A_220 = arith.constant 0 : i32
        %dma_start3A_221 = tpu.memref_slice %arg2[%add3A_219, %dma_start3A_220] : memref<320000x16xf32, #tpu.memory_space<hbm>> -> memref<80x16xf32, #tpu.memory_space<hbm>>
        %dma_start3A_222 = arith.constant 0 : i32
        %dma_start3A_223 = tpu.memref_slice %arg2[%add3A_219, %dma_start3A_222] : memref<320000x16xf32, #tpu.memory_space<hbm>> -> memref<80x16xf32, #tpu.memory_space<hbm>>
        tpu.enqueue_dma source(%dma_start3A_223 : memref<80x16xf32, #tpu.memory_space<hbm>>) target(%arg7 : memref<80x16xf32, #tpu.memory_space<vmem>>) target_semaphore(%arg10 : memref<!tpu.dma_semaphore, #tpu.memory_space<semaphore_mem>>)
      } else {
      }
      %dma_start3A_171 = arith.constant 0 : i32
      %dma_start3A_172 = tpu.memref_slice %arg6[%mul3A_144, %dma_start3A_171] : memref<125x80xi32, #tpu.memory_space<vmem>> -> memref<1x80xi32, #tpu.memory_space<vmem>>
      %dma_start3A_173 = tpu.memref_squeeze %dma_start3A_172 : memref<1x80xi32, #tpu.memory_space<vmem>> -> memref<80xi32, #tpu.memory_space<vmem>>
      %dma_start3A_174 = arith.constant 0 : i32
      %dma_start3A_175 = arith.constant 0 : i32
      %dma_start3A_176 = tpu.memref_slice %arg13[%dma_start3A_174, %dma_start3A_175] : memref<10000x128xf32, #tpu.memory_space<vmem_shared>> -> memref<10000x128xf32, #tpu.memory_space<vmem_shared>>
      tpu.enqueue_indirect_dma source(%arg9 : memref<80x128xf32, #tpu.memory_space<vmem>>) target(%dma_start3A_176 : memref<10000x128xf32, #tpu.memory_space<vmem_shared>>) offsets(%dma_start3A_173 : memref<80xi32, #tpu.memory_space<vmem>>) semaphore(%arg12 : memref<!tpu.dma_semaphore, #tpu.memory_space<semaphore_mem>>) {add = true}
      %mul3A_177 = arith.constant 2 : i32
      %mul3A_178 = arith.muli %mul3A_177, %scan3A_142 : i32
      %add3A_179 = arith.constant 1 : i32
      %add3A_180 = arith.addi %mul3A_178, %add3A_179 : i32
      %dma_wait3A_181 = arith.constant 0 : i32
      %dma_wait3A_182 = arith.constant 0 : i32
      %dma_wait3A_183 = tpu.memref_slice %arg2[%dma_wait3A_181, %dma_wait3A_182] : memref<320000x16xf32, #tpu.memory_space<hbm>> -> memref<80x16xf32, #tpu.memory_space<hbm>>
      %dma_wait3A_184 = arith.constant 0 : i32
      %dma_wait3A_185 = arith.constant 0 : i32
      %dma_wait3A_186 = tpu.memref_slice %arg2[%dma_wait3A_184, %dma_wait3A_185] : memref<320000x16xf32, #tpu.memory_space<hbm>> -> memref<80x16xf32, #tpu.memory_space<hbm>>
      tpu.wait_dma2 semaphore(%arg11 : memref<!tpu.dma_semaphore, #tpu.memory_space<semaphore_mem>>) src(%dma_wait3A_186 : memref<80x16xf32, #tpu.memory_space<hbm>>) dst(%arg8 : memref<80x16xf32, #tpu.memory_space<vmem>>)
      %dma_wait3A_187 = arith.constant 0 : i32
      %dma_wait3A_188 = arith.constant 0 : i32
      %dma_wait3A_189 = tpu.memref_slice %arg6[%dma_wait3A_187, %dma_wait3A_188] : memref<125x80xi32, #tpu.memory_space<vmem>> -> memref<1x80xi32, #tpu.memory_space<vmem>>
      %dma_wait3A_190 = tpu.memref_squeeze %dma_wait3A_189 : memref<1x80xi32, #tpu.memory_space<vmem>> -> memref<80xi32, #tpu.memory_space<vmem>>
      %dma_wait3A_191 = arith.constant 0 : i32
      %dma_wait3A_192 = arith.constant 0 : i32
      %dma_wait3A_193 = tpu.memref_slice %arg13[%dma_wait3A_191, %dma_wait3A_192] : memref<10000x128xf32, #tpu.memory_space<vmem_shared>> -> memref<10000x128xf32, #tpu.memory_space<vmem_shared>>
      tpu.wait_indirect_dma semaphore(%arg12 : memref<!tpu.dma_semaphore, #tpu.memory_space<semaphore_mem>>) src(%arg9 : memref<80x128xf32, #tpu.memory_space<vmem>>) dst(%dma_wait3A_193 : memref<10000x128xf32, #tpu.memory_space<vmem_shared>>)
      %scan3A_194 = arith.constant 0 : i32
      %scan3A_195 = arith.constant 0 : i32
      %scan3A_196 = arith.constant 80 : i32
      %scan3A_197 = arith.addi %scan3A_195, %scan3A_196 : i32
      %scan3A_198 = arith.constant 1 : i32
      scf.for %scan3A_213 = %scan3A_195 to %scan3A_197 step %scan3A_198  : i32 {
        %get3A = arith.index_cast %scan3A_213 : i32 to index
        %get3A_214 = arith.constant 0 : index
        %get3A_215 = tpu.vector_load %arg8[%get3A, %get3A_214] {strides = array<i32>} : memref<80x16xf32, #tpu.memory_space<vmem>>, vector<1x16xf32>,
        %get3A_216 = vector.shape_cast %get3A_215 : vector<1x16xf32> to vector<16xf32>
        %swap3A = arith.index_cast %scan3A_213 : i32 to index
        %swap3A_217 = arith.constant 0 : index
        %swap3A_218 = tpu.vector_load %arg9[%swap3A, %swap3A_217] {strides = array<i32>} : memref<80x128xf32, #tpu.memory_space<vmem>>, vector<1x16xf32>,
        %swap3A_219 = vector.shape_cast %swap3A_218 : vector<1x16xf32> to vector<16xf32>
        %swap3A_220 = vector.shape_cast %get3A_216 : vector<16xf32> to vector<1x16xf32>
        tpu.vector_store %arg9[%swap3A, %swap3A_217], %swap3A_220 {strides = array<i32>} : memref<80x128xf32, #tpu.memory_space<vmem>>, vector<1x16xf32>,
      }
      %scan3A_199 = arith.constant 80 : i32
      %add3A_200 = arith.constant 2 : i32
      %add3A_201 = arith.addi %add3A_180, %add3A_200 : i32
      %lt3A_202 = arith.constant 125 : i32
      %lt3A_203 = arith.cmpi slt, %add3A_201, %lt3A_202 : i32
      %convert_element_type3A_204 = arith.extui %lt3A_203 : i1 to i32
      %cond3A_205 = arith.constant 0 : i32
      %cond3A_206 = arith.cmpi ne, %convert_element_type3A_204, %cond3A_205 : i32
      scf.if %cond3A_206 {
        %add3A_213 = arith.constant 2 : i32
        %add3A_214 = arith.addi %add3A_180, %add3A_213 : i32
        %mul3A_215 = arith.constant 10000 : i32
        %mul3A_216 = arith.muli %add3A, %mul3A_215 : i32
        %mul3A_217 = arith.constant 80 : i32
        %mul3A_218 = arith.muli %add3A_214, %mul3A_217 : i32
        %add3A_219 = arith.addi %mul3A_216, %mul3A_218 : i32
        %dma_start3A_220 = arith.constant 0 : i32
        %dma_start3A_221 = tpu.memref_slice %arg2[%add3A_219, %dma_start3A_220] : memref<320000x16xf32, #tpu.memory_space<hbm>> -> memref<80x16xf32, #tpu.memory_space<hbm>>
        %dma_start3A_222 = arith.constant 0 : i32
        %dma_start3A_223 = tpu.memref_slice %arg2[%add3A_219, %dma_start3A_222] : memref<320000x16xf32, #tpu.memory_space<hbm>> -> memref<80x16xf32, #tpu.memory_space<hbm>>
        tpu.enqueue_dma source(%dma_start3A_223 : memref<80x16xf32, #tpu.memory_space<hbm>>) target(%arg8 : memref<80x16xf32, #tpu.memory_space<vmem>>) target_semaphore(%arg11 : memref<!tpu.dma_semaphore, #tpu.memory_space<semaphore_mem>>)
      } else {
      }
      %dma_start3A_207 = arith.constant 0 : i32
      %dma_start3A_208 = tpu.memref_slice %arg6[%add3A_180, %dma_start3A_207] : memref<125x80xi32, #tpu.memory_space<vmem>> -> memref<1x80xi32, #tpu.memory_space<vmem>>
      %dma_start3A_209 = tpu.memref_squeeze %dma_start3A_208 : memref<1x80xi32, #tpu.memory_space<vmem>> -> memref<80xi32, #tpu.memory_space<vmem>>
      %dma_start3A_210 = arith.constant 0 : i32
      %dma_start3A_211 = arith.constant 0 : i32
      %dma_start3A_212 = tpu.memref_slice %arg13[%dma_start3A_210, %dma_start3A_211] : memref<10000x128xf32, #tpu.memory_space<vmem_shared>> -> memref<10000x128xf32, #tpu.memory_space<vmem_shared>>
      tpu.enqueue_indirect_dma source(%arg9 : memref<80x128xf32, #tpu.memory_space<vmem>>) target(%dma_start3A_212 : memref<10000x128xf32, #tpu.memory_space<vmem_shared>>) offsets(%dma_start3A_209 : memref<80xi32, #tpu.memory_space<vmem>>) semaphore(%arg12 : memref<!tpu.dma_semaphore, #tpu.memory_space<semaphore_mem>>) {add = true}
    }
    %scan3A_94 = arith.constant 61 : i32
    %dma_wait3A_95 = arith.constant 0 : i32
    %dma_wait3A_96 = arith.constant 0 : i32
    %dma_wait3A_97 = tpu.memref_slice %arg2[%dma_wait3A_95, %dma_wait3A_96] : memref<320000x16xf32, #tpu.memory_space<hbm>> -> memref<80x16xf32, #tpu.memory_space<hbm>>
    %dma_wait3A_98 = arith.constant 0 : i32
    %dma_wait3A_99 = arith.constant 0 : i32
    %dma_wait3A_100 = tpu.memref_slice %arg2[%dma_wait3A_98, %dma_wait3A_99] : memref<320000x16xf32, #tpu.memory_space<hbm>> -> memref<80x16xf32, #tpu.memory_space<hbm>>
    tpu.wait_dma2 semaphore(%arg10 : memref<!tpu.dma_semaphore, #tpu.memory_space<semaphore_mem>>) src(%dma_wait3A_100 : memref<80x16xf32, #tpu.memory_space<hbm>>) dst(%arg7 : memref<80x16xf32, #tpu.memory_space<vmem>>)
    %dma_wait3A_101 = arith.constant 0 : i32
    %dma_wait3A_102 = arith.constant 0 : i32
    %dma_wait3A_103 = tpu.memref_slice %arg6[%dma_wait3A_101, %dma_wait3A_102] : memref<125x80xi32, #tpu.memory_space<vmem>> -> memref<1x80xi32, #tpu.memory_space<vmem>>
    %dma_wait3A_104 = tpu.memref_squeeze %dma_wait3A_103 : memref<1x80xi32, #tpu.memory_space<vmem>> -> memref<80xi32, #tpu.memory_space<vmem>>
    %dma_wait3A_105 = arith.constant 0 : i32
    %dma_wait3A_106 = arith.constant 0 : i32
    %dma_wait3A_107 = tpu.memref_slice %arg13[%dma_wait3A_105, %dma_wait3A_106] : memref<10000x128xf32, #tpu.memory_space<vmem_shared>> -> memref<10000x128xf32, #tpu.memory_space<vmem_shared>>
    tpu.wait_indirect_dma semaphore(%arg12 : memref<!tpu.dma_semaphore, #tpu.memory_space<semaphore_mem>>) src(%arg9 : memref<80x128xf32, #tpu.memory_space<vmem>>) dst(%dma_wait3A_107 : memref<10000x128xf32, #tpu.memory_space<vmem_shared>>)
    %scan3A_108 = arith.constant 0 : i32
    %scan3A_109 = arith.constant 0 : i32
    %scan3A_110 = arith.constant 80 : i32
    %scan3A_111 = arith.addi %scan3A_109, %scan3A_110 : i32
    %scan3A_112 = arith.constant 1 : i32
    scf.for %scan3A_142 = %scan3A_109 to %scan3A_111 step %scan3A_112  : i32 {
      %get3A = arith.index_cast %scan3A_142 : i32 to index
      %get3A_143 = arith.constant 0 : index
      %get3A_144 = tpu.vector_load %arg7[%get3A, %get3A_143] {strides = array<i32>} : memref<80x16xf32, #tpu.memory_space<vmem>>, vector<1x16xf32>,
      %get3A_145 = vector.shape_cast %get3A_144 : vector<1x16xf32> to vector<16xf32>
      %swap3A = arith.index_cast %scan3A_142 : i32 to index
      %swap3A_146 = arith.constant 0 : index
      %swap3A_147 = tpu.vector_load %arg9[%swap3A, %swap3A_146] {strides = array<i32>} : memref<80x128xf32, #tpu.memory_space<vmem>>, vector<1x16xf32>,
      %swap3A_148 = vector.shape_cast %swap3A_147 : vector<1x16xf32> to vector<16xf32>
      %swap3A_149 = vector.shape_cast %get3A_145 : vector<16xf32> to vector<1x16xf32>
      tpu.vector_store %arg9[%swap3A, %swap3A_146], %swap3A_149 {strides = array<i32>} : memref<80x128xf32, #tpu.memory_space<vmem>>, vector<1x16xf32>,
    }
    %scan3A_113 = arith.constant 80 : i32
    %add3A_114 = arith.constant 124 : i32
    %add3A_115 = arith.constant 2 : i32
    %add3A_116 = arith.addi %add3A_114, %add3A_115 : i32
    %lt3A_117 = arith.constant 125 : i32
    %lt3A_118 = arith.cmpi slt, %add3A_116, %lt3A_117 : i32
    %convert_element_type3A_119 = arith.extui %lt3A_118 : i1 to i32
    %cond3A_120 = arith.constant 0 : i32
    %cond3A_121 = arith.cmpi ne, %convert_element_type3A_119, %cond3A_120 : i32
    scf.if %cond3A_121 {
      %add3A_142 = arith.constant 124 : i32
      %add3A_143 = arith.constant 2 : i32
      %add3A_144 = arith.addi %add3A_142, %add3A_143 : i32
      %mul3A_145 = arith.constant 10000 : i32
      %mul3A_146 = arith.muli %add3A, %mul3A_145 : i32
      %mul3A_147 = arith.constant 80 : i32
      %mul3A_148 = arith.muli %add3A_144, %mul3A_147 : i32
      %add3A_149 = arith.addi %mul3A_146, %mul3A_148 : i32
      %dma_start3A_150 = arith.constant 0 : i32
      %dma_start3A_151 = tpu.memref_slice %arg2[%add3A_149, %dma_start3A_150] : memref<320000x16xf32, #tpu.memory_space<hbm>> -> memref<80x16xf32, #tpu.memory_space<hbm>>
      %dma_start3A_152 = arith.constant 0 : i32
      %dma_start3A_153 = tpu.memref_slice %arg2[%add3A_149, %dma_start3A_152] : memref<320000x16xf32, #tpu.memory_space<hbm>> -> memref<80x16xf32, #tpu.memory_space<hbm>>
      tpu.enqueue_dma source(%dma_start3A_153 : memref<80x16xf32, #tpu.memory_space<hbm>>) target(%arg7 : memref<80x16xf32, #tpu.memory_space<vmem>>) target_semaphore(%arg10 : memref<!tpu.dma_semaphore, #tpu.memory_space<semaphore_mem>>)
    } else {
    }
    %dma_start3A_122 = arith.constant 124 : i32
    %dma_start3A_123 = arith.constant 0 : i32
    %dma_start3A_124 = tpu.memref_slice %arg6[%dma_start3A_122, %dma_start3A_123] : memref<125x80xi32, #tpu.memory_space<vmem>> -> memref<1x80xi32, #tpu.memory_space<vmem>>
    %dma_start3A_125 = tpu.memref_squeeze %dma_start3A_124 : memref<1x80xi32, #tpu.memory_space<vmem>> -> memref<80xi32, #tpu.memory_space<vmem>>
    %dma_start3A_126 = arith.constant 0 : i32
    %dma_start3A_127 = arith.constant 0 : i32
    %dma_start3A_128 = tpu.memref_slice %arg13[%dma_start3A_126, %dma_start3A_127] : memref<10000x128xf32, #tpu.memory_space<vmem_shared>> -> memref<10000x128xf32, #tpu.memory_space<vmem_shared>>
    tpu.enqueue_indirect_dma source(%arg9 : memref<80x128xf32, #tpu.memory_space<vmem>>) target(%dma_start3A_128 : memref<10000x128xf32, #tpu.memory_space<vmem_shared>>) offsets(%dma_start3A_125 : memref<80xi32, #tpu.memory_space<vmem>>) semaphore(%arg12 : memref<!tpu.dma_semaphore, #tpu.memory_space<semaphore_mem>>) {add = true}
    %dma_wait3A_129 = arith.constant 0 : i32
    %dma_wait3A_130 = arith.constant 0 : i32
    %dma_wait3A_131 = tpu.memref_slice %arg6[%dma_wait3A_129, %dma_wait3A_130] : memref<125x80xi32, #tpu.memory_space<vmem>> -> memref<1x80xi32, #tpu.memory_space<vmem>>
    %dma_wait3A_132 = tpu.memref_squeeze %dma_wait3A_131 : memref<1x80xi32, #tpu.memory_space<vmem>> -> memref<80xi32, #tpu.memory_space<vmem>>
    %dma_wait3A_133 = arith.constant 0 : i32
    %dma_wait3A_134 = arith.constant 0 : i32
    %dma_wait3A_135 = tpu.memref_slice %arg13[%dma_wait3A_133, %dma_wait3A_134] : memref<10000x128xf32, #tpu.memory_space<vmem_shared>> -> memref<10000x128xf32, #tpu.memory_space<vmem_shared>>
    tpu.wait_indirect_dma semaphore(%arg12 : memref<!tpu.dma_semaphore, #tpu.memory_space<semaphore_mem>>) src(%arg9 : memref<80x128xf32, #tpu.memory_space<vmem>>) dst(%dma_wait3A_135 : memref<10000x128xf32, #tpu.memory_space<vmem_shared>>)
    %barrier3A_136 = arith.constant 0 : index
    tpu.barrier barrier_id(%barrier3A_136)
    %lt3A_137 = arith.constant 10 : i32
    %lt3A_138 = arith.cmpi slt, %arg1, %lt3A_137 : i32
    %convert_element_type3A_139 = arith.extui %lt3A_138 : i1 to i32
    %cond3A_140 = arith.constant 0 : i32
    %cond3A_141 = arith.cmpi ne, %convert_element_type3A_139, %cond3A_140 : i32
    scf.if %cond3A_141 {
      "tpu.region"() ({
        %run_scoped3A = tpu.sem_alloc : memref<!tpu.dma_semaphore, #tpu.memory_space<semaphore_mem>>
        %dma_start3A_142 = arith.constant 0 : i32
        %dma_start3A_143 = tpu.memref_slice %arg5[%arg0, %mul3A_2, %dma_start3A_142] : memref<2x10000x128xf32, #tpu.memory_space<hbm>> -> memref<1x1000x128xf32, #tpu.memory_space<hbm>>
        %dma_start3A_144 = tpu.memref_squeeze %dma_start3A_143 : memref<1x1000x128xf32, #tpu.memory_space<hbm>> -> memref<1000x128xf32, #tpu.memory_space<hbm>>
        %dma_start3A_145 = arith.constant 0 : i32
        %dma_start3A_146 = tpu.memref_slice %arg13[%mul3A_2, %dma_start3A_145] : memref<10000x128xf32, #tpu.memory_space<vmem_shared>> -> memref<1000x128xf32, #tpu.memory_space<vmem_shared>>
        tpu.enqueue_dma source(%dma_start3A_146 : memref<1000x128xf32, #tpu.memory_space<vmem_shared>>) target(%dma_start3A_144 : memref<1000x128xf32, #tpu.memory_space<hbm>>) target_semaphore(%run_scoped3A : memref<!tpu.dma_semaphore, #tpu.memory_space<semaphore_mem>>)
        %dma_wait3A_147 = arith.constant 0 : i32
        %dma_wait3A_148 = tpu.memref_slice %arg5[%arg0, %mul3A_2, %dma_wait3A_147] : memref<2x10000x128xf32, #tpu.memory_space<hbm>> -> memref<1x1000x128xf32, #tpu.memory_space<hbm>>
        %dma_wait3A_149 = tpu.memref_squeeze %dma_wait3A_148 : memref<1x1000x128xf32, #tpu.memory_space<hbm>> -> memref<1000x128xf32, #tpu.memory_space<hbm>>
        %dma_wait3A_150 = arith.constant 0 : i32
        %dma_wait3A_151 = tpu.memref_slice %arg13[%mul3A_2, %dma_wait3A_150] : memref<10000x128xf32, #tpu.memory_space<vmem_shared>> -> memref<1000x128xf32, #tpu.memory_space<vmem_shared>>
        tpu.wait_dma2 semaphore(%run_scoped3A : memref<!tpu.dma_semaphore, #tpu.memory_space<semaphore_mem>>) src(%dma_wait3A_151 : memref<1000x128xf32, #tpu.memory_space<vmem_shared>>) dst(%dma_wait3A_149 : memref<1000x128xf32, #tpu.memory_space<hbm>>)
        tpu.yield
      }) : () -> ()
    } else {
    }
    return
  }
}

#map = affine_map<(d0, d1) -> (0, 0)>
#map1 = affine_map<(d0, d1) -> (0, 0, 0)>
module attributes {stable_mosaic.version = 14 : i64} {
  func.func @gather_k(%arg0: i32, %arg1: i32, %arg2: memref<10000x128xf32, #tpu.memory_space<hbm>>, %arg3: memref<10000x128xf32, #tpu.memory_space<hbm>>, %arg4: memref<32x125x80xi32, #tpu.memory_space<hbm>>, %arg5: memref<32x125x80xi32, #tpu.memory_space<hbm>>, %arg6: memref<320000x128xf32, #tpu.memory_space<hbm>>, %arg7: memref<125x80xi32, #tpu.memory_space<vmem>>, %arg8: memref<125x80xi32, #tpu.memory_space<vmem>>, %arg9: memref<80x128xf32, #tpu.memory_space<vmem>>, %arg10: memref<80x128xf32, #tpu.memory_space<vmem>>, %arg11: memref<80x128xf32, #tpu.memory_space<vmem>>, %arg12: memref<80x128xf32, #tpu.memory_space<vmem>>, %arg13: memref<80x128xf32, #tpu.memory_space<vmem>>, %arg14: memref<80x128xf32, #tpu.memory_space<vmem>>, %arg15: memref<!tpu.dma_semaphore, #tpu.memory_space<semaphore_mem>>, %arg16: memref<!tpu.dma_semaphore, #tpu.memory_space<semaphore_mem>>, %arg17: memref<!tpu.dma_semaphore, #tpu.memory_space<semaphore_mem>>, %arg18: memref<!tpu.dma_semaphore, #tpu.memory_space<semaphore_mem>>, %arg19: memref<!tpu.dma_semaphore, #tpu.memory_space<semaphore_mem>>, %arg20: memref<!tpu.dma_semaphore, #tpu.memory_space<semaphore_mem>>) attributes {dimension_semantics = [#tpu.dimension_semantics<core_parallel>, #tpu.dimension_semantics<subcore_parallel>], iteration_bounds = array<i64: 2, 16>, scalar_prefetch = 0 : i64, scratch_operands = 14 : i64, tpu.core_type = #tpu.core_type<sc_vector_subcore>, window_params = [{transform_indices = #map}, {transform_indices = #map}, {transform_indices = #map1}, {transform_indices = #map1}, {transform_indices = #map}]} {
    %mul3A = arith.constant 2 : i32
    %mul3A_0 = arith.muli %arg1, %mul3A : i32
    %add3A = arith.addi %mul3A_0, %arg0 : i32
    "tpu.region"() ({
      %run_scoped3A = tpu.sem_alloc : memref<!tpu.dma_semaphore, #tpu.memory_space<semaphore_mem>>
      %dma_start3A_155 = arith.constant 0 : i32
      %dma_start3A_156 = arith.constant 0 : i32
      %dma_start3A_157 = tpu.memref_slice %arg4[%add3A, %dma_start3A_155, %dma_start3A_156] : memref<32x125x80xi32, #tpu.memory_space<hbm>> -> memref<1x125x80xi32, #tpu.memory_space<hbm>>
      %dma_start3A_158 = tpu.memref_squeeze %dma_start3A_157 : memref<1x125x80xi32, #tpu.memory_space<hbm>> -> memref<125x80xi32, #tpu.memory_space<hbm>>
      %dma_start3A_159 = arith.constant 0 : i32
      %dma_start3A_160 = arith.constant 0 : i32
      %dma_start3A_161 = tpu.memref_slice %arg4[%add3A, %dma_start3A_159, %dma_start3A_160] : memref<32x125x80xi32, #tpu.memory_space<hbm>> -> memref<1x125x80xi32, #tpu.memory_space<hbm>>
      %dma_start3A_162 = tpu.memref_squeeze %dma_start3A_161 : memref<1x125x80xi32, #tpu.memory_space<hbm>> -> memref<125x80xi32, #tpu.memory_space<hbm>>
      tpu.enqueue_dma source(%dma_start3A_162 : memref<125x80xi32, #tpu.memory_space<hbm>>) target(%arg7 : memref<125x80xi32, #tpu.memory_space<vmem>>) target_semaphore(%run_scoped3A : memref<!tpu.dma_semaphore, #tpu.memory_space<semaphore_mem>>)
      %dma_wait3A_163 = arith.constant 0 : i32
      %dma_wait3A_164 = arith.constant 0 : i32
      %dma_wait3A_165 = tpu.memref_slice %arg4[%add3A, %dma_wait3A_163, %dma_wait3A_164] : memref<32x125x80xi32, #tpu.memory_space<hbm>> -> memref<1x125x80xi32, #tpu.memory_space<hbm>>
      %dma_wait3A_166 = tpu.memref_squeeze %dma_wait3A_165 : memref<1x125x80xi32, #tpu.memory_space<hbm>> -> memref<125x80xi32, #tpu.memory_space<hbm>>
      %dma_wait3A_167 = arith.constant 0 : i32
      %dma_wait3A_168 = arith.constant 0 : i32
      %dma_wait3A_169 = tpu.memref_slice %arg4[%add3A, %dma_wait3A_167, %dma_wait3A_168] : memref<32x125x80xi32, #tpu.memory_space<hbm>> -> memref<1x125x80xi32, #tpu.memory_space<hbm>>
      %dma_wait3A_170 = tpu.memref_squeeze %dma_wait3A_169 : memref<1x125x80xi32, #tpu.memory_space<hbm>> -> memref<125x80xi32, #tpu.memory_space<hbm>>
      tpu.wait_dma2 semaphore(%run_scoped3A : memref<!tpu.dma_semaphore, #tpu.memory_space<semaphore_mem>>) src(%dma_wait3A_170 : memref<125x80xi32, #tpu.memory_space<hbm>>) dst(%arg7 : memref<125x80xi32, #tpu.memory_space<vmem>>)
      tpu.yield
    }) : () -> ()
    "tpu.region"() ({
      %run_scoped3A = tpu.sem_alloc : memref<!tpu.dma_semaphore, #tpu.memory_space<semaphore_mem>>
      %dma_start3A_155 = arith.constant 0 : i32
      %dma_start3A_156 = arith.constant 0 : i32
      %dma_start3A_157 = tpu.memref_slice %arg5[%add3A, %dma_start3A_155, %dma_start3A_156] : memref<32x125x80xi32, #tpu.memory_space<hbm>> -> memref<1x125x80xi32, #tpu.memory_space<hbm>>
      %dma_start3A_158 = tpu.memref_squeeze %dma_start3A_157 : memref<1x125x80xi32, #tpu.memory_space<hbm>> -> memref<125x80xi32, #tpu.memory_space<hbm>>
      %dma_start3A_159 = arith.constant 0 : i32
      %dma_start3A_160 = arith.constant 0 : i32
      %dma_start3A_161 = tpu.memref_slice %arg5[%add3A, %dma_start3A_159, %dma_start3A_160] : memref<32x125x80xi32, #tpu.memory_space<hbm>> -> memref<1x125x80xi32, #tpu.memory_space<hbm>>
      %dma_start3A_162 = tpu.memref_squeeze %dma_start3A_161 : memref<1x125x80xi32, #tpu.memory_space<hbm>> -> memref<125x80xi32, #tpu.memory_space<hbm>>
      tpu.enqueue_dma source(%dma_start3A_162 : memref<125x80xi32, #tpu.memory_space<hbm>>) target(%arg8 : memref<125x80xi32, #tpu.memory_space<vmem>>) target_semaphore(%run_scoped3A : memref<!tpu.dma_semaphore, #tpu.memory_space<semaphore_mem>>)
      %dma_wait3A_163 = arith.constant 0 : i32
      %dma_wait3A_164 = arith.constant 0 : i32
      %dma_wait3A_165 = tpu.memref_slice %arg5[%add3A, %dma_wait3A_163, %dma_wait3A_164] : memref<32x125x80xi32, #tpu.memory_space<hbm>> -> memref<1x125x80xi32, #tpu.memory_space<hbm>>
      %dma_wait3A_166 = tpu.memref_squeeze %dma_wait3A_165 : memref<1x125x80xi32, #tpu.memory_space<hbm>> -> memref<125x80xi32, #tpu.memory_space<hbm>>
      %dma_wait3A_167 = arith.constant 0 : i32
      %dma_wait3A_168 = arith.constant 0 : i32
      %dma_wait3A_169 = tpu.memref_slice %arg5[%add3A, %dma_wait3A_167, %dma_wait3A_168] : memref<32x125x80xi32, #tpu.memory_space<hbm>> -> memref<1x125x80xi32, #tpu.memory_space<hbm>>
      %dma_wait3A_170 = tpu.memref_squeeze %dma_wait3A_169 : memref<1x125x80xi32, #tpu.memory_space<hbm>> -> memref<125x80xi32, #tpu.memory_space<hbm>>
      tpu.wait_dma2 semaphore(%run_scoped3A : memref<!tpu.dma_semaphore, #tpu.memory_space<semaphore_mem>>) src(%dma_wait3A_170 : memref<125x80xi32, #tpu.memory_space<hbm>>) dst(%arg8 : memref<125x80xi32, #tpu.memory_space<vmem>>)
      tpu.yield
    }) : () -> ()
    %dma_start3A = arith.constant 0 : i32
    %dma_start3A_1 = arith.constant 0 : i32
    %dma_start3A_2 = tpu.memref_slice %arg7[%dma_start3A, %dma_start3A_1] : memref<125x80xi32, #tpu.memory_space<vmem>> -> memref<1x80xi32, #tpu.memory_space<vmem>>
    %dma_start3A_3 = tpu.memref_squeeze %dma_start3A_2 : memref<1x80xi32, #tpu.memory_space<vmem>> -> memref<80xi32, #tpu.memory_space<vmem>>
    %dma_start3A_4 = arith.constant 0 : i32
    %dma_start3A_5 = arith.constant 0 : i32
    %dma_start3A_6 = tpu.memref_slice %arg2[%dma_start3A_4, %dma_start3A_5] : memref<10000x128xf32, #tpu.memory_space<hbm>> -> memref<10000x128xf32, #tpu.memory_space<hbm>>
    tpu.enqueue_indirect_dma source(%dma_start3A_6 : memref<10000x128xf32, #tpu.memory_space<hbm>>) target(%arg9 : memref<80x128xf32, #tpu.memory_space<vmem>>) offsets(%dma_start3A_3 : memref<80xi32, #tpu.memory_space<vmem>>) semaphore(%arg15 : memref<!tpu.dma_semaphore, #tpu.memory_space<semaphore_mem>>)
    %dma_start3A_7 = arith.constant 0 : i32
    %dma_start3A_8 = arith.constant 0 : i32
    %dma_start3A_9 = tpu.memref_slice %arg8[%dma_start3A_7, %dma_start3A_8] : memref<125x80xi32, #tpu.memory_space<vmem>> -> memref<1x80xi32, #tpu.memory_space<vmem>>
    %dma_start3A_10 = tpu.memref_squeeze %dma_start3A_9 : memref<1x80xi32, #tpu.memory_space<vmem>> -> memref<80xi32, #tpu.memory_space<vmem>>
    %dma_start3A_11 = arith.constant 0 : i32
    %dma_start3A_12 = arith.constant 0 : i32
    %dma_start3A_13 = tpu.memref_slice %arg3[%dma_start3A_11, %dma_start3A_12] : memref<10000x128xf32, #tpu.memory_space<hbm>> -> memref<10000x128xf32, #tpu.memory_space<hbm>>
    tpu.enqueue_indirect_dma source(%dma_start3A_13 : memref<10000x128xf32, #tpu.memory_space<hbm>>) target(%arg11 : memref<80x128xf32, #tpu.memory_space<vmem>>) offsets(%dma_start3A_10 : memref<80xi32, #tpu.memory_space<vmem>>) semaphore(%arg17 : memref<!tpu.dma_semaphore, #tpu.memory_space<semaphore_mem>>)
    %dma_start3A_14 = arith.constant 1 : i32
    %dma_start3A_15 = arith.constant 0 : i32
    %dma_start3A_16 = tpu.memref_slice %arg7[%dma_start3A_14, %dma_start3A_15] : memref<125x80xi32, #tpu.memory_space<vmem>> -> memref<1x80xi32, #tpu.memory_space<vmem>>
    %dma_start3A_17 = tpu.memref_squeeze %dma_start3A_16 : memref<1x80xi32, #tpu.memory_space<vmem>> -> memref<80xi32, #tpu.memory_space<vmem>>
    %dma_start3A_18 = arith.constant 0 : i32
    %dma_start3A_19 = arith.constant 0 : i32
    %dma_start3A_20 = tpu.memref_slice %arg2[%dma_start3A_18, %dma_start3A_19] : memref<10000x128xf32, #tpu.memory_space<hbm>> -> memref<10000x128xf32, #tpu.memory_space<hbm>>
    tpu.enqueue_indirect_dma source(%dma_start3A_20 : memref<10000x128xf32, #tpu.memory_space<hbm>>) target(%arg10 : memref<80x128xf32, #tpu.memory_space<vmem>>) offsets(%dma_start3A_17 : memref<80xi32, #tpu.memory_space<vmem>>) semaphore(%arg16 : memref<!tpu.dma_semaphore, #tpu.memory_space<semaphore_mem>>)
    %dma_start3A_21 = arith.constant 1 : i32
    %dma_start3A_22 = arith.constant 0 : i32
    %dma_start3A_23 = tpu.memref_slice %arg8[%dma_start3A_21, %dma_start3A_22] : memref<125x80xi32, #tpu.memory_space<vmem>> -> memref<1x80xi32, #tpu.memory_space<vmem>>
    %dma_start3A_24 = tpu.memref_squeeze %dma_start3A_23 : memref<1x80xi32, #tpu.memory_space<vmem>> -> memref<80xi32, #tpu.memory_space<vmem>>
    %dma_start3A_25 = arith.constant 0 : i32
    %dma_start3A_26 = arith.constant 0 : i32
    %dma_start3A_27 = tpu.memref_slice %arg3[%dma_start3A_25, %dma_start3A_26] : memref<10000x128xf32, #tpu.memory_space<hbm>> -> memref<10000x128xf32, #tpu.memory_space<hbm>>
    tpu.enqueue_indirect_dma source(%dma_start3A_27 : memref<10000x128xf32, #tpu.memory_space<hbm>>) target(%arg12 : memref<80x128xf32, #tpu.memory_space<vmem>>) offsets(%dma_start3A_24 : memref<80xi32, #tpu.memory_space<vmem>>) semaphore(%arg18 : memref<!tpu.dma_semaphore, #tpu.memory_space<semaphore_mem>>)
    %dma_wait3A = arith.constant 0 : i32
    %dma_wait3A_28 = arith.constant 0 : i32
    %dma_wait3A_29 = tpu.memref_slice %arg7[%dma_wait3A, %dma_wait3A_28] : memref<125x80xi32, #tpu.memory_space<vmem>> -> memref<1x80xi32, #tpu.memory_space<vmem>>
    %dma_wait3A_30 = tpu.memref_squeeze %dma_wait3A_29 : memref<1x80xi32, #tpu.memory_space<vmem>> -> memref<80xi32, #tpu.memory_space<vmem>>
    %dma_wait3A_31 = arith.constant 0 : i32
    %dma_wait3A_32 = arith.constant 0 : i32
    %dma_wait3A_33 = tpu.memref_slice %arg2[%dma_wait3A_31, %dma_wait3A_32] : memref<10000x128xf32, #tpu.memory_space<hbm>> -> memref<10000x128xf32, #tpu.memory_space<hbm>>
    tpu.wait_indirect_dma semaphore(%arg15 : memref<!tpu.dma_semaphore, #tpu.memory_space<semaphore_mem>>) src(%dma_wait3A_33 : memref<10000x128xf32, #tpu.memory_space<hbm>>) dst(%arg9 : memref<80x128xf32, #tpu.memory_space<vmem>>)
    %dma_wait3A_34 = arith.constant 0 : i32
    %dma_wait3A_35 = arith.constant 0 : i32
    %dma_wait3A_36 = tpu.memref_slice %arg8[%dma_wait3A_34, %dma_wait3A_35] : memref<125x80xi32, #tpu.memory_space<vmem>> -> memref<1x80xi32, #tpu.memory_space<vmem>>
    %dma_wait3A_37 = tpu.memref_squeeze %dma_wait3A_36 : memref<1x80xi32, #tpu.memory_space<vmem>> -> memref<80xi32, #tpu.memory_space<vmem>>
    %dma_wait3A_38 = arith.constant 0 : i32
    %dma_wait3A_39 = arith.constant 0 : i32
    %dma_wait3A_40 = tpu.memref_slice %arg3[%dma_wait3A_38, %dma_wait3A_39] : memref<10000x128xf32, #tpu.memory_space<hbm>> -> memref<10000x128xf32, #tpu.memory_space<hbm>>
    tpu.wait_indirect_dma semaphore(%arg17 : memref<!tpu.dma_semaphore, #tpu.memory_space<semaphore_mem>>) src(%dma_wait3A_40 : memref<10000x128xf32, #tpu.memory_space<hbm>>) dst(%arg11 : memref<80x128xf32, #tpu.memory_space<vmem>>)
    %scan3A = arith.constant 0 : i32
    %scan3A_41 = arith.constant 0 : i32
    %scan3A_42 = arith.constant 80 : i32
    %scan3A_43 = arith.addi %scan3A_41, %scan3A_42 : i32
    %scan3A_44 = arith.constant 1 : i32
    scf.for %scan3A_155 = %scan3A_41 to %scan3A_43 step %scan3A_44  : i32 {
      %get3A = arith.index_cast %scan3A_155 : i32 to index
      %get3A_156 = arith.constant 0 : index
      %get3A_157 = tpu.vector_load %arg9[%get3A, %get3A_156] {strides = array<i32>} : memref<80x128xf32, #tpu.memory_space<vmem>>, vector<1x16xf32>,
      %get3A_158 = vector.shape_cast %get3A_157 : vector<1x16xf32> to vector<16xf32>
      %get3A_159 = arith.index_cast %scan3A_155 : i32 to index
      %get3A_160 = arith.constant 0 : index
      %get3A_161 = tpu.vector_load %arg11[%get3A_159, %get3A_160] {strides = array<i32>} : memref<80x128xf32, #tpu.memory_space<vmem>>, vector<1x16xf32>,
      %get3A_162 = vector.shape_cast %get3A_161 : vector<1x16xf32> to vector<16xf32>
      %add3A_163 = arith.addf %get3A_158, %get3A_162 : vector<16xf32>
      %swap3A = arith.index_cast %scan3A_155 : i32 to index
      %swap3A_164 = arith.constant 0 : index
      %swap3A_165 = tpu.vector_load %arg13[%swap3A, %swap3A_164] {strides = array<i32>} : memref<80x128xf32, #tpu.memory_space<vmem>>, vector<1x16xf32>,
      %swap3A_166 = vector.shape_cast %swap3A_165 : vector<1x16xf32> to vector<16xf32>
      %swap3A_167 = vector.shape_cast %add3A_163 : vector<16xf32> to vector<1x16xf32>
      tpu.vector_store %arg13[%swap3A, %swap3A_164], %swap3A_167 {strides = array<i32>} : memref<80x128xf32, #tpu.memory_space<vmem>>, vector<1x16xf32>,
      %get3A_168 = arith.index_cast %scan3A_155 : i32 to index
      %get3A_169 = arith.constant 16 : index
      %get3A_170 = tpu.vector_load %arg9[%get3A_168, %get3A_169] {strides = array<i32>} : memref<80x128xf32, #tpu.memory_space<vmem>>, vector<1x16xf32>,
      %get3A_171 = vector.shape_cast %get3A_170 : vector<1x16xf32> to vector<16xf32>
      %get3A_172 = arith.index_cast %scan3A_155 : i32 to index
      %get3A_173 = arith.constant 16 : index
      %get3A_174 = tpu.vector_load %arg11[%get3A_172, %get3A_173] {strides = array<i32>} : memref<80x128xf32, #tpu.memory_space<vmem>>, vector<1x16xf32>,
      %get3A_175 = vector.shape_cast %get3A_174 : vector<1x16xf32> to vector<16xf32>
      %add3A_176 = arith.addf %get3A_171, %get3A_175 : vector<16xf32>
      %swap3A_177 = arith.index_cast %scan3A_155 : i32 to index
      %swap3A_178 = arith.constant 16 : index
      %swap3A_179 = tpu.vector_load %arg13[%swap3A_177, %swap3A_178] {strides = array<i32>} : memref<80x128xf32, #tpu.memory_space<vmem>>, vector<1x16xf32>,
      %swap3A_180 = vector.shape_cast %swap3A_179 : vector<1x16xf32> to vector<16xf32>
      %swap3A_181 = vector.shape_cast %add3A_176 : vector<16xf32> to vector<1x16xf32>
      tpu.vector_store %arg13[%swap3A_177, %swap3A_178], %swap3A_181 {strides = array<i32>} : memref<80x128xf32, #tpu.memory_space<vmem>>, vector<1x16xf32>,
      %get3A_182 = arith.index_cast %scan3A_155 : i32 to index
      %get3A_183 = arith.constant 32 : index
      %get3A_184 = tpu.vector_load %arg9[%get3A_182, %get3A_183] {strides = array<i32>} : memref<80x128xf32, #tpu.memory_space<vmem>>, vector<1x16xf32>,
      %get3A_185 = vector.shape_cast %get3A_184 : vector<1x16xf32> to vector<16xf32>
      %get3A_186 = arith.index_cast %scan3A_155 : i32 to index
      %get3A_187 = arith.constant 32 : index
      %get3A_188 = tpu.vector_load %arg11[%get3A_186, %get3A_187] {strides = array<i32>} : memref<80x128xf32, #tpu.memory_space<vmem>>, vector<1x16xf32>,
      %get3A_189 = vector.shape_cast %get3A_188 : vector<1x16xf32> to vector<16xf32>
      %add3A_190 = arith.addf %get3A_185, %get3A_189 : vector<16xf32>
      %swap3A_191 = arith.index_cast %scan3A_155 : i32 to index
      %swap3A_192 = arith.constant 32 : index
      %swap3A_193 = tpu.vector_load %arg13[%swap3A_191, %swap3A_192] {strides = array<i32>} : memref<80x128xf32, #tpu.memory_space<vmem>>, vector<1x16xf32>,
      %swap3A_194 = vector.shape_cast %swap3A_193 : vector<1x16xf32> to vector<16xf32>
      %swap3A_195 = vector.shape_cast %add3A_190 : vector<16xf32> to vector<1x16xf32>
      tpu.vector_store %arg13[%swap3A_191, %swap3A_192], %swap3A_195 {strides = array<i32>} : memref<80x128xf32, #tpu.memory_space<vmem>>, vector<1x16xf32>,
      %get3A_196 = arith.index_cast %scan3A_155 : i32 to index
      %get3A_197 = arith.constant 48 : index
      %get3A_198 = tpu.vector_load %arg9[%get3A_196, %get3A_197] {strides = array<i32>} : memref<80x128xf32, #tpu.memory_space<vmem>>, vector<1x16xf32>,
      %get3A_199 = vector.shape_cast %get3A_198 : vector<1x16xf32> to vector<16xf32>
      %get3A_200 = arith.index_cast %scan3A_155 : i32 to index
      %get3A_201 = arith.constant 48 : index
      %get3A_202 = tpu.vector_load %arg11[%get3A_200, %get3A_201] {strides = array<i32>} : memref<80x128xf32, #tpu.memory_space<vmem>>, vector<1x16xf32>,
      %get3A_203 = vector.shape_cast %get3A_202 : vector<1x16xf32> to vector<16xf32>
      %add3A_204 = arith.addf %get3A_199, %get3A_203 : vector<16xf32>
      %swap3A_205 = arith.index_cast %scan3A_155 : i32 to index
      %swap3A_206 = arith.constant 48 : index
      %swap3A_207 = tpu.vector_load %arg13[%swap3A_205, %swap3A_206] {strides = array<i32>} : memref<80x128xf32, #tpu.memory_space<vmem>>, vector<1x16xf32>,
      %swap3A_208 = vector.shape_cast %swap3A_207 : vector<1x16xf32> to vector<16xf32>
      %swap3A_209 = vector.shape_cast %add3A_204 : vector<16xf32> to vector<1x16xf32>
      tpu.vector_store %arg13[%swap3A_205, %swap3A_206], %swap3A_209 {strides = array<i32>} : memref<80x128xf32, #tpu.memory_space<vmem>>, vector<1x16xf32>,
      %get3A_210 = arith.index_cast %scan3A_155 : i32 to index
      %get3A_211 = arith.constant 64 : index
      %get3A_212 = tpu.vector_load %arg9[%get3A_210, %get3A_211] {strides = array<i32>} : memref<80x128xf32, #tpu.memory_space<vmem>>, vector<1x16xf32>,
      %get3A_213 = vector.shape_cast %get3A_212 : vector<1x16xf32> to vector<16xf32>
      %get3A_214 = arith.index_cast %scan3A_155 : i32 to index
      %get3A_215 = arith.constant 64 : index
      %get3A_216 = tpu.vector_load %arg11[%get3A_214, %get3A_215] {strides = array<i32>} : memref<80x128xf32, #tpu.memory_space<vmem>>, vector<1x16xf32>,
      %get3A_217 = vector.shape_cast %get3A_216 : vector<1x16xf32> to vector<16xf32>
      %add3A_218 = arith.addf %get3A_213, %get3A_217 : vector<16xf32>
      %swap3A_219 = arith.index_cast %scan3A_155 : i32 to index
      %swap3A_220 = arith.constant 64 : index
      %swap3A_221 = tpu.vector_load %arg13[%swap3A_219, %swap3A_220] {strides = array<i32>} : memref<80x128xf32, #tpu.memory_space<vmem>>, vector<1x16xf32>,
      %swap3A_222 = vector.shape_cast %swap3A_221 : vector<1x16xf32> to vector<16xf32>
      %swap3A_223 = vector.shape_cast %add3A_218 : vector<16xf32> to vector<1x16xf32>
      tpu.vector_store %arg13[%swap3A_219, %swap3A_220], %swap3A_223 {strides = array<i32>} : memref<80x128xf32, #tpu.memory_space<vmem>>, vector<1x16xf32>,
      %get3A_224 = arith.index_cast %scan3A_155 : i32 to index
      %get3A_225 = arith.constant 80 : index
      %get3A_226 = tpu.vector_load %arg9[%get3A_224, %get3A_225] {strides = array<i32>} : memref<80x128xf32, #tpu.memory_space<vmem>>, vector<1x16xf32>,
      %get3A_227 = vector.shape_cast %get3A_226 : vector<1x16xf32> to vector<16xf32>
      %get3A_228 = arith.index_cast %scan3A_155 : i32 to index
      %get3A_229 = arith.constant 80 : index
      %get3A_230 = tpu.vector_load %arg11[%get3A_228, %get3A_229] {strides = array<i32>} : memref<80x128xf32, #tpu.memory_space<vmem>>, vector<1x16xf32>,
      %get3A_231 = vector.shape_cast %get3A_230 : vector<1x16xf32> to vector<16xf32>
      %add3A_232 = arith.addf %get3A_227, %get3A_231 : vector<16xf32>
      %swap3A_233 = arith.index_cast %scan3A_155 : i32 to index
      %swap3A_234 = arith.constant 80 : index
      %swap3A_235 = tpu.vector_load %arg13[%swap3A_233, %swap3A_234] {strides = array<i32>} : memref<80x128xf32, #tpu.memory_space<vmem>>, vector<1x16xf32>,
      %swap3A_236 = vector.shape_cast %swap3A_235 : vector<1x16xf32> to vector<16xf32>
      %swap3A_237 = vector.shape_cast %add3A_232 : vector<16xf32> to vector<1x16xf32>
      tpu.vector_store %arg13[%swap3A_233, %swap3A_234], %swap3A_237 {strides = array<i32>} : memref<80x128xf32, #tpu.memory_space<vmem>>, vector<1x16xf32>,
      %get3A_238 = arith.index_cast %scan3A_155 : i32 to index
      %get3A_239 = arith.constant 96 : index
      %get3A_240 = tpu.vector_load %arg9[%get3A_238, %get3A_239] {strides = array<i32>} : memref<80x128xf32, #tpu.memory_space<vmem>>, vector<1x16xf32>,
      %get3A_241 = vector.shape_cast %get3A_240 : vector<1x16xf32> to vector<16xf32>
      %get3A_242 = arith.index_cast %scan3A_155 : i32 to index
      %get3A_243 = arith.constant 96 : index
      %get3A_244 = tpu.vector_load %arg11[%get3A_242, %get3A_243] {strides = array<i32>} : memref<80x128xf32, #tpu.memory_space<vmem>>, vector<1x16xf32>,
      %get3A_245 = vector.shape_cast %get3A_244 : vector<1x16xf32> to vector<16xf32>
      %add3A_246 = arith.addf %get3A_241, %get3A_245 : vector<16xf32>
      %swap3A_247 = arith.index_cast %scan3A_155 : i32 to index
      %swap3A_248 = arith.constant 96 : index
      %swap3A_249 = tpu.vector_load %arg13[%swap3A_247, %swap3A_248] {strides = array<i32>} : memref<80x128xf32, #tpu.memory_space<vmem>>, vector<1x16xf32>,
      %swap3A_250 = vector.shape_cast %swap3A_249 : vector<1x16xf32> to vector<16xf32>
      %swap3A_251 = vector.shape_cast %add3A_246 : vector<16xf32> to vector<1x16xf32>
      tpu.vector_store %arg13[%swap3A_247, %swap3A_248], %swap3A_251 {strides = array<i32>} : memref<80x128xf32, #tpu.memory_space<vmem>>, vector<1x16xf32>,
      %get3A_252 = arith.index_cast %scan3A_155 : i32 to index
      %get3A_253 = arith.constant 112 : index
      %get3A_254 = tpu.vector_load %arg9[%get3A_252, %get3A_253] {strides = array<i32>} : memref<80x128xf32, #tpu.memory_space<vmem>>, vector<1x16xf32>,
      %get3A_255 = vector.shape_cast %get3A_254 : vector<1x16xf32> to vector<16xf32>
      %get3A_256 = arith.index_cast %scan3A_155 : i32 to index
      %get3A_257 = arith.constant 112 : index
      %get3A_258 = tpu.vector_load %arg11[%get3A_256, %get3A_257] {strides = array<i32>} : memref<80x128xf32, #tpu.memory_space<vmem>>, vector<1x16xf32>,
      %get3A_259 = vector.shape_cast %get3A_258 : vector<1x16xf32> to vector<16xf32>
      %add3A_260 = arith.addf %get3A_255, %get3A_259 : vector<16xf32>
      %swap3A_261 = arith.index_cast %scan3A_155 : i32 to index
      %swap3A_262 = arith.constant 112 : index
      %swap3A_263 = tpu.vector_load %arg13[%swap3A_261, %swap3A_262] {strides = array<i32>} : memref<80x128xf32, #tpu.memory_space<vmem>>, vector<1x16xf32>,
      %swap3A_264 = vector.shape_cast %swap3A_263 : vector<1x16xf32> to vector<16xf32>
      %swap3A_265 = vector.shape_cast %add3A_260 : vector<16xf32> to vector<1x16xf32>
      tpu.vector_store %arg13[%swap3A_261, %swap3A_262], %swap3A_265 {strides = array<i32>} : memref<80x128xf32, #tpu.memory_space<vmem>>, vector<1x16xf32>,
    }
    %scan3A_45 = arith.constant 80 : i32
    %add3A_46 = arith.constant 0 : i32
    %add3A_47 = arith.constant 2 : i32
    %add3A_48 = arith.addi %add3A_46, %add3A_47 : i32
    %lt3A = arith.constant 125 : i32
    %lt3A_49 = arith.cmpi slt, %add3A_48, %lt3A : i32
    %convert_element_type3A = arith.extui %lt3A_49 : i1 to i32
    %cond3A = arith.constant 0 : i32
    %cond3A_50 = arith.cmpi ne, %convert_element_type3A, %cond3A : i32
    scf.if %cond3A_50 {
      %add3A_155 = arith.constant 0 : i32
      %add3A_156 = arith.constant 2 : i32
      %add3A_157 = arith.addi %add3A_155, %add3A_156 : i32
      %dma_start3A_158 = arith.constant 0 : i32
      %dma_start3A_159 = tpu.memref_slice %arg7[%add3A_157, %dma_start3A_158] : memref<125x80xi32, #tpu.memory_space<vmem>> -> memref<1x80xi32, #tpu.memory_space<vmem>>
      %dma_start3A_160 = tpu.memref_squeeze %dma_start3A_159 : memref<1x80xi32, #tpu.memory_space<vmem>> -> memref<80xi32, #tpu.memory_space<vmem>>
      %dma_start3A_161 = arith.constant 0 : i32
      %dma_start3A_162 = arith.constant 0 : i32
      %dma_start3A_163 = tpu.memref_slice %arg2[%dma_start3A_161, %dma_start3A_162] : memref<10000x128xf32, #tpu.memory_space<hbm>> -> memref<10000x128xf32, #tpu.memory_space<hbm>>
      tpu.enqueue_indirect_dma source(%dma_start3A_163 : memref<10000x128xf32, #tpu.memory_space<hbm>>) target(%arg9 : memref<80x128xf32, #tpu.memory_space<vmem>>) offsets(%dma_start3A_160 : memref<80xi32, #tpu.memory_space<vmem>>) semaphore(%arg15 : memref<!tpu.dma_semaphore, #tpu.memory_space<semaphore_mem>>)
      %dma_start3A_164 = arith.constant 0 : i32
      %dma_start3A_165 = tpu.memref_slice %arg8[%add3A_157, %dma_start3A_164] : memref<125x80xi32, #tpu.memory_space<vmem>> -> memref<1x80xi32, #tpu.memory_space<vmem>>
      %dma_start3A_166 = tpu.memref_squeeze %dma_start3A_165 : memref<1x80xi32, #tpu.memory_space<vmem>> -> memref<80xi32, #tpu.memory_space<vmem>>
      %dma_start3A_167 = arith.constant 0 : i32
      %dma_start3A_168 = arith.constant 0 : i32
      %dma_start3A_169 = tpu.memref_slice %arg3[%dma_start3A_167, %dma_start3A_168] : memref<10000x128xf32, #tpu.memory_space<hbm>> -> memref<10000x128xf32, #tpu.memory_space<hbm>>
      tpu.enqueue_indirect_dma source(%dma_start3A_169 : memref<10000x128xf32, #tpu.memory_space<hbm>>) target(%arg11 : memref<80x128xf32, #tpu.memory_space<vmem>>) offsets(%dma_start3A_166 : memref<80xi32, #tpu.memory_space<vmem>>) semaphore(%arg17 : memref<!tpu.dma_semaphore, #tpu.memory_space<semaphore_mem>>)
    } else {
    }
    %mul3A_51 = arith.constant 10000 : i32
    %mul3A_52 = arith.muli %add3A, %mul3A_51 : i32
    %add3A_53 = arith.constant 0 : i32
    %add3A_54 = arith.addi %mul3A_52, %add3A_53 : i32
    %dma_start3A_55 = arith.constant 0 : i32
    %dma_start3A_56 = tpu.memref_slice %arg6[%add3A_54, %dma_start3A_55] : memref<320000x128xf32, #tpu.memory_space<hbm>> -> memref<80x128xf32, #tpu.memory_space<hbm>>
    %dma_start3A_57 = arith.constant 0 : i32
    %dma_start3A_58 = tpu.memref_slice %arg6[%add3A_54, %dma_start3A_57] : memref<320000x128xf32, #tpu.memory_space<hbm>> -> memref<80x128xf32, #tpu.memory_space<hbm>>
    tpu.enqueue_dma source(%arg13 : memref<80x128xf32, #tpu.memory_space<vmem>>) target(%dma_start3A_58 : memref<80x128xf32, #tpu.memory_space<hbm>>) target_semaphore(%arg19 : memref<!tpu.dma_semaphore, #tpu.memory_space<semaphore_mem>>)
    %dma_wait3A_59 = arith.constant 1 : i32
    %dma_wait3A_60 = arith.constant 0 : i32
    %dma_wait3A_61 = tpu.memref_slice %arg7[%dma_wait3A_59, %dma_wait3A_60] : memref<125x80xi32, #tpu.memory_space<vmem>> -> memref<1x80xi32, #tpu.memory_space<vmem>>
    %dma_wait3A_62 = tpu.memref_squeeze %dma_wait3A_61 : memref<1x80xi32, #tpu.memory_space<vmem>> -> memref<80xi32, #tpu.memory_space<vmem>>
    %dma_wait3A_63 = arith.constant 0 : i32
    %dma_wait3A_64 = arith.constant 0 : i32
    %dma_wait3A_65 = tpu.memref_slice %arg2[%dma_wait3A_63, %dma_wait3A_64] : memref<10000x128xf32, #tpu.memory_space<hbm>> -> memref<10000x128xf32, #tpu.memory_space<hbm>>
    tpu.wait_indirect_dma semaphore(%arg16 : memref<!tpu.dma_semaphore, #tpu.memory_space<semaphore_mem>>) src(%dma_wait3A_65 : memref<10000x128xf32, #tpu.memory_space<hbm>>) dst(%arg10 : memref<80x128xf32, #tpu.memory_space<vmem>>)
    %dma_wait3A_66 = arith.constant 1 : i32
    %dma_wait3A_67 = arith.constant 0 : i32
    %dma_wait3A_68 = tpu.memref_slice %arg8[%dma_wait3A_66, %dma_wait3A_67] : memref<125x80xi32, #tpu.memory_space<vmem>> -> memref<1x80xi32, #tpu.memory_space<vmem>>
    %dma_wait3A_69 = tpu.memref_squeeze %dma_wait3A_68 : memref<1x80xi32, #tpu.memory_space<vmem>> -> memref<80xi32, #tpu.memory_space<vmem>>
    %dma_wait3A_70 = arith.constant 0 : i32
    %dma_wait3A_71 = arith.constant 0 : i32
    %dma_wait3A_72 = tpu.memref_slice %arg3[%dma_wait3A_70, %dma_wait3A_71] : memref<10000x128xf32, #tpu.memory_space<hbm>> -> memref<10000x128xf32, #tpu.memory_space<hbm>>
    tpu.wait_indirect_dma semaphore(%arg18 : memref<!tpu.dma_semaphore, #tpu.memory_space<semaphore_mem>>) src(%dma_wait3A_72 : memref<10000x128xf32, #tpu.memory_space<hbm>>) dst(%arg12 : memref<80x128xf32, #tpu.memory_space<vmem>>)
    %scan3A_73 = arith.constant 0 : i32
    %scan3A_74 = arith.constant 0 : i32
    %scan3A_75 = arith.constant 80 : i32
    %scan3A_76 = arith.addi %scan3A_74, %scan3A_75 : i32
    %scan3A_77 = arith.constant 1 : i32
    scf.for %scan3A_155 = %scan3A_74 to %scan3A_76 step %scan3A_77  : i32 {
      %get3A = arith.index_cast %scan3A_155 : i32 to index
      %get3A_156 = arith.constant 0 : index
      %get3A_157 = tpu.vector_load %arg10[%get3A, %get3A_156] {strides = array<i32>} : memref<80x128xf32, #tpu.memory_space<vmem>>, vector<1x16xf32>,
      %get3A_158 = vector.shape_cast %get3A_157 : vector<1x16xf32> to vector<16xf32>
      %get3A_159 = arith.index_cast %scan3A_155 : i32 to index
      %get3A_160 = arith.constant 0 : index
      %get3A_161 = tpu.vector_load %arg12[%get3A_159, %get3A_160] {strides = array<i32>} : memref<80x128xf32, #tpu.memory_space<vmem>>, vector<1x16xf32>,
      %get3A_162 = vector.shape_cast %get3A_161 : vector<1x16xf32> to vector<16xf32>
      %add3A_163 = arith.addf %get3A_158, %get3A_162 : vector<16xf32>
      %swap3A = arith.index_cast %scan3A_155 : i32 to index
      %swap3A_164 = arith.constant 0 : index
      %swap3A_165 = tpu.vector_load %arg14[%swap3A, %swap3A_164] {strides = array<i32>} : memref<80x128xf32, #tpu.memory_space<vmem>>, vector<1x16xf32>,
      %swap3A_166 = vector.shape_cast %swap3A_165 : vector<1x16xf32> to vector<16xf32>
      %swap3A_167 = vector.shape_cast %add3A_163 : vector<16xf32> to vector<1x16xf32>
      tpu.vector_store %arg14[%swap3A, %swap3A_164], %swap3A_167 {strides = array<i32>} : memref<80x128xf32, #tpu.memory_space<vmem>>, vector<1x16xf32>,
      %get3A_168 = arith.index_cast %scan3A_155 : i32 to index
      %get3A_169 = arith.constant 16 : index
      %get3A_170 = tpu.vector_load %arg10[%get3A_168, %get3A_169] {strides = array<i32>} : memref<80x128xf32, #tpu.memory_space<vmem>>, vector<1x16xf32>,
      %get3A_171 = vector.shape_cast %get3A_170 : vector<1x16xf32> to vector<16xf32>
      %get3A_172 = arith.index_cast %scan3A_155 : i32 to index
      %get3A_173 = arith.constant 16 : index
      %get3A_174 = tpu.vector_load %arg12[%get3A_172, %get3A_173] {strides = array<i32>} : memref<80x128xf32, #tpu.memory_space<vmem>>, vector<1x16xf32>,
      %get3A_175 = vector.shape_cast %get3A_174 : vector<1x16xf32> to vector<16xf32>
      %add3A_176 = arith.addf %get3A_171, %get3A_175 : vector<16xf32>
      %swap3A_177 = arith.index_cast %scan3A_155 : i32 to index
      %swap3A_178 = arith.constant 16 : index
      %swap3A_179 = tpu.vector_load %arg14[%swap3A_177, %swap3A_178] {strides = array<i32>} : memref<80x128xf32, #tpu.memory_space<vmem>>, vector<1x16xf32>,
      %swap3A_180 = vector.shape_cast %swap3A_179 : vector<1x16xf32> to vector<16xf32>
      %swap3A_181 = vector.shape_cast %add3A_176 : vector<16xf32> to vector<1x16xf32>
      tpu.vector_store %arg14[%swap3A_177, %swap3A_178], %swap3A_181 {strides = array<i32>} : memref<80x128xf32, #tpu.memory_space<vmem>>, vector<1x16xf32>,
      %get3A_182 = arith.index_cast %scan3A_155 : i32 to index
      %get3A_183 = arith.constant 32 : index
      %get3A_184 = tpu.vector_load %arg10[%get3A_182, %get3A_183] {strides = array<i32>} : memref<80x128xf32, #tpu.memory_space<vmem>>, vector<1x16xf32>,
      %get3A_185 = vector.shape_cast %get3A_184 : vector<1x16xf32> to vector<16xf32>
      %get3A_186 = arith.index_cast %scan3A_155 : i32 to index
      %get3A_187 = arith.constant 32 : index
      %get3A_188 = tpu.vector_load %arg12[%get3A_186, %get3A_187] {strides = array<i32>} : memref<80x128xf32, #tpu.memory_space<vmem>>, vector<1x16xf32>,
      %get3A_189 = vector.shape_cast %get3A_188 : vector<1x16xf32> to vector<16xf32>
      %add3A_190 = arith.addf %get3A_185, %get3A_189 : vector<16xf32>
      %swap3A_191 = arith.index_cast %scan3A_155 : i32 to index
      %swap3A_192 = arith.constant 32 : index
      %swap3A_193 = tpu.vector_load %arg14[%swap3A_191, %swap3A_192] {strides = array<i32>} : memref<80x128xf32, #tpu.memory_space<vmem>>, vector<1x16xf32>,
      %swap3A_194 = vector.shape_cast %swap3A_193 : vector<1x16xf32> to vector<16xf32>
      %swap3A_195 = vector.shape_cast %add3A_190 : vector<16xf32> to vector<1x16xf32>
      tpu.vector_store %arg14[%swap3A_191, %swap3A_192], %swap3A_195 {strides = array<i32>} : memref<80x128xf32, #tpu.memory_space<vmem>>, vector<1x16xf32>,
      %get3A_196 = arith.index_cast %scan3A_155 : i32 to index
      %get3A_197 = arith.constant 48 : index
      %get3A_198 = tpu.vector_load %arg10[%get3A_196, %get3A_197] {strides = array<i32>} : memref<80x128xf32, #tpu.memory_space<vmem>>, vector<1x16xf32>,
      %get3A_199 = vector.shape_cast %get3A_198 : vector<1x16xf32> to vector<16xf32>
      %get3A_200 = arith.index_cast %scan3A_155 : i32 to index
      %get3A_201 = arith.constant 48 : index
      %get3A_202 = tpu.vector_load %arg12[%get3A_200, %get3A_201] {strides = array<i32>} : memref<80x128xf32, #tpu.memory_space<vmem>>, vector<1x16xf32>,
      %get3A_203 = vector.shape_cast %get3A_202 : vector<1x16xf32> to vector<16xf32>
      %add3A_204 = arith.addf %get3A_199, %get3A_203 : vector<16xf32>
      %swap3A_205 = arith.index_cast %scan3A_155 : i32 to index
      %swap3A_206 = arith.constant 48 : index
      %swap3A_207 = tpu.vector_load %arg14[%swap3A_205, %swap3A_206] {strides = array<i32>} : memref<80x128xf32, #tpu.memory_space<vmem>>, vector<1x16xf32>,
      %swap3A_208 = vector.shape_cast %swap3A_207 : vector<1x16xf32> to vector<16xf32>
      %swap3A_209 = vector.shape_cast %add3A_204 : vector<16xf32> to vector<1x16xf32>
      tpu.vector_store %arg14[%swap3A_205, %swap3A_206], %swap3A_209 {strides = array<i32>} : memref<80x128xf32, #tpu.memory_space<vmem>>, vector<1x16xf32>,
      %get3A_210 = arith.index_cast %scan3A_155 : i32 to index
      %get3A_211 = arith.constant 64 : index
      %get3A_212 = tpu.vector_load %arg10[%get3A_210, %get3A_211] {strides = array<i32>} : memref<80x128xf32, #tpu.memory_space<vmem>>, vector<1x16xf32>,
      %get3A_213 = vector.shape_cast %get3A_212 : vector<1x16xf32> to vector<16xf32>
      %get3A_214 = arith.index_cast %scan3A_155 : i32 to index
      %get3A_215 = arith.constant 64 : index
      %get3A_216 = tpu.vector_load %arg12[%get3A_214, %get3A_215] {strides = array<i32>} : memref<80x128xf32, #tpu.memory_space<vmem>>, vector<1x16xf32>,
      %get3A_217 = vector.shape_cast %get3A_216 : vector<1x16xf32> to vector<16xf32>
      %add3A_218 = arith.addf %get3A_213, %get3A_217 : vector<16xf32>
      %swap3A_219 = arith.index_cast %scan3A_155 : i32 to index
      %swap3A_220 = arith.constant 64 : index
      %swap3A_221 = tpu.vector_load %arg14[%swap3A_219, %swap3A_220] {strides = array<i32>} : memref<80x128xf32, #tpu.memory_space<vmem>>, vector<1x16xf32>,
      %swap3A_222 = vector.shape_cast %swap3A_221 : vector<1x16xf32> to vector<16xf32>
      %swap3A_223 = vector.shape_cast %add3A_218 : vector<16xf32> to vector<1x16xf32>
      tpu.vector_store %arg14[%swap3A_219, %swap3A_220], %swap3A_223 {strides = array<i32>} : memref<80x128xf32, #tpu.memory_space<vmem>>, vector<1x16xf32>,
      %get3A_224 = arith.index_cast %scan3A_155 : i32 to index
      %get3A_225 = arith.constant 80 : index
      %get3A_226 = tpu.vector_load %arg10[%get3A_224, %get3A_225] {strides = array<i32>} : memref<80x128xf32, #tpu.memory_space<vmem>>, vector<1x16xf32>,
      %get3A_227 = vector.shape_cast %get3A_226 : vector<1x16xf32> to vector<16xf32>
      %get3A_228 = arith.index_cast %scan3A_155 : i32 to index
      %get3A_229 = arith.constant 80 : index
      %get3A_230 = tpu.vector_load %arg12[%get3A_228, %get3A_229] {strides = array<i32>} : memref<80x128xf32, #tpu.memory_space<vmem>>, vector<1x16xf32>,
      %get3A_231 = vector.shape_cast %get3A_230 : vector<1x16xf32> to vector<16xf32>
      %add3A_232 = arith.addf %get3A_227, %get3A_231 : vector<16xf32>
      %swap3A_233 = arith.index_cast %scan3A_155 : i32 to index
      %swap3A_234 = arith.constant 80 : index
      %swap3A_235 = tpu.vector_load %arg14[%swap3A_233, %swap3A_234] {strides = array<i32>} : memref<80x128xf32, #tpu.memory_space<vmem>>, vector<1x16xf32>,
      %swap3A_236 = vector.shape_cast %swap3A_235 : vector<1x16xf32> to vector<16xf32>
      %swap3A_237 = vector.shape_cast %add3A_232 : vector<16xf32> to vector<1x16xf32>
      tpu.vector_store %arg14[%swap3A_233, %swap3A_234], %swap3A_237 {strides = array<i32>} : memref<80x128xf32, #tpu.memory_space<vmem>>, vector<1x16xf32>,
      %get3A_238 = arith.index_cast %scan3A_155 : i32 to index
      %get3A_239 = arith.constant 96 : index
      %get3A_240 = tpu.vector_load %arg10[%get3A_238, %get3A_239] {strides = array<i32>} : memref<80x128xf32, #tpu.memory_space<vmem>>, vector<1x16xf32>,
      %get3A_241 = vector.shape_cast %get3A_240 : vector<1x16xf32> to vector<16xf32>
      %get3A_242 = arith.index_cast %scan3A_155 : i32 to index
      %get3A_243 = arith.constant 96 : index
      %get3A_244 = tpu.vector_load %arg12[%get3A_242, %get3A_243] {strides = array<i32>} : memref<80x128xf32, #tpu.memory_space<vmem>>, vector<1x16xf32>,
      %get3A_245 = vector.shape_cast %get3A_244 : vector<1x16xf32> to vector<16xf32>
      %add3A_246 = arith.addf %get3A_241, %get3A_245 : vector<16xf32>
      %swap3A_247 = arith.index_cast %scan3A_155 : i32 to index
      %swap3A_248 = arith.constant 96 : index
      %swap3A_249 = tpu.vector_load %arg14[%swap3A_247, %swap3A_248] {strides = array<i32>} : memref<80x128xf32, #tpu.memory_space<vmem>>, vector<1x16xf32>,
      %swap3A_250 = vector.shape_cast %swap3A_249 : vector<1x16xf32> to vector<16xf32>
      %swap3A_251 = vector.shape_cast %add3A_246 : vector<16xf32> to vector<1x16xf32>
      tpu.vector_store %arg14[%swap3A_247, %swap3A_248], %swap3A_251 {strides = array<i32>} : memref<80x128xf32, #tpu.memory_space<vmem>>, vector<1x16xf32>,
      %get3A_252 = arith.index_cast %scan3A_155 : i32 to index
      %get3A_253 = arith.constant 112 : index
      %get3A_254 = tpu.vector_load %arg10[%get3A_252, %get3A_253] {strides = array<i32>} : memref<80x128xf32, #tpu.memory_space<vmem>>, vector<1x16xf32>,
      %get3A_255 = vector.shape_cast %get3A_254 : vector<1x16xf32> to vector<16xf32>
      %get3A_256 = arith.index_cast %scan3A_155 : i32 to index
      %get3A_257 = arith.constant 112 : index
      %get3A_258 = tpu.vector_load %arg12[%get3A_256, %get3A_257] {strides = array<i32>} : memref<80x128xf32, #tpu.memory_space<vmem>>, vector<1x16xf32>,
      %get3A_259 = vector.shape_cast %get3A_258 : vector<1x16xf32> to vector<16xf32>
      %add3A_260 = arith.addf %get3A_255, %get3A_259 : vector<16xf32>
      %swap3A_261 = arith.index_cast %scan3A_155 : i32 to index
      %swap3A_262 = arith.constant 112 : index
      %swap3A_263 = tpu.vector_load %arg14[%swap3A_261, %swap3A_262] {strides = array<i32>} : memref<80x128xf32, #tpu.memory_space<vmem>>, vector<1x16xf32>,
      %swap3A_264 = vector.shape_cast %swap3A_263 : vector<1x16xf32> to vector<16xf32>
      %swap3A_265 = vector.shape_cast %add3A_260 : vector<16xf32> to vector<1x16xf32>
      tpu.vector_store %arg14[%swap3A_261, %swap3A_262], %swap3A_265 {strides = array<i32>} : memref<80x128xf32, #tpu.memory_space<vmem>>, vector<1x16xf32>,
    }
    %scan3A_78 = arith.constant 80 : i32
    %add3A_79 = arith.constant 1 : i32
    %add3A_80 = arith.constant 2 : i32
    %add3A_81 = arith.addi %add3A_79, %add3A_80 : i32
    %lt3A_82 = arith.constant 125 : i32
    %lt3A_83 = arith.cmpi slt, %add3A_81, %lt3A_82 : i32
    %convert_element_type3A_84 = arith.extui %lt3A_83 : i1 to i32
    %cond3A_85 = arith.constant 0 : i32
    %cond3A_86 = arith.cmpi ne, %convert_element_type3A_84, %cond3A_85 : i32
    scf.if %cond3A_86 {
      %add3A_155 = arith.constant 1 : i32
      %add3A_156 = arith.constant 2 : i32
      %add3A_157 = arith.addi %add3A_155, %add3A_156 : i32
      %dma_start3A_158 = arith.constant 0 : i32
      %dma_start3A_159 = tpu.memref_slice %arg7[%add3A_157, %dma_start3A_158] : memref<125x80xi32, #tpu.memory_space<vmem>> -> memref<1x80xi32, #tpu.memory_space<vmem>>
      %dma_start3A_160 = tpu.memref_squeeze %dma_start3A_159 : memref<1x80xi32, #tpu.memory_space<vmem>> -> memref<80xi32, #tpu.memory_space<vmem>>
      %dma_start3A_161 = arith.constant 0 : i32
      %dma_start3A_162 = arith.constant 0 : i32
      %dma_start3A_163 = tpu.memref_slice %arg2[%dma_start3A_161, %dma_start3A_162] : memref<10000x128xf32, #tpu.memory_space<hbm>> -> memref<10000x128xf32, #tpu.memory_space<hbm>>
      tpu.enqueue_indirect_dma source(%dma_start3A_163 : memref<10000x128xf32, #tpu.memory_space<hbm>>) target(%arg10 : memref<80x128xf32, #tpu.memory_space<vmem>>) offsets(%dma_start3A_160 : memref<80xi32, #tpu.memory_space<vmem>>) semaphore(%arg16 : memref<!tpu.dma_semaphore, #tpu.memory_space<semaphore_mem>>)
      %dma_start3A_164 = arith.constant 0 : i32
      %dma_start3A_165 = tpu.memref_slice %arg8[%add3A_157, %dma_start3A_164] : memref<125x80xi32, #tpu.memory_space<vmem>> -> memref<1x80xi32, #tpu.memory_space<vmem>>
      %dma_start3A_166 = tpu.memref_squeeze %dma_start3A_165 : memref<1x80xi32, #tpu.memory_space<vmem>> -> memref<80xi32, #tpu.memory_space<vmem>>
      %dma_start3A_167 = arith.constant 0 : i32
      %dma_start3A_168 = arith.constant 0 : i32
      %dma_start3A_169 = tpu.memref_slice %arg3[%dma_start3A_167, %dma_start3A_168] : memref<10000x128xf32, #tpu.memory_space<hbm>> -> memref<10000x128xf32, #tpu.memory_space<hbm>>
      tpu.enqueue_indirect_dma source(%dma_start3A_169 : memref<10000x128xf32, #tpu.memory_space<hbm>>) target(%arg12 : memref<80x128xf32, #tpu.memory_space<vmem>>) offsets(%dma_start3A_166 : memref<80xi32, #tpu.memory_space<vmem>>) semaphore(%arg18 : memref<!tpu.dma_semaphore, #tpu.memory_space<semaphore_mem>>)
    } else {
    }
    %mul3A_87 = arith.constant 10000 : i32
    %mul3A_88 = arith.muli %add3A, %mul3A_87 : i32
    %add3A_89 = arith.constant 80 : i32
    %add3A_90 = arith.addi %mul3A_88, %add3A_89 : i32
    %dma_start3A_91 = arith.constant 0 : i32
    %dma_start3A_92 = tpu.memref_slice %arg6[%add3A_90, %dma_start3A_91] : memref<320000x128xf32, #tpu.memory_space<hbm>> -> memref<80x128xf32, #tpu.memory_space<hbm>>
    %dma_start3A_93 = arith.constant 0 : i32
    %dma_start3A_94 = tpu.memref_slice %arg6[%add3A_90, %dma_start3A_93] : memref<320000x128xf32, #tpu.memory_space<hbm>> -> memref<80x128xf32, #tpu.memory_space<hbm>>
    tpu.enqueue_dma source(%arg14 : memref<80x128xf32, #tpu.memory_space<vmem>>) target(%dma_start3A_94 : memref<80x128xf32, #tpu.memory_space<hbm>>) target_semaphore(%arg20 : memref<!tpu.dma_semaphore, #tpu.memory_space<semaphore_mem>>)
    %scan3A_95 = arith.constant 0 : i32
    %scan3A_96 = arith.constant 1 : i32
    %scan3A_97 = arith.constant 61 : i32
    %scan3A_98 = arith.addi %scan3A_96, %scan3A_97 : i32
    %scan3A_99 = arith.constant 1 : i32
    scf.for %scan3A_155 = %scan3A_96 to %scan3A_98 step %scan3A_99  : i32 {
      %mul3A_156 = arith.constant 2 : i32
      %mul3A_157 = arith.muli %mul3A_156, %scan3A_155 : i32
      %dma_wait3A_158 = arith.constant 0 : i32
      %dma_wait3A_159 = tpu.memref_slice %arg7[%mul3A_157, %dma_wait3A_158] : memref<125x80xi32, #tpu.memory_space<vmem>> -> memref<1x80xi32, #tpu.memory_space<vmem>>
      %dma_wait3A_160 = tpu.memref_squeeze %dma_wait3A_159 : memref<1x80xi32, #tpu.memory_space<vmem>> -> memref<80xi32, #tpu.memory_space<vmem>>
      %dma_wait3A_161 = arith.constant 0 : i32
      %dma_wait3A_162 = arith.constant 0 : i32
      %dma_wait3A_163 = tpu.memref_slice %arg2[%dma_wait3A_161, %dma_wait3A_162] : memref<10000x128xf32, #tpu.memory_space<hbm>> -> memref<10000x128xf32, #tpu.memory_space<hbm>>
      tpu.wait_indirect_dma semaphore(%arg15 : memref<!tpu.dma_semaphore, #tpu.memory_space<semaphore_mem>>) src(%dma_wait3A_163 : memref<10000x128xf32, #tpu.memory_space<hbm>>) dst(%arg9 : memref<80x128xf32, #tpu.memory_space<vmem>>)
      %dma_wait3A_164 = arith.constant 0 : i32
      %dma_wait3A_165 = tpu.memref_slice %arg8[%mul3A_157, %dma_wait3A_164] : memref<125x80xi32, #tpu.memory_space<vmem>> -> memref<1x80xi32, #tpu.memory_space<vmem>>
      %dma_wait3A_166 = tpu.memref_squeeze %dma_wait3A_165 : memref<1x80xi32, #tpu.memory_space<vmem>> -> memref<80xi32, #tpu.memory_space<vmem>>
      %dma_wait3A_167 = arith.constant 0 : i32
      %dma_wait3A_168 = arith.constant 0 : i32
      %dma_wait3A_169 = tpu.memref_slice %arg3[%dma_wait3A_167, %dma_wait3A_168] : memref<10000x128xf32, #tpu.memory_space<hbm>> -> memref<10000x128xf32, #tpu.memory_space<hbm>>
      tpu.wait_indirect_dma semaphore(%arg17 : memref<!tpu.dma_semaphore, #tpu.memory_space<semaphore_mem>>) src(%dma_wait3A_169 : memref<10000x128xf32, #tpu.memory_space<hbm>>) dst(%arg11 : memref<80x128xf32, #tpu.memory_space<vmem>>)
      %dma_wait3A_170 = arith.constant 0 : i32
      %dma_wait3A_171 = arith.constant 0 : i32
      %dma_wait3A_172 = tpu.memref_slice %arg6[%dma_wait3A_170, %dma_wait3A_171] : memref<320000x128xf32, #tpu.memory_space<hbm>> -> memref<80x128xf32, #tpu.memory_space<hbm>>
      %dma_wait3A_173 = arith.constant 0 : i32
      %dma_wait3A_174 = arith.constant 0 : i32
      %dma_wait3A_175 = tpu.memref_slice %arg6[%dma_wait3A_173, %dma_wait3A_174] : memref<320000x128xf32, #tpu.memory_space<hbm>> -> memref<80x128xf32, #tpu.memory_space<hbm>>
      tpu.wait_dma2 semaphore(%arg19 : memref<!tpu.dma_semaphore, #tpu.memory_space<semaphore_mem>>) src(%arg13 : memref<80x128xf32, #tpu.memory_space<vmem>>) dst(%dma_wait3A_175 : memref<80x128xf32, #tpu.memory_space<hbm>>)
      %scan3A_176 = arith.constant 0 : i32
      %scan3A_177 = arith.constant 0 : i32
      %scan3A_178 = arith.constant 80 : i32
      %scan3A_179 = arith.addi %scan3A_177, %scan3A_178 : i32
      %scan3A_180 = arith.constant 1 : i32
      scf.for %scan3A_242 = %scan3A_177 to %scan3A_179 step %scan3A_180  : i32 {
        %get3A = arith.index_cast %scan3A_242 : i32 to index
        %get3A_243 = arith.constant 0 : index
        %get3A_244 = tpu.vector_load %arg9[%get3A, %get3A_243] {strides = array<i32>} : memref<80x128xf32, #tpu.memory_space<vmem>>, vector<1x16xf32>,
        %get3A_245 = vector.shape_cast %get3A_244 : vector<1x16xf32> to vector<16xf32>
        %get3A_246 = arith.index_cast %scan3A_242 : i32 to index
        %get3A_247 = arith.constant 0 : index
        %get3A_248 = tpu.vector_load %arg11[%get3A_246, %get3A_247] {strides = array<i32>} : memref<80x128xf32, #tpu.memory_space<vmem>>, vector<1x16xf32>,
        %get3A_249 = vector.shape_cast %get3A_248 : vector<1x16xf32> to vector<16xf32>
        %add3A_250 = arith.addf %get3A_245, %get3A_249 : vector<16xf32>
        %swap3A = arith.index_cast %scan3A_242 : i32 to index
        %swap3A_251 = arith.constant 0 : index
        %swap3A_252 = tpu.vector_load %arg13[%swap3A, %swap3A_251] {strides = array<i32>} : memref<80x128xf32, #tpu.memory_space<vmem>>, vector<1x16xf32>,
        %swap3A_253 = vector.shape_cast %swap3A_252 : vector<1x16xf32> to vector<16xf32>
        %swap3A_254 = vector.shape_cast %add3A_250 : vector<16xf32> to vector<1x16xf32>
        tpu.vector_store %arg13[%swap3A, %swap3A_251], %swap3A_254 {strides = array<i32>} : memref<80x128xf32, #tpu.memory_space<vmem>>, vector<1x16xf32>,
        %get3A_255 = arith.index_cast %scan3A_242 : i32 to index
        %get3A_256 = arith.constant 16 : index
        %get3A_257 = tpu.vector_load %arg9[%get3A_255, %get3A_256] {strides = array<i32>} : memref<80x128xf32, #tpu.memory_space<vmem>>, vector<1x16xf32>,
        %get3A_258 = vector.shape_cast %get3A_257 : vector<1x16xf32> to vector<16xf32>
        %get3A_259 = arith.index_cast %scan3A_242 : i32 to index
        %get3A_260 = arith.constant 16 : index
        %get3A_261 = tpu.vector_load %arg11[%get3A_259, %get3A_260] {strides = array<i32>} : memref<80x128xf32, #tpu.memory_space<vmem>>, vector<1x16xf32>,
        %get3A_262 = vector.shape_cast %get3A_261 : vector<1x16xf32> to vector<16xf32>
        %add3A_263 = arith.addf %get3A_258, %get3A_262 : vector<16xf32>
        %swap3A_264 = arith.index_cast %scan3A_242 : i32 to index
        %swap3A_265 = arith.constant 16 : index
        %swap3A_266 = tpu.vector_load %arg13[%swap3A_264, %swap3A_265] {strides = array<i32>} : memref<80x128xf32, #tpu.memory_space<vmem>>, vector<1x16xf32>,
        %swap3A_267 = vector.shape_cast %swap3A_266 : vector<1x16xf32> to vector<16xf32>
        %swap3A_268 = vector.shape_cast %add3A_263 : vector<16xf32> to vector<1x16xf32>
        tpu.vector_store %arg13[%swap3A_264, %swap3A_265], %swap3A_268 {strides = array<i32>} : memref<80x128xf32, #tpu.memory_space<vmem>>, vector<1x16xf32>,
        %get3A_269 = arith.index_cast %scan3A_242 : i32 to index
        %get3A_270 = arith.constant 32 : index
        %get3A_271 = tpu.vector_load %arg9[%get3A_269, %get3A_270] {strides = array<i32>} : memref<80x128xf32, #tpu.memory_space<vmem>>, vector<1x16xf32>,
        %get3A_272 = vector.shape_cast %get3A_271 : vector<1x16xf32> to vector<16xf32>
        %get3A_273 = arith.index_cast %scan3A_242 : i32 to index
        %get3A_274 = arith.constant 32 : index
        %get3A_275 = tpu.vector_load %arg11[%get3A_273, %get3A_274] {strides = array<i32>} : memref<80x128xf32, #tpu.memory_space<vmem>>, vector<1x16xf32>,
        %get3A_276 = vector.shape_cast %get3A_275 : vector<1x16xf32> to vector<16xf32>
        %add3A_277 = arith.addf %get3A_272, %get3A_276 : vector<16xf32>
        %swap3A_278 = arith.index_cast %scan3A_242 : i32 to index
        %swap3A_279 = arith.constant 32 : index
        %swap3A_280 = tpu.vector_load %arg13[%swap3A_278, %swap3A_279] {strides = array<i32>} : memref<80x128xf32, #tpu.memory_space<vmem>>, vector<1x16xf32>,
        %swap3A_281 = vector.shape_cast %swap3A_280 : vector<1x16xf32> to vector<16xf32>
        %swap3A_282 = vector.shape_cast %add3A_277 : vector<16xf32> to vector<1x16xf32>
        tpu.vector_store %arg13[%swap3A_278, %swap3A_279], %swap3A_282 {strides = array<i32>} : memref<80x128xf32, #tpu.memory_space<vmem>>, vector<1x16xf32>,
        %get3A_283 = arith.index_cast %scan3A_242 : i32 to index
        %get3A_284 = arith.constant 48 : index
        %get3A_285 = tpu.vector_load %arg9[%get3A_283, %get3A_284] {strides = array<i32>} : memref<80x128xf32, #tpu.memory_space<vmem>>, vector<1x16xf32>,
        %get3A_286 = vector.shape_cast %get3A_285 : vector<1x16xf32> to vector<16xf32>
        %get3A_287 = arith.index_cast %scan3A_242 : i32 to index
        %get3A_288 = arith.constant 48 : index
        %get3A_289 = tpu.vector_load %arg11[%get3A_287, %get3A_288] {strides = array<i32>} : memref<80x128xf32, #tpu.memory_space<vmem>>, vector<1x16xf32>,
        %get3A_290 = vector.shape_cast %get3A_289 : vector<1x16xf32> to vector<16xf32>
        %add3A_291 = arith.addf %get3A_286, %get3A_290 : vector<16xf32>
        %swap3A_292 = arith.index_cast %scan3A_242 : i32 to index
        %swap3A_293 = arith.constant 48 : index
        %swap3A_294 = tpu.vector_load %arg13[%swap3A_292, %swap3A_293] {strides = array<i32>} : memref<80x128xf32, #tpu.memory_space<vmem>>, vector<1x16xf32>,
        %swap3A_295 = vector.shape_cast %swap3A_294 : vector<1x16xf32> to vector<16xf32>
        %swap3A_296 = vector.shape_cast %add3A_291 : vector<16xf32> to vector<1x16xf32>
        tpu.vector_store %arg13[%swap3A_292, %swap3A_293], %swap3A_296 {strides = array<i32>} : memref<80x128xf32, #tpu.memory_space<vmem>>, vector<1x16xf32>,
        %get3A_297 = arith.index_cast %scan3A_242 : i32 to index
        %get3A_298 = arith.constant 64 : index
        %get3A_299 = tpu.vector_load %arg9[%get3A_297, %get3A_298] {strides = array<i32>} : memref<80x128xf32, #tpu.memory_space<vmem>>, vector<1x16xf32>,
        %get3A_300 = vector.shape_cast %get3A_299 : vector<1x16xf32> to vector<16xf32>
        %get3A_301 = arith.index_cast %scan3A_242 : i32 to index
        %get3A_302 = arith.constant 64 : index
        %get3A_303 = tpu.vector_load %arg11[%get3A_301, %get3A_302] {strides = array<i32>} : memref<80x128xf32, #tpu.memory_space<vmem>>, vector<1x16xf32>,
        %get3A_304 = vector.shape_cast %get3A_303 : vector<1x16xf32> to vector<16xf32>
        %add3A_305 = arith.addf %get3A_300, %get3A_304 : vector<16xf32>
        %swap3A_306 = arith.index_cast %scan3A_242 : i32 to index
        %swap3A_307 = arith.constant 64 : index
        %swap3A_308 = tpu.vector_load %arg13[%swap3A_306, %swap3A_307] {strides = array<i32>} : memref<80x128xf32, #tpu.memory_space<vmem>>, vector<1x16xf32>,
        %swap3A_309 = vector.shape_cast %swap3A_308 : vector<1x16xf32> to vector<16xf32>
        %swap3A_310 = vector.shape_cast %add3A_305 : vector<16xf32> to vector<1x16xf32>
        tpu.vector_store %arg13[%swap3A_306, %swap3A_307], %swap3A_310 {strides = array<i32>} : memref<80x128xf32, #tpu.memory_space<vmem>>, vector<1x16xf32>,
        %get3A_311 = arith.index_cast %scan3A_242 : i32 to index
        %get3A_312 = arith.constant 80 : index
        %get3A_313 = tpu.vector_load %arg9[%get3A_311, %get3A_312] {strides = array<i32>} : memref<80x128xf32, #tpu.memory_space<vmem>>, vector<1x16xf32>,
        %get3A_314 = vector.shape_cast %get3A_313 : vector<1x16xf32> to vector<16xf32>
        %get3A_315 = arith.index_cast %scan3A_242 : i32 to index
        %get3A_316 = arith.constant 80 : index
        %get3A_317 = tpu.vector_load %arg11[%get3A_315, %get3A_316] {strides = array<i32>} : memref<80x128xf32, #tpu.memory_space<vmem>>, vector<1x16xf32>,
        %get3A_318 = vector.shape_cast %get3A_317 : vector<1x16xf32> to vector<16xf32>
        %add3A_319 = arith.addf %get3A_314, %get3A_318 : vector<16xf32>
        %swap3A_320 = arith.index_cast %scan3A_242 : i32 to index
        %swap3A_321 = arith.constant 80 : index
        %swap3A_322 = tpu.vector_load %arg13[%swap3A_320, %swap3A_321] {strides = array<i32>} : memref<80x128xf32, #tpu.memory_space<vmem>>, vector<1x16xf32>,
        %swap3A_323 = vector.shape_cast %swap3A_322 : vector<1x16xf32> to vector<16xf32>
        %swap3A_324 = vector.shape_cast %add3A_319 : vector<16xf32> to vector<1x16xf32>
        tpu.vector_store %arg13[%swap3A_320, %swap3A_321], %swap3A_324 {strides = array<i32>} : memref<80x128xf32, #tpu.memory_space<vmem>>, vector<1x16xf32>,
        %get3A_325 = arith.index_cast %scan3A_242 : i32 to index
        %get3A_326 = arith.constant 96 : index
        %get3A_327 = tpu.vector_load %arg9[%get3A_325, %get3A_326] {strides = array<i32>} : memref<80x128xf32, #tpu.memory_space<vmem>>, vector<1x16xf32>,
        %get3A_328 = vector.shape_cast %get3A_327 : vector<1x16xf32> to vector<16xf32>
        %get3A_329 = arith.index_cast %scan3A_242 : i32 to index
        %get3A_330 = arith.constant 96 : index
        %get3A_331 = tpu.vector_load %arg11[%get3A_329, %get3A_330] {strides = array<i32>} : memref<80x128xf32, #tpu.memory_space<vmem>>, vector<1x16xf32>,
        %get3A_332 = vector.shape_cast %get3A_331 : vector<1x16xf32> to vector<16xf32>
        %add3A_333 = arith.addf %get3A_328, %get3A_332 : vector<16xf32>
        %swap3A_334 = arith.index_cast %scan3A_242 : i32 to index
        %swap3A_335 = arith.constant 96 : index
        %swap3A_336 = tpu.vector_load %arg13[%swap3A_334, %swap3A_335] {strides = array<i32>} : memref<80x128xf32, #tpu.memory_space<vmem>>, vector<1x16xf32>,
        %swap3A_337 = vector.shape_cast %swap3A_336 : vector<1x16xf32> to vector<16xf32>
        %swap3A_338 = vector.shape_cast %add3A_333 : vector<16xf32> to vector<1x16xf32>
        tpu.vector_store %arg13[%swap3A_334, %swap3A_335], %swap3A_338 {strides = array<i32>} : memref<80x128xf32, #tpu.memory_space<vmem>>, vector<1x16xf32>,
        %get3A_339 = arith.index_cast %scan3A_242 : i32 to index
        %get3A_340 = arith.constant 112 : index
        %get3A_341 = tpu.vector_load %arg9[%get3A_339, %get3A_340] {strides = array<i32>} : memref<80x128xf32, #tpu.memory_space<vmem>>, vector<1x16xf32>,
        %get3A_342 = vector.shape_cast %get3A_341 : vector<1x16xf32> to vector<16xf32>
        %get3A_343 = arith.index_cast %scan3A_242 : i32 to index
        %get3A_344 = arith.constant 112 : index
        %get3A_345 = tpu.vector_load %arg11[%get3A_343, %get3A_344] {strides = array<i32>} : memref<80x128xf32, #tpu.memory_space<vmem>>, vector<1x16xf32>,
        %get3A_346 = vector.shape_cast %get3A_345 : vector<1x16xf32> to vector<16xf32>
        %add3A_347 = arith.addf %get3A_342, %get3A_346 : vector<16xf32>
        %swap3A_348 = arith.index_cast %scan3A_242 : i32 to index
        %swap3A_349 = arith.constant 112 : index
        %swap3A_350 = tpu.vector_load %arg13[%swap3A_348, %swap3A_349] {strides = array<i32>} : memref<80x128xf32, #tpu.memory_space<vmem>>, vector<1x16xf32>,
        %swap3A_351 = vector.shape_cast %swap3A_350 : vector<1x16xf32> to vector<16xf32>
        %swap3A_352 = vector.shape_cast %add3A_347 : vector<16xf32> to vector<1x16xf32>
        tpu.vector_store %arg13[%swap3A_348, %swap3A_349], %swap3A_352 {strides = array<i32>} : memref<80x128xf32, #tpu.memory_space<vmem>>, vector<1x16xf32>,
      }
      %scan3A_181 = arith.constant 80 : i32
      %add3A_182 = arith.constant 2 : i32
      %add3A_183 = arith.addi %mul3A_157, %add3A_182 : i32
      %lt3A_184 = arith.constant 125 : i32
      %lt3A_185 = arith.cmpi slt, %add3A_183, %lt3A_184 : i32
      %convert_element_type3A_186 = arith.extui %lt3A_185 : i1 to i32
      %cond3A_187 = arith.constant 0 : i32
      %cond3A_188 = arith.cmpi ne, %convert_element_type3A_186, %cond3A_187 : i32
      scf.if %cond3A_188 {
        %add3A_242 = arith.constant 2 : i32
        %add3A_243 = arith.addi %mul3A_157, %add3A_242 : i32
        %dma_start3A_244 = arith.constant 0 : i32
        %dma_start3A_245 = tpu.memref_slice %arg7[%add3A_243, %dma_start3A_244] : memref<125x80xi32, #tpu.memory_space<vmem>> -> memref<1x80xi32, #tpu.memory_space<vmem>>
        %dma_start3A_246 = tpu.memref_squeeze %dma_start3A_245 : memref<1x80xi32, #tpu.memory_space<vmem>> -> memref<80xi32, #tpu.memory_space<vmem>>
        %dma_start3A_247 = arith.constant 0 : i32
        %dma_start3A_248 = arith.constant 0 : i32
        %dma_start3A_249 = tpu.memref_slice %arg2[%dma_start3A_247, %dma_start3A_248] : memref<10000x128xf32, #tpu.memory_space<hbm>> -> memref<10000x128xf32, #tpu.memory_space<hbm>>
        tpu.enqueue_indirect_dma source(%dma_start3A_249 : memref<10000x128xf32, #tpu.memory_space<hbm>>) target(%arg9 : memref<80x128xf32, #tpu.memory_space<vmem>>) offsets(%dma_start3A_246 : memref<80xi32, #tpu.memory_space<vmem>>) semaphore(%arg15 : memref<!tpu.dma_semaphore, #tpu.memory_space<semaphore_mem>>)
        %dma_start3A_250 = arith.constant 0 : i32
        %dma_start3A_251 = tpu.memref_slice %arg8[%add3A_243, %dma_start3A_250] : memref<125x80xi32, #tpu.memory_space<vmem>> -> memref<1x80xi32, #tpu.memory_space<vmem>>
        %dma_start3A_252 = tpu.memref_squeeze %dma_start3A_251 : memref<1x80xi32, #tpu.memory_space<vmem>> -> memref<80xi32, #tpu.memory_space<vmem>>
        %dma_start3A_253 = arith.constant 0 : i32
        %dma_start3A_254 = arith.constant 0 : i32
        %dma_start3A_255 = tpu.memref_slice %arg3[%dma_start3A_253, %dma_start3A_254] : memref<10000x128xf32, #tpu.memory_space<hbm>> -> memref<10000x128xf32, #tpu.memory_space<hbm>>
        tpu.enqueue_indirect_dma source(%dma_start3A_255 : memref<10000x128xf32, #tpu.memory_space<hbm>>) target(%arg11 : memref<80x128xf32, #tpu.memory_space<vmem>>) offsets(%dma_start3A_252 : memref<80xi32, #tpu.memory_space<vmem>>) semaphore(%arg17 : memref<!tpu.dma_semaphore, #tpu.memory_space<semaphore_mem>>)
      } else {
      }
      %mul3A_189 = arith.constant 10000 : i32
      %mul3A_190 = arith.muli %add3A, %mul3A_189 : i32
      %mul3A_191 = arith.constant 80 : i32
      %mul3A_192 = arith.muli %mul3A_157, %mul3A_191 : i32
      %add3A_193 = arith.addi %mul3A_190, %mul3A_192 : i32
      %dma_start3A_194 = arith.constant 0 : i32
      %dma_start3A_195 = tpu.memref_slice %arg6[%add3A_193, %dma_start3A_194] : memref<320000x128xf32, #tpu.memory_space<hbm>> -> memref<80x128xf32, #tpu.memory_space<hbm>>
      %dma_start3A_196 = arith.constant 0 : i32
      %dma_start3A_197 = tpu.memref_slice %arg6[%add3A_193, %dma_start3A_196] : memref<320000x128xf32, #tpu.memory_space<hbm>> -> memref<80x128xf32, #tpu.memory_space<hbm>>
      tpu.enqueue_dma source(%arg13 : memref<80x128xf32, #tpu.memory_space<vmem>>) target(%dma_start3A_197 : memref<80x128xf32, #tpu.memory_space<hbm>>) target_semaphore(%arg19 : memref<!tpu.dma_semaphore, #tpu.memory_space<semaphore_mem>>)
      %mul3A_198 = arith.constant 2 : i32
      %mul3A_199 = arith.muli %mul3A_198, %scan3A_155 : i32
      %add3A_200 = arith.constant 1 : i32
      %add3A_201 = arith.addi %mul3A_199, %add3A_200 : i32
      %dma_wait3A_202 = arith.constant 0 : i32
      %dma_wait3A_203 = tpu.memref_slice %arg7[%add3A_201, %dma_wait3A_202] : memref<125x80xi32, #tpu.memory_space<vmem>> -> memref<1x80xi32, #tpu.memory_space<vmem>>
      %dma_wait3A_204 = tpu.memref_squeeze %dma_wait3A_203 : memref<1x80xi32, #tpu.memory_space<vmem>> -> memref<80xi32, #tpu.memory_space<vmem>>
      %dma_wait3A_205 = arith.constant 0 : i32
      %dma_wait3A_206 = arith.constant 0 : i32
      %dma_wait3A_207 = tpu.memref_slice %arg2[%dma_wait3A_205, %dma_wait3A_206] : memref<10000x128xf32, #tpu.memory_space<hbm>> -> memref<10000x128xf32, #tpu.memory_space<hbm>>
      tpu.wait_indirect_dma semaphore(%arg16 : memref<!tpu.dma_semaphore, #tpu.memory_space<semaphore_mem>>) src(%dma_wait3A_207 : memref<10000x128xf32, #tpu.memory_space<hbm>>) dst(%arg10 : memref<80x128xf32, #tpu.memory_space<vmem>>)
      %dma_wait3A_208 = arith.constant 0 : i32
      %dma_wait3A_209 = tpu.memref_slice %arg8[%add3A_201, %dma_wait3A_208] : memref<125x80xi32, #tpu.memory_space<vmem>> -> memref<1x80xi32, #tpu.memory_space<vmem>>
      %dma_wait3A_210 = tpu.memref_squeeze %dma_wait3A_209 : memref<1x80xi32, #tpu.memory_space<vmem>> -> memref<80xi32, #tpu.memory_space<vmem>>
      %dma_wait3A_211 = arith.constant 0 : i32
      %dma_wait3A_212 = arith.constant 0 : i32
      %dma_wait3A_213 = tpu.memref_slice %arg3[%dma_wait3A_211, %dma_wait3A_212] : memref<10000x128xf32, #tpu.memory_space<hbm>> -> memref<10000x128xf32, #tpu.memory_space<hbm>>
      tpu.wait_indirect_dma semaphore(%arg18 : memref<!tpu.dma_semaphore, #tpu.memory_space<semaphore_mem>>) src(%dma_wait3A_213 : memref<10000x128xf32, #tpu.memory_space<hbm>>) dst(%arg12 : memref<80x128xf32, #tpu.memory_space<vmem>>)
      %dma_wait3A_214 = arith.constant 0 : i32
      %dma_wait3A_215 = arith.constant 0 : i32
      %dma_wait3A_216 = tpu.memref_slice %arg6[%dma_wait3A_214, %dma_wait3A_215] : memref<320000x128xf32, #tpu.memory_space<hbm>> -> memref<80x128xf32, #tpu.memory_space<hbm>>
      %dma_wait3A_217 = arith.constant 0 : i32
      %dma_wait3A_218 = arith.constant 0 : i32
      %dma_wait3A_219 = tpu.memref_slice %arg6[%dma_wait3A_217, %dma_wait3A_218] : memref<320000x128xf32, #tpu.memory_space<hbm>> -> memref<80x128xf32, #tpu.memory_space<hbm>>
      tpu.wait_dma2 semaphore(%arg20 : memref<!tpu.dma_semaphore, #tpu.memory_space<semaphore_mem>>) src(%arg14 : memref<80x128xf32, #tpu.memory_space<vmem>>) dst(%dma_wait3A_219 : memref<80x128xf32, #tpu.memory_space<hbm>>)
      %scan3A_220 = arith.constant 0 : i32
      %scan3A_221 = arith.constant 0 : i32
      %scan3A_222 = arith.constant 80 : i32
      %scan3A_223 = arith.addi %scan3A_221, %scan3A_222 : i32
      %scan3A_224 = arith.constant 1 : i32
      scf.for %scan3A_242 = %scan3A_221 to %scan3A_223 step %scan3A_224  : i32 {
        %get3A = arith.index_cast %scan3A_242 : i32 to index
        %get3A_243 = arith.constant 0 : index
        %get3A_244 = tpu.vector_load %arg10[%get3A, %get3A_243] {strides = array<i32>} : memref<80x128xf32, #tpu.memory_space<vmem>>, vector<1x16xf32>,
        %get3A_245 = vector.shape_cast %get3A_244 : vector<1x16xf32> to vector<16xf32>
        %get3A_246 = arith.index_cast %scan3A_242 : i32 to index
        %get3A_247 = arith.constant 0 : index
        %get3A_248 = tpu.vector_load %arg12[%get3A_246, %get3A_247] {strides = array<i32>} : memref<80x128xf32, #tpu.memory_space<vmem>>, vector<1x16xf32>,
        %get3A_249 = vector.shape_cast %get3A_248 : vector<1x16xf32> to vector<16xf32>
        %add3A_250 = arith.addf %get3A_245, %get3A_249 : vector<16xf32>
        %swap3A = arith.index_cast %scan3A_242 : i32 to index
        %swap3A_251 = arith.constant 0 : index
        %swap3A_252 = tpu.vector_load %arg14[%swap3A, %swap3A_251] {strides = array<i32>} : memref<80x128xf32, #tpu.memory_space<vmem>>, vector<1x16xf32>,
        %swap3A_253 = vector.shape_cast %swap3A_252 : vector<1x16xf32> to vector<16xf32>
        %swap3A_254 = vector.shape_cast %add3A_250 : vector<16xf32> to vector<1x16xf32>
        tpu.vector_store %arg14[%swap3A, %swap3A_251], %swap3A_254 {strides = array<i32>} : memref<80x128xf32, #tpu.memory_space<vmem>>, vector<1x16xf32>,
        %get3A_255 = arith.index_cast %scan3A_242 : i32 to index
        %get3A_256 = arith.constant 16 : index
        %get3A_257 = tpu.vector_load %arg10[%get3A_255, %get3A_256] {strides = array<i32>} : memref<80x128xf32, #tpu.memory_space<vmem>>, vector<1x16xf32>,
        %get3A_258 = vector.shape_cast %get3A_257 : vector<1x16xf32> to vector<16xf32>
        %get3A_259 = arith.index_cast %scan3A_242 : i32 to index
        %get3A_260 = arith.constant 16 : index
        %get3A_261 = tpu.vector_load %arg12[%get3A_259, %get3A_260] {strides = array<i32>} : memref<80x128xf32, #tpu.memory_space<vmem>>, vector<1x16xf32>,
        %get3A_262 = vector.shape_cast %get3A_261 : vector<1x16xf32> to vector<16xf32>
        %add3A_263 = arith.addf %get3A_258, %get3A_262 : vector<16xf32>
        %swap3A_264 = arith.index_cast %scan3A_242 : i32 to index
        %swap3A_265 = arith.constant 16 : index
        %swap3A_266 = tpu.vector_load %arg14[%swap3A_264, %swap3A_265] {strides = array<i32>} : memref<80x128xf32, #tpu.memory_space<vmem>>, vector<1x16xf32>,
        %swap3A_267 = vector.shape_cast %swap3A_266 : vector<1x16xf32> to vector<16xf32>
        %swap3A_268 = vector.shape_cast %add3A_263 : vector<16xf32> to vector<1x16xf32>
        tpu.vector_store %arg14[%swap3A_264, %swap3A_265], %swap3A_268 {strides = array<i32>} : memref<80x128xf32, #tpu.memory_space<vmem>>, vector<1x16xf32>,
        %get3A_269 = arith.index_cast %scan3A_242 : i32 to index
        %get3A_270 = arith.constant 32 : index
        %get3A_271 = tpu.vector_load %arg10[%get3A_269, %get3A_270] {strides = array<i32>} : memref<80x128xf32, #tpu.memory_space<vmem>>, vector<1x16xf32>,
        %get3A_272 = vector.shape_cast %get3A_271 : vector<1x16xf32> to vector<16xf32>
        %get3A_273 = arith.index_cast %scan3A_242 : i32 to index
        %get3A_274 = arith.constant 32 : index
        %get3A_275 = tpu.vector_load %arg12[%get3A_273, %get3A_274] {strides = array<i32>} : memref<80x128xf32, #tpu.memory_space<vmem>>, vector<1x16xf32>,
        %get3A_276 = vector.shape_cast %get3A_275 : vector<1x16xf32> to vector<16xf32>
        %add3A_277 = arith.addf %get3A_272, %get3A_276 : vector<16xf32>
        %swap3A_278 = arith.index_cast %scan3A_242 : i32 to index
        %swap3A_279 = arith.constant 32 : index
        %swap3A_280 = tpu.vector_load %arg14[%swap3A_278, %swap3A_279] {strides = array<i32>} : memref<80x128xf32, #tpu.memory_space<vmem>>, vector<1x16xf32>,
        %swap3A_281 = vector.shape_cast %swap3A_280 : vector<1x16xf32> to vector<16xf32>
        %swap3A_282 = vector.shape_cast %add3A_277 : vector<16xf32> to vector<1x16xf32>
        tpu.vector_store %arg14[%swap3A_278, %swap3A_279], %swap3A_282 {strides = array<i32>} : memref<80x128xf32, #tpu.memory_space<vmem>>, vector<1x16xf32>,
        %get3A_283 = arith.index_cast %scan3A_242 : i32 to index
        %get3A_284 = arith.constant 48 : index
        %get3A_285 = tpu.vector_load %arg10[%get3A_283, %get3A_284] {strides = array<i32>} : memref<80x128xf32, #tpu.memory_space<vmem>>, vector<1x16xf32>,
        %get3A_286 = vector.shape_cast %get3A_285 : vector<1x16xf32> to vector<16xf32>
        %get3A_287 = arith.index_cast %scan3A_242 : i32 to index
        %get3A_288 = arith.constant 48 : index
        %get3A_289 = tpu.vector_load %arg12[%get3A_287, %get3A_288] {strides = array<i32>} : memref<80x128xf32, #tpu.memory_space<vmem>>, vector<1x16xf32>,
        %get3A_290 = vector.shape_cast %get3A_289 : vector<1x16xf32> to vector<16xf32>
        %add3A_291 = arith.addf %get3A_286, %get3A_290 : vector<16xf32>
        %swap3A_292 = arith.index_cast %scan3A_242 : i32 to index
        %swap3A_293 = arith.constant 48 : index
        %swap3A_294 = tpu.vector_load %arg14[%swap3A_292, %swap3A_293] {strides = array<i32>} : memref<80x128xf32, #tpu.memory_space<vmem>>, vector<1x16xf32>,
        %swap3A_295 = vector.shape_cast %swap3A_294 : vector<1x16xf32> to vector<16xf32>
        %swap3A_296 = vector.shape_cast %add3A_291 : vector<16xf32> to vector<1x16xf32>
        tpu.vector_store %arg14[%swap3A_292, %swap3A_293], %swap3A_296 {strides = array<i32>} : memref<80x128xf32, #tpu.memory_space<vmem>>, vector<1x16xf32>,
        %get3A_297 = arith.index_cast %scan3A_242 : i32 to index
        %get3A_298 = arith.constant 64 : index
        %get3A_299 = tpu.vector_load %arg10[%get3A_297, %get3A_298] {strides = array<i32>} : memref<80x128xf32, #tpu.memory_space<vmem>>, vector<1x16xf32>,
        %get3A_300 = vector.shape_cast %get3A_299 : vector<1x16xf32> to vector<16xf32>
        %get3A_301 = arith.index_cast %scan3A_242 : i32 to index
        %get3A_302 = arith.constant 64 : index
        %get3A_303 = tpu.vector_load %arg12[%get3A_301, %get3A_302] {strides = array<i32>} : memref<80x128xf32, #tpu.memory_space<vmem>>, vector<1x16xf32>,
        %get3A_304 = vector.shape_cast %get3A_303 : vector<1x16xf32> to vector<16xf32>
        %add3A_305 = arith.addf %get3A_300, %get3A_304 : vector<16xf32>
        %swap3A_306 = arith.index_cast %scan3A_242 : i32 to index
        %swap3A_307 = arith.constant 64 : index
        %swap3A_308 = tpu.vector_load %arg14[%swap3A_306, %swap3A_307] {strides = array<i32>} : memref<80x128xf32, #tpu.memory_space<vmem>>, vector<1x16xf32>,
        %swap3A_309 = vector.shape_cast %swap3A_308 : vector<1x16xf32> to vector<16xf32>
        %swap3A_310 = vector.shape_cast %add3A_305 : vector<16xf32> to vector<1x16xf32>
        tpu.vector_store %arg14[%swap3A_306, %swap3A_307], %swap3A_310 {strides = array<i32>} : memref<80x128xf32, #tpu.memory_space<vmem>>, vector<1x16xf32>,
        %get3A_311 = arith.index_cast %scan3A_242 : i32 to index
        %get3A_312 = arith.constant 80 : index
        %get3A_313 = tpu.vector_load %arg10[%get3A_311, %get3A_312] {strides = array<i32>} : memref<80x128xf32, #tpu.memory_space<vmem>>, vector<1x16xf32>,
        %get3A_314 = vector.shape_cast %get3A_313 : vector<1x16xf32> to vector<16xf32>
        %get3A_315 = arith.index_cast %scan3A_242 : i32 to index
        %get3A_316 = arith.constant 80 : index
        %get3A_317 = tpu.vector_load %arg12[%get3A_315, %get3A_316] {strides = array<i32>} : memref<80x128xf32, #tpu.memory_space<vmem>>, vector<1x16xf32>,
        %get3A_318 = vector.shape_cast %get3A_317 : vector<1x16xf32> to vector<16xf32>
        %add3A_319 = arith.addf %get3A_314, %get3A_318 : vector<16xf32>
        %swap3A_320 = arith.index_cast %scan3A_242 : i32 to index
        %swap3A_321 = arith.constant 80 : index
        %swap3A_322 = tpu.vector_load %arg14[%swap3A_320, %swap3A_321] {strides = array<i32>} : memref<80x128xf32, #tpu.memory_space<vmem>>, vector<1x16xf32>,
        %swap3A_323 = vector.shape_cast %swap3A_322 : vector<1x16xf32> to vector<16xf32>
        %swap3A_324 = vector.shape_cast %add3A_319 : vector<16xf32> to vector<1x16xf32>
        tpu.vector_store %arg14[%swap3A_320, %swap3A_321], %swap3A_324 {strides = array<i32>} : memref<80x128xf32, #tpu.memory_space<vmem>>, vector<1x16xf32>,
        %get3A_325 = arith.index_cast %scan3A_242 : i32 to index
        %get3A_326 = arith.constant 96 : index
        %get3A_327 = tpu.vector_load %arg10[%get3A_325, %get3A_326] {strides = array<i32>} : memref<80x128xf32, #tpu.memory_space<vmem>>, vector<1x16xf32>,
        %get3A_328 = vector.shape_cast %get3A_327 : vector<1x16xf32> to vector<16xf32>
        %get3A_329 = arith.index_cast %scan3A_242 : i32 to index
        %get3A_330 = arith.constant 96 : index
        %get3A_331 = tpu.vector_load %arg12[%get3A_329, %get3A_330] {strides = array<i32>} : memref<80x128xf32, #tpu.memory_space<vmem>>, vector<1x16xf32>,
        %get3A_332 = vector.shape_cast %get3A_331 : vector<1x16xf32> to vector<16xf32>
        %add3A_333 = arith.addf %get3A_328, %get3A_332 : vector<16xf32>
        %swap3A_334 = arith.index_cast %scan3A_242 : i32 to index
        %swap3A_335 = arith.constant 96 : index
        %swap3A_336 = tpu.vector_load %arg14[%swap3A_334, %swap3A_335] {strides = array<i32>} : memref<80x128xf32, #tpu.memory_space<vmem>>, vector<1x16xf32>,
        %swap3A_337 = vector.shape_cast %swap3A_336 : vector<1x16xf32> to vector<16xf32>
        %swap3A_338 = vector.shape_cast %add3A_333 : vector<16xf32> to vector<1x16xf32>
        tpu.vector_store %arg14[%swap3A_334, %swap3A_335], %swap3A_338 {strides = array<i32>} : memref<80x128xf32, #tpu.memory_space<vmem>>, vector<1x16xf32>,
        %get3A_339 = arith.index_cast %scan3A_242 : i32 to index
        %get3A_340 = arith.constant 112 : index
        %get3A_341 = tpu.vector_load %arg10[%get3A_339, %get3A_340] {strides = array<i32>} : memref<80x128xf32, #tpu.memory_space<vmem>>, vector<1x16xf32>,
        %get3A_342 = vector.shape_cast %get3A_341 : vector<1x16xf32> to vector<16xf32>
        %get3A_343 = arith.index_cast %scan3A_242 : i32 to index
        %get3A_344 = arith.constant 112 : index
        %get3A_345 = tpu.vector_load %arg12[%get3A_343, %get3A_344] {strides = array<i32>} : memref<80x128xf32, #tpu.memory_space<vmem>>, vector<1x16xf32>,
        %get3A_346 = vector.shape_cast %get3A_345 : vector<1x16xf32> to vector<16xf32>
        %add3A_347 = arith.addf %get3A_342, %get3A_346 : vector<16xf32>
        %swap3A_348 = arith.index_cast %scan3A_242 : i32 to index
        %swap3A_349 = arith.constant 112 : index
        %swap3A_350 = tpu.vector_load %arg14[%swap3A_348, %swap3A_349] {strides = array<i32>} : memref<80x128xf32, #tpu.memory_space<vmem>>, vector<1x16xf32>,
        %swap3A_351 = vector.shape_cast %swap3A_350 : vector<1x16xf32> to vector<16xf32>
        %swap3A_352 = vector.shape_cast %add3A_347 : vector<16xf32> to vector<1x16xf32>
        tpu.vector_store %arg14[%swap3A_348, %swap3A_349], %swap3A_352 {strides = array<i32>} : memref<80x128xf32, #tpu.memory_space<vmem>>, vector<1x16xf32>,
      }
      %scan3A_225 = arith.constant 80 : i32
      %add3A_226 = arith.constant 2 : i32
      %add3A_227 = arith.addi %add3A_201, %add3A_226 : i32
      %lt3A_228 = arith.constant 125 : i32
      %lt3A_229 = arith.cmpi slt, %add3A_227, %lt3A_228 : i32
      %convert_element_type3A_230 = arith.extui %lt3A_229 : i1 to i32
      %cond3A_231 = arith.constant 0 : i32
      %cond3A_232 = arith.cmpi ne, %convert_element_type3A_230, %cond3A_231 : i32
      scf.if %cond3A_232 {
        %add3A_242 = arith.constant 2 : i32
        %add3A_243 = arith.addi %add3A_201, %add3A_242 : i32
        %dma_start3A_244 = arith.constant 0 : i32
        %dma_start3A_245 = tpu.memref_slice %arg7[%add3A_243, %dma_start3A_244] : memref<125x80xi32, #tpu.memory_space<vmem>> -> memref<1x80xi32, #tpu.memory_space<vmem>>
        %dma_start3A_246 = tpu.memref_squeeze %dma_start3A_245 : memref<1x80xi32, #tpu.memory_space<vmem>> -> memref<80xi32, #tpu.memory_space<vmem>>
        %dma_start3A_247 = arith.constant 0 : i32
        %dma_start3A_248 = arith.constant 0 : i32
        %dma_start3A_249 = tpu.memref_slice %arg2[%dma_start3A_247, %dma_start3A_248] : memref<10000x128xf32, #tpu.memory_space<hbm>> -> memref<10000x128xf32, #tpu.memory_space<hbm>>
        tpu.enqueue_indirect_dma source(%dma_start3A_249 : memref<10000x128xf32, #tpu.memory_space<hbm>>) target(%arg10 : memref<80x128xf32, #tpu.memory_space<vmem>>) offsets(%dma_start3A_246 : memref<80xi32, #tpu.memory_space<vmem>>) semaphore(%arg16 : memref<!tpu.dma_semaphore, #tpu.memory_space<semaphore_mem>>)
        %dma_start3A_250 = arith.constant 0 : i32
        %dma_start3A_251 = tpu.memref_slice %arg8[%add3A_243, %dma_start3A_250] : memref<125x80xi32, #tpu.memory_space<vmem>> -> memref<1x80xi32, #tpu.memory_space<vmem>>
        %dma_start3A_252 = tpu.memref_squeeze %dma_start3A_251 : memref<1x80xi32, #tpu.memory_space<vmem>> -> memref<80xi32, #tpu.memory_space<vmem>>
        %dma_start3A_253 = arith.constant 0 : i32
        %dma_start3A_254 = arith.constant 0 : i32
        %dma_start3A_255 = tpu.memref_slice %arg3[%dma_start3A_253, %dma_start3A_254] : memref<10000x128xf32, #tpu.memory_space<hbm>> -> memref<10000x128xf32, #tpu.memory_space<hbm>>
        tpu.enqueue_indirect_dma source(%dma_start3A_255 : memref<10000x128xf32, #tpu.memory_space<hbm>>) target(%arg12 : memref<80x128xf32, #tpu.memory_space<vmem>>) offsets(%dma_start3A_252 : memref<80xi32, #tpu.memory_space<vmem>>) semaphore(%arg18 : memref<!tpu.dma_semaphore, #tpu.memory_space<semaphore_mem>>)
      } else {
      }
      %mul3A_233 = arith.constant 10000 : i32
      %mul3A_234 = arith.muli %add3A, %mul3A_233 : i32
      %mul3A_235 = arith.constant 80 : i32
      %mul3A_236 = arith.muli %add3A_201, %mul3A_235 : i32
      %add3A_237 = arith.addi %mul3A_234, %mul3A_236 : i32
      %dma_start3A_238 = arith.constant 0 : i32
      %dma_start3A_239 = tpu.memref_slice %arg6[%add3A_237, %dma_start3A_238] : memref<320000x128xf32, #tpu.memory_space<hbm>> -> memref<80x128xf32, #tpu.memory_space<hbm>>
      %dma_start3A_240 = arith.constant 0 : i32
      %dma_start3A_241 = tpu.memref_slice %arg6[%add3A_237, %dma_start3A_240] : memref<320000x128xf32, #tpu.memory_space<hbm>> -> memref<80x128xf32, #tpu.memory_space<hbm>>
      tpu.enqueue_dma source(%arg14 : memref<80x128xf32, #tpu.memory_space<vmem>>) target(%dma_start3A_241 : memref<80x128xf32, #tpu.memory_space<hbm>>) target_semaphore(%arg20 : memref<!tpu.dma_semaphore, #tpu.memory_space<semaphore_mem>>)
    }
    %scan3A_100 = arith.constant 61 : i32
    %dma_wait3A_101 = arith.constant 124 : i32
    %dma_wait3A_102 = arith.constant 0 : i32
    %dma_wait3A_103 = tpu.memref_slice %arg7[%dma_wait3A_101, %dma_wait3A_102] : memref<125x80xi32, #tpu.memory_space<vmem>> -> memref<1x80xi32, #tpu.memory_space<vmem>>
    %dma_wait3A_104 = tpu.memref_squeeze %dma_wait3A_103 : memref<1x80xi32, #tpu.memory_space<vmem>> -> memref<80xi32, #tpu.memory_space<vmem>>
    %dma_wait3A_105 = arith.constant 0 : i32
    %dma_wait3A_106 = arith.constant 0 : i32
    %dma_wait3A_107 = tpu.memref_slice %arg2[%dma_wait3A_105, %dma_wait3A_106] : memref<10000x128xf32, #tpu.memory_space<hbm>> -> memref<10000x128xf32, #tpu.memory_space<hbm>>
    tpu.wait_indirect_dma semaphore(%arg15 : memref<!tpu.dma_semaphore, #tpu.memory_space<semaphore_mem>>) src(%dma_wait3A_107 : memref<10000x128xf32, #tpu.memory_space<hbm>>) dst(%arg9 : memref<80x128xf32, #tpu.memory_space<vmem>>)
    %dma_wait3A_108 = arith.constant 124 : i32
    %dma_wait3A_109 = arith.constant 0 : i32
    %dma_wait3A_110 = tpu.memref_slice %arg8[%dma_wait3A_108, %dma_wait3A_109] : memref<125x80xi32, #tpu.memory_space<vmem>> -> memref<1x80xi32, #tpu.memory_space<vmem>>
    %dma_wait3A_111 = tpu.memref_squeeze %dma_wait3A_110 : memref<1x80xi32, #tpu.memory_space<vmem>> -> memref<80xi32, #tpu.memory_space<vmem>>
    %dma_wait3A_112 = arith.constant 0 : i32
    %dma_wait3A_113 = arith.constant 0 : i32
    %dma_wait3A_114 = tpu.memref_slice %arg3[%dma_wait3A_112, %dma_wait3A_113] : memref<10000x128xf32, #tpu.memory_space<hbm>> -> memref<10000x128xf32, #tpu.memory_space<hbm>>
    tpu.wait_indirect_dma semaphore(%arg17 : memref<!tpu.dma_semaphore, #tpu.memory_space<semaphore_mem>>) src(%dma_wait3A_114 : memref<10000x128xf32, #tpu.memory_space<hbm>>) dst(%arg11 : memref<80x128xf32, #tpu.memory_space<vmem>>)
    %dma_wait3A_115 = arith.constant 0 : i32
    %dma_wait3A_116 = arith.constant 0 : i32
    %dma_wait3A_117 = tpu.memref_slice %arg6[%dma_wait3A_115, %dma_wait3A_116] : memref<320000x128xf32, #tpu.memory_space<hbm>> -> memref<80x128xf32, #tpu.memory_space<hbm>>
    %dma_wait3A_118 = arith.constant 0 : i32
    %dma_wait3A_119 = arith.constant 0 : i32
    %dma_wait3A_120 = tpu.memref_slice %arg6[%dma_wait3A_118, %dma_wait3A_119] : memref<320000x128xf32, #tpu.memory_space<hbm>> -> memref<80x128xf32, #tpu.memory_space<hbm>>
    tpu.wait_dma2 semaphore(%arg19 : memref<!tpu.dma_semaphore, #tpu.memory_space<semaphore_mem>>) src(%arg13 : memref<80x128xf32, #tpu.memory_space<vmem>>) dst(%dma_wait3A_120 : memref<80x128xf32, #tpu.memory_space<hbm>>)
    %scan3A_121 = arith.constant 0 : i32
    %scan3A_122 = arith.constant 0 : i32
    %scan3A_123 = arith.constant 80 : i32
    %scan3A_124 = arith.addi %scan3A_122, %scan3A_123 : i32
    %scan3A_125 = arith.constant 1 : i32
    scf.for %scan3A_155 = %scan3A_122 to %scan3A_124 step %scan3A_125  : i32 {
      %get3A = arith.index_cast %scan3A_155 : i32 to index
      %get3A_156 = arith.constant 0 : index
      %get3A_157 = tpu.vector_load %arg9[%get3A, %get3A_156] {strides = array<i32>} : memref<80x128xf32, #tpu.memory_space<vmem>>, vector<1x16xf32>,
      %get3A_158 = vector.shape_cast %get3A_157 : vector<1x16xf32> to vector<16xf32>
      %get3A_159 = arith.index_cast %scan3A_155 : i32 to index
      %get3A_160 = arith.constant 0 : index
      %get3A_161 = tpu.vector_load %arg11[%get3A_159, %get3A_160] {strides = array<i32>} : memref<80x128xf32, #tpu.memory_space<vmem>>, vector<1x16xf32>,
      %get3A_162 = vector.shape_cast %get3A_161 : vector<1x16xf32> to vector<16xf32>
      %add3A_163 = arith.addf %get3A_158, %get3A_162 : vector<16xf32>
      %swap3A = arith.index_cast %scan3A_155 : i32 to index
      %swap3A_164 = arith.constant 0 : index
      %swap3A_165 = tpu.vector_load %arg13[%swap3A, %swap3A_164] {strides = array<i32>} : memref<80x128xf32, #tpu.memory_space<vmem>>, vector<1x16xf32>,
      %swap3A_166 = vector.shape_cast %swap3A_165 : vector<1x16xf32> to vector<16xf32>
      %swap3A_167 = vector.shape_cast %add3A_163 : vector<16xf32> to vector<1x16xf32>
      tpu.vector_store %arg13[%swap3A, %swap3A_164], %swap3A_167 {strides = array<i32>} : memref<80x128xf32, #tpu.memory_space<vmem>>, vector<1x16xf32>,
      %get3A_168 = arith.index_cast %scan3A_155 : i32 to index
      %get3A_169 = arith.constant 16 : index
      %get3A_170 = tpu.vector_load %arg9[%get3A_168, %get3A_169] {strides = array<i32>} : memref<80x128xf32, #tpu.memory_space<vmem>>, vector<1x16xf32>,
      %get3A_171 = vector.shape_cast %get3A_170 : vector<1x16xf32> to vector<16xf32>
      %get3A_172 = arith.index_cast %scan3A_155 : i32 to index
      %get3A_173 = arith.constant 16 : index
      %get3A_174 = tpu.vector_load %arg11[%get3A_172, %get3A_173] {strides = array<i32>} : memref<80x128xf32, #tpu.memory_space<vmem>>, vector<1x16xf32>,
      %get3A_175 = vector.shape_cast %get3A_174 : vector<1x16xf32> to vector<16xf32>
      %add3A_176 = arith.addf %get3A_171, %get3A_175 : vector<16xf32>
      %swap3A_177 = arith.index_cast %scan3A_155 : i32 to index
      %swap3A_178 = arith.constant 16 : index
      %swap3A_179 = tpu.vector_load %arg13[%swap3A_177, %swap3A_178] {strides = array<i32>} : memref<80x128xf32, #tpu.memory_space<vmem>>, vector<1x16xf32>,
      %swap3A_180 = vector.shape_cast %swap3A_179 : vector<1x16xf32> to vector<16xf32>
      %swap3A_181 = vector.shape_cast %add3A_176 : vector<16xf32> to vector<1x16xf32>
      tpu.vector_store %arg13[%swap3A_177, %swap3A_178], %swap3A_181 {strides = array<i32>} : memref<80x128xf32, #tpu.memory_space<vmem>>, vector<1x16xf32>,
      %get3A_182 = arith.index_cast %scan3A_155 : i32 to index
      %get3A_183 = arith.constant 32 : index
      %get3A_184 = tpu.vector_load %arg9[%get3A_182, %get3A_183] {strides = array<i32>} : memref<80x128xf32, #tpu.memory_space<vmem>>, vector<1x16xf32>,
      %get3A_185 = vector.shape_cast %get3A_184 : vector<1x16xf32> to vector<16xf32>
      %get3A_186 = arith.index_cast %scan3A_155 : i32 to index
      %get3A_187 = arith.constant 32 : index
      %get3A_188 = tpu.vector_load %arg11[%get3A_186, %get3A_187] {strides = array<i32>} : memref<80x128xf32, #tpu.memory_space<vmem>>, vector<1x16xf32>,
      %get3A_189 = vector.shape_cast %get3A_188 : vector<1x16xf32> to vector<16xf32>
      %add3A_190 = arith.addf %get3A_185, %get3A_189 : vector<16xf32>
      %swap3A_191 = arith.index_cast %scan3A_155 : i32 to index
      %swap3A_192 = arith.constant 32 : index
      %swap3A_193 = tpu.vector_load %arg13[%swap3A_191, %swap3A_192] {strides = array<i32>} : memref<80x128xf32, #tpu.memory_space<vmem>>, vector<1x16xf32>,
      %swap3A_194 = vector.shape_cast %swap3A_193 : vector<1x16xf32> to vector<16xf32>
      %swap3A_195 = vector.shape_cast %add3A_190 : vector<16xf32> to vector<1x16xf32>
      tpu.vector_store %arg13[%swap3A_191, %swap3A_192], %swap3A_195 {strides = array<i32>} : memref<80x128xf32, #tpu.memory_space<vmem>>, vector<1x16xf32>,
      %get3A_196 = arith.index_cast %scan3A_155 : i32 to index
      %get3A_197 = arith.constant 48 : index
      %get3A_198 = tpu.vector_load %arg9[%get3A_196, %get3A_197] {strides = array<i32>} : memref<80x128xf32, #tpu.memory_space<vmem>>, vector<1x16xf32>,
      %get3A_199 = vector.shape_cast %get3A_198 : vector<1x16xf32> to vector<16xf32>
      %get3A_200 = arith.index_cast %scan3A_155 : i32 to index
      %get3A_201 = arith.constant 48 : index
      %get3A_202 = tpu.vector_load %arg11[%get3A_200, %get3A_201] {strides = array<i32>} : memref<80x128xf32, #tpu.memory_space<vmem>>, vector<1x16xf32>,
      %get3A_203 = vector.shape_cast %get3A_202 : vector<1x16xf32> to vector<16xf32>
      %add3A_204 = arith.addf %get3A_199, %get3A_203 : vector<16xf32>
      %swap3A_205 = arith.index_cast %scan3A_155 : i32 to index
      %swap3A_206 = arith.constant 48 : index
      %swap3A_207 = tpu.vector_load %arg13[%swap3A_205, %swap3A_206] {strides = array<i32>} : memref<80x128xf32, #tpu.memory_space<vmem>>, vector<1x16xf32>,
      %swap3A_208 = vector.shape_cast %swap3A_207 : vector<1x16xf32> to vector<16xf32>
      %swap3A_209 = vector.shape_cast %add3A_204 : vector<16xf32> to vector<1x16xf32>
      tpu.vector_store %arg13[%swap3A_205, %swap3A_206], %swap3A_209 {strides = array<i32>} : memref<80x128xf32, #tpu.memory_space<vmem>>, vector<1x16xf32>,
      %get3A_210 = arith.index_cast %scan3A_155 : i32 to index
      %get3A_211 = arith.constant 64 : index
      %get3A_212 = tpu.vector_load %arg9[%get3A_210, %get3A_211] {strides = array<i32>} : memref<80x128xf32, #tpu.memory_space<vmem>>, vector<1x16xf32>,
      %get3A_213 = vector.shape_cast %get3A_212 : vector<1x16xf32> to vector<16xf32>
      %get3A_214 = arith.index_cast %scan3A_155 : i32 to index
      %get3A_215 = arith.constant 64 : index
      %get3A_216 = tpu.vector_load %arg11[%get3A_214, %get3A_215] {strides = array<i32>} : memref<80x128xf32, #tpu.memory_space<vmem>>, vector<1x16xf32>,
      %get3A_217 = vector.shape_cast %get3A_216 : vector<1x16xf32> to vector<16xf32>
      %add3A_218 = arith.addf %get3A_213, %get3A_217 : vector<16xf32>
      %swap3A_219 = arith.index_cast %scan3A_155 : i32 to index
      %swap3A_220 = arith.constant 64 : index
      %swap3A_221 = tpu.vector_load %arg13[%swap3A_219, %swap3A_220] {strides = array<i32>} : memref<80x128xf32, #tpu.memory_space<vmem>>, vector<1x16xf32>,
      %swap3A_222 = vector.shape_cast %swap3A_221 : vector<1x16xf32> to vector<16xf32>
      %swap3A_223 = vector.shape_cast %add3A_218 : vector<16xf32> to vector<1x16xf32>
      tpu.vector_store %arg13[%swap3A_219, %swap3A_220], %swap3A_223 {strides = array<i32>} : memref<80x128xf32, #tpu.memory_space<vmem>>, vector<1x16xf32>,
      %get3A_224 = arith.index_cast %scan3A_155 : i32 to index
      %get3A_225 = arith.constant 80 : index
      %get3A_226 = tpu.vector_load %arg9[%get3A_224, %get3A_225] {strides = array<i32>} : memref<80x128xf32, #tpu.memory_space<vmem>>, vector<1x16xf32>,
      %get3A_227 = vector.shape_cast %get3A_226 : vector<1x16xf32> to vector<16xf32>
      %get3A_228 = arith.index_cast %scan3A_155 : i32 to index
      %get3A_229 = arith.constant 80 : index
      %get3A_230 = tpu.vector_load %arg11[%get3A_228, %get3A_229] {strides = array<i32>} : memref<80x128xf32, #tpu.memory_space<vmem>>, vector<1x16xf32>,
      %get3A_231 = vector.shape_cast %get3A_230 : vector<1x16xf32> to vector<16xf32>
      %add3A_232 = arith.addf %get3A_227, %get3A_231 : vector<16xf32>
      %swap3A_233 = arith.index_cast %scan3A_155 : i32 to index
      %swap3A_234 = arith.constant 80 : index
      %swap3A_235 = tpu.vector_load %arg13[%swap3A_233, %swap3A_234] {strides = array<i32>} : memref<80x128xf32, #tpu.memory_space<vmem>>, vector<1x16xf32>,
      %swap3A_236 = vector.shape_cast %swap3A_235 : vector<1x16xf32> to vector<16xf32>
      %swap3A_237 = vector.shape_cast %add3A_232 : vector<16xf32> to vector<1x16xf32>
      tpu.vector_store %arg13[%swap3A_233, %swap3A_234], %swap3A_237 {strides = array<i32>} : memref<80x128xf32, #tpu.memory_space<vmem>>, vector<1x16xf32>,
      %get3A_238 = arith.index_cast %scan3A_155 : i32 to index
      %get3A_239 = arith.constant 96 : index
      %get3A_240 = tpu.vector_load %arg9[%get3A_238, %get3A_239] {strides = array<i32>} : memref<80x128xf32, #tpu.memory_space<vmem>>, vector<1x16xf32>,
      %get3A_241 = vector.shape_cast %get3A_240 : vector<1x16xf32> to vector<16xf32>
      %get3A_242 = arith.index_cast %scan3A_155 : i32 to index
      %get3A_243 = arith.constant 96 : index
      %get3A_244 = tpu.vector_load %arg11[%get3A_242, %get3A_243] {strides = array<i32>} : memref<80x128xf32, #tpu.memory_space<vmem>>, vector<1x16xf32>,
      %get3A_245 = vector.shape_cast %get3A_244 : vector<1x16xf32> to vector<16xf32>
      %add3A_246 = arith.addf %get3A_241, %get3A_245 : vector<16xf32>
      %swap3A_247 = arith.index_cast %scan3A_155 : i32 to index
      %swap3A_248 = arith.constant 96 : index
      %swap3A_249 = tpu.vector_load %arg13[%swap3A_247, %swap3A_248] {strides = array<i32>} : memref<80x128xf32, #tpu.memory_space<vmem>>, vector<1x16xf32>,
      %swap3A_250 = vector.shape_cast %swap3A_249 : vector<1x16xf32> to vector<16xf32>
      %swap3A_251 = vector.shape_cast %add3A_246 : vector<16xf32> to vector<1x16xf32>
      tpu.vector_store %arg13[%swap3A_247, %swap3A_248], %swap3A_251 {strides = array<i32>} : memref<80x128xf32, #tpu.memory_space<vmem>>, vector<1x16xf32>,
      %get3A_252 = arith.index_cast %scan3A_155 : i32 to index
      %get3A_253 = arith.constant 112 : index
      %get3A_254 = tpu.vector_load %arg9[%get3A_252, %get3A_253] {strides = array<i32>} : memref<80x128xf32, #tpu.memory_space<vmem>>, vector<1x16xf32>,
      %get3A_255 = vector.shape_cast %get3A_254 : vector<1x16xf32> to vector<16xf32>
      %get3A_256 = arith.index_cast %scan3A_155 : i32 to index
      %get3A_257 = arith.constant 112 : index
      %get3A_258 = tpu.vector_load %arg11[%get3A_256, %get3A_257] {strides = array<i32>} : memref<80x128xf32, #tpu.memory_space<vmem>>, vector<1x16xf32>,
      %get3A_259 = vector.shape_cast %get3A_258 : vector<1x16xf32> to vector<16xf32>
      %add3A_260 = arith.addf %get3A_255, %get3A_259 : vector<16xf32>
      %swap3A_261 = arith.index_cast %scan3A_155 : i32 to index
      %swap3A_262 = arith.constant 112 : index
      %swap3A_263 = tpu.vector_load %arg13[%swap3A_261, %swap3A_262] {strides = array<i32>} : memref<80x128xf32, #tpu.memory_space<vmem>>, vector<1x16xf32>,
      %swap3A_264 = vector.shape_cast %swap3A_263 : vector<1x16xf32> to vector<16xf32>
      %swap3A_265 = vector.shape_cast %add3A_260 : vector<16xf32> to vector<1x16xf32>
      tpu.vector_store %arg13[%swap3A_261, %swap3A_262], %swap3A_265 {strides = array<i32>} : memref<80x128xf32, #tpu.memory_space<vmem>>, vector<1x16xf32>,
    }
    %scan3A_126 = arith.constant 80 : i32
    %add3A_127 = arith.constant 124 : i32
    %add3A_128 = arith.constant 2 : i32
    %add3A_129 = arith.addi %add3A_127, %add3A_128 : i32
    %lt3A_130 = arith.constant 125 : i32
    %lt3A_131 = arith.cmpi slt, %add3A_129, %lt3A_130 : i32
    %convert_element_type3A_132 = arith.extui %lt3A_131 : i1 to i32
    %cond3A_133 = arith.constant 0 : i32
    %cond3A_134 = arith.cmpi ne, %convert_element_type3A_132, %cond3A_133 : i32
    scf.if %cond3A_134 {
      %add3A_155 = arith.constant 124 : i32
      %add3A_156 = arith.constant 2 : i32
      %add3A_157 = arith.addi %add3A_155, %add3A_156 : i32
      %dma_start3A_158 = arith.constant 0 : i32
      %dma_start3A_159 = tpu.memref_slice %arg7[%add3A_157, %dma_start3A_158] : memref<125x80xi32, #tpu.memory_space<vmem>> -> memref<1x80xi32, #tpu.memory_space<vmem>>
      %dma_start3A_160 = tpu.memref_squeeze %dma_start3A_159 : memref<1x80xi32, #tpu.memory_space<vmem>> -> memref<80xi32, #tpu.memory_space<vmem>>
      %dma_start3A_161 = arith.constant 0 : i32
      %dma_start3A_162 = arith.constant 0 : i32
      %dma_start3A_163 = tpu.memref_slice %arg2[%dma_start3A_161, %dma_start3A_162] : memref<10000x128xf32, #tpu.memory_space<hbm>> -> memref<10000x128xf32, #tpu.memory_space<hbm>>
      tpu.enqueue_indirect_dma source(%dma_start3A_163 : memref<10000x128xf32, #tpu.memory_space<hbm>>) target(%arg9 : memref<80x128xf32, #tpu.memory_space<vmem>>) offsets(%dma_start3A_160 : memref<80xi32, #tpu.memory_space<vmem>>) semaphore(%arg15 : memref<!tpu.dma_semaphore, #tpu.memory_space<semaphore_mem>>)
      %dma_start3A_164 = arith.constant 0 : i32
      %dma_start3A_165 = tpu.memref_slice %arg8[%add3A_157, %dma_start3A_164] : memref<125x80xi32, #tpu.memory_space<vmem>> -> memref<1x80xi32, #tpu.memory_space<vmem>>
      %dma_start3A_166 = tpu.memref_squeeze %dma_start3A_165 : memref<1x80xi32, #tpu.memory_space<vmem>> -> memref<80xi32, #tpu.memory_space<vmem>>
      %dma_start3A_167 = arith.constant 0 : i32
      %dma_start3A_168 = arith.constant 0 : i32
      %dma_start3A_169 = tpu.memref_slice %arg3[%dma_start3A_167, %dma_start3A_168] : memref<10000x128xf32, #tpu.memory_space<hbm>> -> memref<10000x128xf32, #tpu.memory_space<hbm>>
      tpu.enqueue_indirect_dma source(%dma_start3A_169 : memref<10000x128xf32, #tpu.memory_space<hbm>>) target(%arg11 : memref<80x128xf32, #tpu.memory_space<vmem>>) offsets(%dma_start3A_166 : memref<80xi32, #tpu.memory_space<vmem>>) semaphore(%arg17 : memref<!tpu.dma_semaphore, #tpu.memory_space<semaphore_mem>>)
    } else {
    }
    %mul3A_135 = arith.constant 10000 : i32
    %mul3A_136 = arith.muli %add3A, %mul3A_135 : i32
    %add3A_137 = arith.constant 9920 : i32
    %add3A_138 = arith.addi %mul3A_136, %add3A_137 : i32
    %dma_start3A_139 = arith.constant 0 : i32
    %dma_start3A_140 = tpu.memref_slice %arg6[%add3A_138, %dma_start3A_139] : memref<320000x128xf32, #tpu.memory_space<hbm>> -> memref<80x128xf32, #tpu.memory_space<hbm>>
    %dma_start3A_141 = arith.constant 0 : i32
    %dma_start3A_142 = tpu.memref_slice %arg6[%add3A_138, %dma_start3A_141] : memref<320000x128xf32, #tpu.memory_space<hbm>> -> memref<80x128xf32, #tpu.memory_space<hbm>>
    tpu.enqueue_dma source(%arg13 : memref<80x128xf32, #tpu.memory_space<vmem>>) target(%dma_start3A_142 : memref<80x128xf32, #tpu.memory_space<hbm>>) target_semaphore(%arg19 : memref<!tpu.dma_semaphore, #tpu.memory_space<semaphore_mem>>)
    %dma_wait3A_143 = arith.constant 0 : i32
    %dma_wait3A_144 = arith.constant 0 : i32
    %dma_wait3A_145 = tpu.memref_slice %arg6[%dma_wait3A_143, %dma_wait3A_144] : memref<320000x128xf32, #tpu.memory_space<hbm>> -> memref<80x128xf32, #tpu.memory_space<hbm>>
    %dma_wait3A_146 = arith.constant 0 : i32
    %dma_wait3A_147 = arith.constant 0 : i32
    %dma_wait3A_148 = tpu.memref_slice %arg6[%dma_wait3A_146, %dma_wait3A_147] : memref<320000x128xf32, #tpu.memory_space<hbm>> -> memref<80x128xf32, #tpu.memory_space<hbm>>
    tpu.wait_dma2 semaphore(%arg19 : memref<!tpu.dma_semaphore, #tpu.memory_space<semaphore_mem>>) src(%arg13 : memref<80x128xf32, #tpu.memory_space<vmem>>) dst(%dma_wait3A_148 : memref<80x128xf32, #tpu.memory_space<hbm>>)
    %dma_wait3A_149 = arith.constant 0 : i32
    %dma_wait3A_150 = arith.constant 0 : i32
    %dma_wait3A_151 = tpu.memref_slice %arg6[%dma_wait3A_149, %dma_wait3A_150] : memref<320000x128xf32, #tpu.memory_space<hbm>> -> memref<80x128xf32, #tpu.memory_space<hbm>>
    %dma_wait3A_152 = arith.constant 0 : i32
    %dma_wait3A_153 = arith.constant 0 : i32
    %dma_wait3A_154 = tpu.memref_slice %arg6[%dma_wait3A_152, %dma_wait3A_153] : memref<320000x128xf32, #tpu.memory_space<hbm>> -> memref<80x128xf32, #tpu.memory_space<hbm>>
    tpu.wait_dma2 semaphore(%arg20 : memref<!tpu.dma_semaphore, #tpu.memory_space<semaphore_mem>>) src(%arg14 : memref<80x128xf32, #tpu.memory_space<vmem>>) dst(%dma_wait3A_154 : memref<80x128xf32, #tpu.memory_space<hbm>>)
    return
  }
}

module attributes {stable_mosaic.version = 14 : i64} {
  func.func @body(%arg0: i32, %arg1: memref<2000x128xf32, #tpu.memory_space<vmem>>, %arg2: memref<128x128xf32, #tpu.memory_space<vmem>>, %arg3: memref<128x128xf32, #tpu.memory_space<vmem>>, %arg4: memref<2000x128xf32, #tpu.memory_space<vmem>>, %arg5: memref<2000x128xf32, #tpu.memory_space<vmem>>) attributes {dimension_semantics = [#tpu.dimension_semantics<arbitrary>], iteration_bounds = array<i64: 5>, scalar_prefetch = 0 : i64, scratch_operands = 0 : i64, tpu.core_type = #tpu.core_type<tc>, window_params = [{transform_indices = @transform_0, window_bounds = array<i64: 2000, 128>}, {pipeline_mode = #tpu.pipeline_mode<synchronous>, transform_indices = @transform_1, window_bounds = array<i64: 128, 128>}, {pipeline_mode = #tpu.pipeline_mode<synchronous>, transform_indices = @transform_2, window_bounds = array<i64: 128, 128>}, {transform_indices = @transform_3, window_bounds = array<i64: 2000, 128>}, {transform_indices = @transform_4, window_bounds = array<i64: 2000, 128>}]} {
    %get3A = arith.constant 0 : index
    %get3A_0 = arith.constant 0 : index
    %get3A_1 = vector.load %arg1[%get3A, %get3A_0] : memref<2000x128xf32, #tpu.memory_space<vmem>>, vector<2000x128xf32>
    %get3A_2 = arith.constant 0 : index
    %get3A_3 = arith.constant 0 : index
    %get3A_4 = vector.load %arg2[%get3A_2, %get3A_3] : memref<128x128xf32, #tpu.memory_space<vmem>>, vector<128x128xf32>
    %dot_general3A = arith.constant dense<0.000000e+00> : vector<2000x128xf32>
    %dot_general3A_5 = tpu.matmul %get3A_1, %get3A_4, %dot_general3A {dimension_numbers = #tpu.dot_dimension_numbers<[1], [0], [0], [1], [0, 0, 1, 1], [], []>, transpose_lhs_hint = false} : vector<2000x128xf32>, vector<128x128xf32>, vector<2000x128xf32> -> vector<2000x128xf32>
    %swap3A = arith.constant 0 : index
    %swap3A_6 = arith.constant 0 : index
    %swap3A_7 = vector.load %arg4[%swap3A, %swap3A_6] : memref<2000x128xf32, #tpu.memory_space<vmem>>, vector<2000x128xf32>
    tpu.vector_store %arg4[%swap3A, %swap3A_6], %dot_general3A_5 {strides = array<i32>} : memref<2000x128xf32, #tpu.memory_space<vmem>>, vector<2000x128xf32>,
    %get3A_8 = arith.constant 0 : index
    %get3A_9 = arith.constant 0 : index
    %get3A_10 = vector.load %arg3[%get3A_8, %get3A_9] : memref<128x128xf32, #tpu.memory_space<vmem>>, vector<128x128xf32>
    %dot_general3A_11 = arith.constant dense<0.000000e+00> : vector<2000x128xf32>
    %dot_general3A_12 = tpu.matmul %get3A_1, %get3A_10, %dot_general3A_11 {dimension_numbers = #tpu.dot_dimension_numbers<[1], [0], [0], [1], [0, 0, 1, 1], [], []>, transpose_lhs_hint = false} : vector<2000x128xf32>, vector<128x128xf32>, vector<2000x128xf32> -> vector<2000x128xf32>
    %swap3A_13 = arith.constant 0 : index
    %swap3A_14 = arith.constant 0 : index
    %swap3A_15 = vector.load %arg5[%swap3A_13, %swap3A_14] : memref<2000x128xf32, #tpu.memory_space<vmem>>, vector<2000x128xf32>
    tpu.vector_store %arg5[%swap3A_13, %swap3A_14], %dot_general3A_12 {strides = array<i32>} : memref<2000x128xf32, #tpu.memory_space<vmem>>, vector<2000x128xf32>,
    return
  }
  func.func @transform_0(%arg0: i32) -> (i32, i32) {
    %c0_i32 = arith.constant 0 : i32
    %c0_i32_0 = arith.constant 0 : i32
    return %arg0, %c0_i32 : i32, i32
  }
  func.func @transform_1(%arg0: i32) -> (i32, i32) {
    %c0_i32 = arith.constant 0 : i32
    %c0_i32_0 = arith.constant 0 : i32
    %c0_i32_1 = arith.constant 0 : i32
    return %c0_i32, %c0_i32_0 : i32, i32
  }
  func.func @transform_2(%arg0: i32) -> (i32, i32) {
    %c0_i32 = arith.constant 0 : i32
    %c0_i32_0 = arith.constant 0 : i32
    %c0_i32_1 = arith.constant 0 : i32
    return %c0_i32, %c0_i32_0 : i32, i32
  }
  func.func @transform_3(%arg0: i32) -> (i32, i32) {
    %c0_i32 = arith.constant 0 : i32
    %c0_i32_0 = arith.constant 0 : i32
    return %arg0, %c0_i32 : i32, i32
  }
  func.func @transform_4(%arg0: i32) -> (i32, i32) {
    %c0_i32 = arith.constant 0 : i32
    %c0_i32_0 = arith.constant 0 : i32
    return %arg0, %c0_i32 : i32, i32
  }
}

module attributes {stable_mosaic.version = 14 : i64} {
  func.func @body(%arg0: i32, %arg1: memref<3200x16xf32, #tpu.memory_space<vmem>>, %arg2: memref<3200x128xf32, #tpu.memory_space<vmem>>, %arg3: memref<16x128xf32, #tpu.memory_space<vmem>>, %arg4: memref<1x128xf32, #tpu.memory_space<vmem>>, %arg5: memref<128x16xf32, #tpu.memory_space<vmem>>, %arg6: memref<1x16xf32, #tpu.memory_space<vmem>>, %arg7: memref<3200x16xf32, #tpu.memory_space<vmem>>) attributes {dimension_semantics = [#tpu.dimension_semantics<arbitrary>], iteration_bounds = array<i64: 100>, scalar_prefetch = 0 : i64, scratch_operands = 0 : i64, tpu.core_type = #tpu.core_type<tc>, window_params = [{transform_indices = @transform_0, window_bounds = array<i64: 3200, 16>}, {transform_indices = @transform_1, window_bounds = array<i64: 3200, 128>}, {pipeline_mode = #tpu.pipeline_mode<synchronous>, transform_indices = @transform_2, window_bounds = array<i64: 16, 128>}, {pipeline_mode = #tpu.pipeline_mode<synchronous>, transform_indices = @transform_3, window_bounds = array<i64: 1, 128>}, {pipeline_mode = #tpu.pipeline_mode<synchronous>, transform_indices = @transform_4, window_bounds = array<i64: 128, 16>}, {pipeline_mode = #tpu.pipeline_mode<synchronous>, transform_indices = @transform_5, window_bounds = array<i64: 1, 16>}, {transform_indices = @transform_6, window_bounds = array<i64: 3200, 16>}]} {
    %get3A = arith.constant 0 : index
    %get3A_0 = arith.constant 0 : index
    %get3A_1 = vector.load %arg1[%get3A, %get3A_0] : memref<3200x16xf32, #tpu.memory_space<vmem>>, vector<3200x16xf32>
    %get3A_2 = arith.constant 0 : index
    %get3A_3 = arith.constant 0 : index
    %get3A_4 = vector.load %arg2[%get3A_2, %get3A_3] : memref<3200x128xf32, #tpu.memory_space<vmem>>, vector<3200x128xf32>
    %get3A_5 = arith.constant 0 : index
    %get3A_6 = arith.constant 0 : index
    %get3A_7 = vector.load %arg4[%get3A_5, %get3A_6] : memref<1x128xf32, #tpu.memory_space<vmem>>, vector<1x128xf32>
    %add3A = vector.broadcast %get3A_7 : vector<1x128xf32> to vector<3200x128xf32>
    %add3A_8 = arith.addf %get3A_4, %add3A : vector<3200x128xf32>
    %get3A_9 = arith.constant 0 : index
    %get3A_10 = arith.constant 0 : index
    %get3A_11 = vector.load %arg3[%get3A_9, %get3A_10] : memref<16x128xf32, #tpu.memory_space<vmem>>, vector<16x128xf32>
    %dot_general3A = arith.constant dense<0.000000e+00> : vector<3200x128xf32>
    %dot_general3A_12 = tpu.matmul %get3A_1, %get3A_11, %dot_general3A {dimension_numbers = #tpu.dot_dimension_numbers<[1], [0], [0], [1], [0, 0, 1, 1], [], []>, transpose_lhs_hint = false} : vector<3200x16xf32>, vector<16x128xf32>, vector<3200x128xf32> -> vector<3200x128xf32>
    %add3A_13 = arith.addf %add3A_8, %dot_general3A_12 : vector<3200x128xf32>
    %logistic3A = arith.negf %add3A_13 : vector<3200x128xf32>
    %logistic3A_14 = math.exp %logistic3A : vector<3200x128xf32>
    %logistic3A_15 = arith.constant 1.000000e+00 : f32
    %logistic3A_16 = vector.broadcast %logistic3A_15 : f32 to vector<3200x128xf32>
    %logistic3A_17 = arith.addf %logistic3A_16, %logistic3A_14 : vector<3200x128xf32>
    %logistic3A_18 = arith.divf %logistic3A_16, %logistic3A_17 : vector<3200x128xf32>
    %mul3A = arith.mulf %add3A_13, %logistic3A_18 : vector<3200x128xf32>
    %get3A_19 = arith.constant 0 : index
    %get3A_20 = arith.constant 0 : index
    %get3A_21 = vector.load %arg6[%get3A_19, %get3A_20] : memref<1x16xf32, #tpu.memory_space<vmem>>, vector<1x16xf32>
    %add3A_22 = vector.broadcast %get3A_21 : vector<1x16xf32> to vector<3200x16xf32>
    %add3A_23 = arith.addf %get3A_1, %add3A_22 : vector<3200x16xf32>
    %get3A_24 = arith.constant 0 : index
    %get3A_25 = arith.constant 0 : index
    %get3A_26 = vector.load %arg5[%get3A_24, %get3A_25] : memref<128x16xf32, #tpu.memory_space<vmem>>, vector<128x16xf32>
    %dot_general3A_27 = arith.constant dense<0.000000e+00> : vector<3200x16xf32>
    %dot_general3A_28 = tpu.matmul %mul3A, %get3A_26, %dot_general3A_27 {dimension_numbers = #tpu.dot_dimension_numbers<[1], [0], [0], [1], [0, 0, 1, 1], [], []>, transpose_lhs_hint = false} : vector<3200x128xf32>, vector<128x16xf32>, vector<3200x16xf32> -> vector<3200x16xf32>
    %add3A_29 = arith.addf %add3A_23, %dot_general3A_28 : vector<3200x16xf32>
    %swap3A = arith.constant 0 : index
    %swap3A_30 = arith.constant 0 : index
    %swap3A_31 = vector.load %arg7[%swap3A, %swap3A_30] : memref<3200x16xf32, #tpu.memory_space<vmem>>, vector<3200x16xf32>
    tpu.vector_store %arg7[%swap3A, %swap3A_30], %add3A_29 {strides = array<i32>} : memref<3200x16xf32, #tpu.memory_space<vmem>>, vector<3200x16xf32>,
    return
  }
  func.func @transform_0(%arg0: i32) -> (i32, i32) {
    %c0_i32 = arith.constant 0 : i32
    %c0_i32_0 = arith.constant 0 : i32
    return %arg0, %c0_i32 : i32, i32
  }
  func.func @transform_1(%arg0: i32) -> (i32, i32) {
    %c0_i32 = arith.constant 0 : i32
    %c0_i32_0 = arith.constant 0 : i32
    return %arg0, %c0_i32 : i32, i32
  }
  func.func @transform_2(%arg0: i32) -> (i32, i32) {
    %c0_i32 = arith.constant 0 : i32
    %c0_i32_0 = arith.constant 0 : i32
    %c0_i32_1 = arith.constant 0 : i32
    return %c0_i32, %c0_i32_0 : i32, i32
  }
  func.func @transform_3(%arg0: i32) -> (i32, i32) {
    %c0_i32 = arith.constant 0 : i32
    %c0_i32_0 = arith.constant 0 : i32
    %c0_i32_1 = arith.constant 0 : i32
    return %c0_i32, %c0_i32_0 : i32, i32
  }
  func.func @transform_4(%arg0: i32) -> (i32, i32) {
    %c0_i32 = arith.constant 0 : i32
    %c0_i32_0 = arith.constant 0 : i32
    %c0_i32_1 = arith.constant 0 : i32
    return %c0_i32, %c0_i32_0 : i32, i32
  }
  func.func @transform_5(%arg0: i32) -> (i32, i32) {
    %c0_i32 = arith.constant 0 : i32
    %c0_i32_0 = arith.constant 0 : i32
    %c0_i32_1 = arith.constant 0 : i32
    return %c0_i32, %c0_i32_0 : i32, i32
  }
  func.func @transform_6(%arg0: i32) -> (i32, i32) {
    %c0_i32 = arith.constant 0 : i32
    %c0_i32_0 = arith.constant 0 : i32
    return %arg0, %c0_i32 : i32, i32
  }
}

module attributes {stable_mosaic.version = 14 : i64} {
  func.func @body(%arg0: i32, %arg1: memref<2000x128xf32, #tpu.memory_space<vmem>>, %arg2: memref<2000x128xf32, #tpu.memory_space<vmem>>, %arg3: memref<2000x128xf32, #tpu.memory_space<vmem>>, %arg4: memref<128x128xf32, #tpu.memory_space<vmem>>, %arg5: memref<16x128xf32, #tpu.memory_space<vmem>>, %arg6: memref<1x128xf32, #tpu.memory_space<vmem>>, %arg7: memref<128x128xf32, #tpu.memory_space<vmem>>, %arg8: memref<1x128xf32, #tpu.memory_space<vmem>>, %arg9: memref<2000x128xf32, #tpu.memory_space<vmem>>) attributes {dimension_semantics = [#tpu.dimension_semantics<arbitrary>], iteration_bounds = array<i64: 5>, scalar_prefetch = 0 : i64, scratch_operands = 0 : i64, tpu.core_type = #tpu.core_type<tc>, window_params = [{transform_indices = @transform_0, window_bounds = array<i64: 2000, 128>}, {transform_indices = @transform_1, window_bounds = array<i64: 2000, 128>}, {transform_indices = @transform_2, window_bounds = array<i64: 2000, 128>}, {pipeline_mode = #tpu.pipeline_mode<synchronous>, transform_indices = @transform_3, window_bounds = array<i64: 128, 128>}, {pipeline_mode = #tpu.pipeline_mode<synchronous>, transform_indices = @transform_4, window_bounds = array<i64: 16, 128>}, {pipeline_mode = #tpu.pipeline_mode<synchronous>, transform_indices = @transform_5, window_bounds = array<i64: 1, 128>}, {pipeline_mode = #tpu.pipeline_mode<synchronous>, transform_indices = @transform_6, window_bounds = array<i64: 128, 128>}, {pipeline_mode = #tpu.pipeline_mode<synchronous>, transform_indices = @transform_7, window_bounds = array<i64: 1, 128>}, {transform_indices = @transform_8, window_bounds = array<i64: 2000, 128>}]} {
    %get3A = arith.constant 0 : index
    %get3A_0 = arith.constant 0 : index
    %get3A_1 = vector.load %arg1[%get3A, %get3A_0] : memref<2000x128xf32, #tpu.memory_space<vmem>>, vector<2000x128xf32>
    %get3A_2 = arith.constant 0 : index
    %get3A_3 = arith.constant 0 : index
    %get3A_4 = vector.load %arg2[%get3A_2, %get3A_3] : memref<2000x128xf32, #tpu.memory_space<vmem>>, vector<2000x128xf32>
    %get3A_5 = arith.constant 0 : index
    %get3A_6 = arith.constant 0 : index
    %get3A_7 = vector.load %arg3[%get3A_5, %get3A_6] : memref<2000x128xf32, #tpu.memory_space<vmem>>, vector<2000x128xf32>
    %add3A = arith.addf %get3A_4, %get3A_7 : vector<2000x128xf32>
    %slice3A = vector.extract_strided_slice %add3A {offsets = [0, 0], sizes = [2000, 16], strides = [1, 1]} : vector<2000x128xf32> to vector<2000x16xf32>
    %slice3A_8 = vector.extract_strided_slice %add3A {offsets = [0, 16], sizes = [2000, 1], strides = [1, 1]} : vector<2000x128xf32> to vector<2000x1xf32>
    %max3A = arith.constant 1.000000e+00 : f32
    %max3A_9 = vector.broadcast %max3A : f32 to vector<2000x1xf32>
    %max3A_10 = arith.maximumf %slice3A_8, %max3A_9 : vector<2000x1xf32>
    %div3A = vector.broadcast %max3A_10 : vector<2000x1xf32> to vector<2000x16xf32>
    %div3A_11 = arith.divf %slice3A, %div3A : vector<2000x16xf32>
    %get3A_12 = arith.constant 0 : index
    %get3A_13 = arith.constant 0 : index
    %get3A_14 = vector.load %arg4[%get3A_12, %get3A_13] : memref<128x128xf32, #tpu.memory_space<vmem>>, vector<128x128xf32>
    %dot_general3A = arith.constant dense<0.000000e+00> : vector<2000x128xf32>
    %dot_general3A_15 = tpu.matmul %get3A_1, %get3A_14, %dot_general3A {dimension_numbers = #tpu.dot_dimension_numbers<[1], [0], [0], [1], [0, 0, 1, 1], [], []>, transpose_lhs_hint = false} : vector<2000x128xf32>, vector<128x128xf32>, vector<2000x128xf32> -> vector<2000x128xf32>
    %get3A_16 = arith.constant 0 : index
    %get3A_17 = arith.constant 0 : index
    %get3A_18 = vector.load %arg5[%get3A_16, %get3A_17] : memref<16x128xf32, #tpu.memory_space<vmem>>, vector<16x128xf32>
    %dot_general3A_19 = arith.constant dense<0.000000e+00> : vector<2000x128xf32>
    %dot_general3A_20 = tpu.matmul %div3A_11, %get3A_18, %dot_general3A_19 {dimension_numbers = #tpu.dot_dimension_numbers<[1], [0], [0], [1], [0, 0, 1, 1], [], []>, transpose_lhs_hint = false} : vector<2000x16xf32>, vector<16x128xf32>, vector<2000x128xf32> -> vector<2000x128xf32>
    %add3A_21 = arith.addf %dot_general3A_15, %dot_general3A_20 : vector<2000x128xf32>
    %get3A_22 = arith.constant 0 : index
    %get3A_23 = arith.constant 0 : index
    %get3A_24 = vector.load %arg6[%get3A_22, %get3A_23] : memref<1x128xf32, #tpu.memory_space<vmem>>, vector<1x128xf32>
    %add3A_25 = vector.broadcast %get3A_24 : vector<1x128xf32> to vector<2000x128xf32>
    %add3A_26 = arith.addf %add3A_21, %add3A_25 : vector<2000x128xf32>
    %logistic3A = arith.negf %add3A_26 : vector<2000x128xf32>
    %logistic3A_27 = math.exp %logistic3A : vector<2000x128xf32>
    %logistic3A_28 = arith.constant 1.000000e+00 : f32
    %logistic3A_29 = vector.broadcast %logistic3A_28 : f32 to vector<2000x128xf32>
    %logistic3A_30 = arith.addf %logistic3A_29, %logistic3A_27 : vector<2000x128xf32>
    %logistic3A_31 = arith.divf %logistic3A_29, %logistic3A_30 : vector<2000x128xf32>
    %mul3A = arith.mulf %add3A_26, %logistic3A_31 : vector<2000x128xf32>
    %get3A_32 = arith.constant 0 : index
    %get3A_33 = arith.constant 0 : index
    %get3A_34 = vector.load %arg8[%get3A_32, %get3A_33] : memref<1x128xf32, #tpu.memory_space<vmem>>, vector<1x128xf32>
    %add3A_35 = vector.broadcast %get3A_34 : vector<1x128xf32> to vector<2000x128xf32>
    %add3A_36 = arith.addf %get3A_1, %add3A_35 : vector<2000x128xf32>
    %get3A_37 = arith.constant 0 : index
    %get3A_38 = arith.constant 0 : index
    %get3A_39 = vector.load %arg7[%get3A_37, %get3A_38] : memref<128x128xf32, #tpu.memory_space<vmem>>, vector<128x128xf32>
    %dot_general3A_40 = arith.constant dense<0.000000e+00> : vector<2000x128xf32>
    %dot_general3A_41 = tpu.matmul %mul3A, %get3A_39, %dot_general3A_40 {dimension_numbers = #tpu.dot_dimension_numbers<[1], [0], [0], [1], [0, 0, 1, 1], [], []>, transpose_lhs_hint = false} : vector<2000x128xf32>, vector<128x128xf32>, vector<2000x128xf32> -> vector<2000x128xf32>
    %add3A_42 = arith.addf %add3A_36, %dot_general3A_41 : vector<2000x128xf32>
    %swap3A = arith.constant 0 : index
    %swap3A_43 = arith.constant 0 : index
    %swap3A_44 = vector.load %arg9[%swap3A, %swap3A_43] : memref<2000x128xf32, #tpu.memory_space<vmem>>, vector<2000x128xf32>
    tpu.vector_store %arg9[%swap3A, %swap3A_43], %add3A_42 {strides = array<i32>} : memref<2000x128xf32, #tpu.memory_space<vmem>>, vector<2000x128xf32>,
    return
  }
  func.func @transform_0(%arg0: i32) -> (i32, i32) {
    %c0_i32 = arith.constant 0 : i32
    %c0_i32_0 = arith.constant 0 : i32
    return %arg0, %c0_i32 : i32, i32
  }
  func.func @transform_1(%arg0: i32) -> (i32, i32) {
    %c0_i32 = arith.constant 0 : i32
    %c0_i32_0 = arith.constant 0 : i32
    return %arg0, %c0_i32 : i32, i32
  }
  func.func @transform_2(%arg0: i32) -> (i32, i32) {
    %c0_i32 = arith.constant 0 : i32
    %c0_i32_0 = arith.constant 0 : i32
    return %arg0, %c0_i32 : i32, i32
  }
  func.func @transform_3(%arg0: i32) -> (i32, i32) {
    %c0_i32 = arith.constant 0 : i32
    %c0_i32_0 = arith.constant 0 : i32
    %c0_i32_1 = arith.constant 0 : i32
    return %c0_i32, %c0_i32_0 : i32, i32
  }
  func.func @transform_4(%arg0: i32) -> (i32, i32) {
    %c0_i32 = arith.constant 0 : i32
    %c0_i32_0 = arith.constant 0 : i32
    %c0_i32_1 = arith.constant 0 : i32
    return %c0_i32, %c0_i32_0 : i32, i32
  }
  func.func @transform_5(%arg0: i32) -> (i32, i32) {
    %c0_i32 = arith.constant 0 : i32
    %c0_i32_0 = arith.constant 0 : i32
    %c0_i32_1 = arith.constant 0 : i32
    return %c0_i32, %c0_i32_0 : i32, i32
  }
  func.func @transform_6(%arg0: i32) -> (i32, i32) {
    %c0_i32 = arith.constant 0 : i32
    %c0_i32_0 = arith.constant 0 : i32
    %c0_i32_1 = arith.constant 0 : i32
    return %c0_i32, %c0_i32_0 : i32, i32
  }
  func.func @transform_7(%arg0: i32) -> (i32, i32) {
    %c0_i32 = arith.constant 0 : i32
    %c0_i32_0 = arith.constant 0 : i32
    %c0_i32_1 = arith.constant 0 : i32
    return %c0_i32, %c0_i32_0 : i32, i32
  }
  func.func @transform_8(%arg0: i32) -> (i32, i32) {
    %c0_i32 = arith.constant 0 : i32
    %c0_i32_0 = arith.constant 0 : i32
    return %arg0, %c0_i32 : i32, i32
  }
}

</mosaic_0001>

<sc_bundles>
// kernel: kernel.10.cloned.1.call-start
scs
__scs_entry_jumppad:
0x0: {  	(pc) =	sbr.rel $0x88, $3  }
0x1: {  	(tag) =	ssettag $0x0;
	lr =	simm.s32 $0x1  }
0x2: {  	[smem:$0x3F96] =	sst lr;
	_ =	strace $0xD0000000  }
0x3: {  	_ = 	snop  }
0x4: {  	_ = 	snop  }
0x5: {  	_ = 	snop  }
0x6: {  	_ = 	snop  }
0x7: {  	_ = 	snop  }
__scs_overlays_trampoline_lowered:
0x8: {  	[smem:$0x3FA5] =	sst s0  }
0x9: {  	[smem:$0x3FA6] =	sst s1  }
0xa: {  	[smem:$0x3FA7] =	sst s2  }
0xb: {  	[smem:$0x3FA8] =	sst s3  }
0xc: {  	[smem:$0x3FA9] =	sst s4  }
0xd: {  	[smem:$0x3FAA] =	sst s5  }
0xe: {  	[smem:$0x3FAB] =	sst s6  }
0xf: {  	[smem:$0x3FAC] =	sst s7  }
0x10: {  	[smem:$0x3FAD] =	sst s8  }
0x11: {  	[smem:$0x3FAE] =	sst s9;
	s0 =	simm.s32 @!p0 $0x0  }
0x12: {  	s1 =	sld [smem:$0x3F94];
	s0 =	simm.s32 @p0 $0x1  }
0x13: {  	[smem:$0x3FAF] =	sst s0;
	s0 =	simm.s32 @!p1 $0x0  }
0x14: {  	s2 =	sld [smem:$0x3F93];
	s0 =	simm.s32 @p1 $0x1  }
0x15: {  	[smem:$0x3FB0] =	sst s0;
	s0 =	simm.s32 @!p2 $0x0  }
0x16: {  	s3 =	sld [smem:$0x3FDB];
	s0 =	simm.s32 @p2 $0x1  }
0x17: {  	s4 =	simm.s32 $0x1BF5;
	[smem:$0x3FB2] =	sst s0  }
0x18: {  	s0 =	sld [smem:$0x3F95];
	_ =	swait.ge [sflag:s4], $0x0  }
0x19: {  	s7 =	sld [smem:$0x3F96]  }
0x1a: {  	s8 =	sadd.s32 $0xFFFFE003, lr  }
0x1b: {  	s9 =	sadd.s32 $0xFFFFFEF7, lr;
	s5 =	simm.s32 $0xFFFFFFFF;
	p2 =	slt.u32 s8, $0xFFFFF086  }
0x1c: {  	p1 =	slt.u32 s9, $0xF7A;
	s5 =	simm.s32 @!p2 $0x0  }
0x1d: {  	s5 =	simm.s32 @p1 $0x1;
	p0 =	seq.s32 s7, s2  }
0x1e: {  	s7 =	smul.u32 @!p0 $0xF7A, s2;
	p2 =	seq.s32 @!p0 s5, $0x0  }
0x1f: {  	s9 =	smul.u32 $0xF7A, s1;
	s8 =	simm.s32 @!p0 $0x1BF5;
	p2 =	por !p2, p0  }
0x20: {  	[sflag:s8] =	ssyncset.s32 @!p0 $0xFFFFF086;
	s6 =	sadd.s32 @!p0 s3, s7;
	s7 =	simm.s32 @!p0 $0x108  }
0x21: {  	s3 =	sadd.s32 s3, s9;
	s6 =	sadd.s32 @!p0 $0x88, s6;
	s7 =	simm.s32 @p2 $0x1082  }
0x22: {  	[simem:s7], [sflag:s8] =	dma.local @!p0 [hbm:s6], $0xF7A  }
0x23: {  	s9 =	sor.u32 $0xD0000000, s2;
	s6 =	simm.s32 $0x108;
	_ =	swait.ge @!p0 [sflag:s8], $0x0  }
0x24: {  	s3 =	sadd.s32 $0x88, s3;
	s6 =	simm.s32 @!p1 $0x1082;
	[sflag:s4] =	ssyncset.s32 $0xFFFFF086  }
0x25: {  	[simem:s6], [sflag:s4] =	dma.local [hbm:s3], $0xF7A  }
0x26: {  	[smem:$0x3F96] =	sst s1;
	(tag) =	ssettag s2;
	_ =	strace s9  }
0x27: {  	s1 =	sld [smem:$0x3FA6]  }
0x28: {  	s2 =	sld [smem:$0x3FA7]  }
0x29: {  	s4 =	sld [smem:$0x3FA9]  }
0x2a: {  	p0 =	seq.s32 s5, $0x0;
	s5 =	sld [smem:$0x3FAA]  }
0x2b: {  	s6 =	sld [smem:$0x3FAB]  }
0x2c: {  	s7 =	sld [smem:$0x3FAC]  }
0x2d: {  	s3 =	simm.s32 $0x108;
	s8 =	sld [smem:$0x3FAD]  }
0x2e: {  	s3 =	simm.s32 @!p0 $0x1082;
	s9 =	sld [smem:$0x3FAE]  }
0x2f: {  	lr =	sadd.s32 s0, s3;
	s0 =	sld [smem:$0x3FA5]  }
0x30: {  	s3 =	sld [smem:$0x3FA8]  }
0x31: {  	[smem:$0x3FB1] =	sst s10  }
0x32: {  	s10 =	sld [smem:$0x3FAF];
	_ =	sdelay $0x3  }
0x33: {  	p0 =	seq.s32 s10, $0x1;
	s10 =	sld [smem:$0x3FB1];
	_ =	sdelay $0x3  }
0x34: {  	[smem:$0x3FB1] =	sst s10  }
0x35: {  	s10 =	sld [smem:$0x3FB0];
	_ =	sdelay $0x3  }
0x36: {  	p1 =	seq.s32 s10, $0x1;
	s10 =	sld [smem:$0x3FB1];
	_ =	sdelay $0x3  }
0x37: {  	[smem:$0x3FB1] =	sst s10  }
0x38: {  	s10 =	sld [smem:$0x3FB2]  }
0x39: {  	_ = 	snop;
	(pc) =	sbr.ind lr, $3  }
0x3a: {  	_ = 	snop  }
0x3b: {  	_ = 	snop  }
0x3c: {  	p2 =	seq.s32 s10, $0x1;
	s10 =	sld [smem:$0x3FB1]  }
0x3d: {  	_ =	shalt  }
0x3e: {  	_ =	shalt  }
0x3f: {  	_ =	shalt  }
0x40: {  	_ =	shalt  }
0x41: {  	_ =	shalt  }
0x42: {  	_ =	shalt  }
0x43: {  	_ =	shalt  }
0x44: {  	_ =	shalt  }
0x45: {  	_ =	shalt  }
0x46: {  	_ =	shalt  }
0x47: {  	_ =	shalt  }
0x48: {  	_ =	shalt  }
0x49: {  	_ =	shalt  }
0x4a: {  	_ =	shalt  }
0x4b: {  	_ =	shalt  }
0x4c: {  	_ =	shalt  }
0x4d: {  	_ =	shalt  }
0x4e: {  	_ =	shalt  }
0x4f: {  	_ =	shalt  }
0x50: {  	_ =	shalt  }
0x51: {  	_ =	shalt  }
0x52: {  	_ =	shalt  }
0x53: {  	_ =	shalt  }
0x54: {  	_ =	shalt  }
0x55: {  	_ =	shalt  }
0x56: {  	_ =	shalt  }
0x57: {  	_ =	shalt  }
0x58: {  	_ =	shalt  }
0x59: {  	_ =	shalt  }
0x5a: {  	_ =	shalt  }
0x5b: {  	_ =	shalt  }
0x5c: {  	_ =	shalt  }
0x5d: {  	_ =	shalt  }
0x5e: {  	_ =	shalt  }
0x5f: {  	_ =	shalt  }
0x60: {  	_ =	shalt  }
0x61: {  	_ =	shalt  }
0x62: {  	_ =	shalt  }
0x63: {  	_ =	shalt  }
0x64: {  	_ =	shalt  }
0x65: {  	_ =	shalt  }
0x66: {  	_ =	shalt  }
0x67: {  	_ =	shalt  }
0x68: {  	_ =	shalt  }
0x69: {  	_ =	shalt  }
0x6a: {  	_ =	shalt  }
0x6b: {  	_ =	shalt  }
0x6c: {  	_ =	shalt  }
0x6d: {  	_ =	shalt  }
0x6e: {  	_ =	shalt  }
0x6f: {  	_ =	shalt  }
0x70: {  	_ =	shalt  }
0x71: {  	_ =	shalt  }
0x72: {  	_ =	shalt  }
0x73: {  	_ =	shalt  }
0x74: {  	_ =	shalt  }
0x75: {  	_ =	shalt  }
0x76: {  	_ =	shalt  }
0x77: {  	_ =	shalt  }
0x78: {  	_ =	shalt  }
0x79: {  	_ =	shalt  }
0x7a: {  	_ =	shalt  }
0x7b: {  	_ =	shalt  }
0x7c: {  	_ =	shalt  }
0x7d: {  	_ =	shalt  }
0x7e: {  	_ =	shalt  }
0x7f: {  	_ =	shalt  }
0x80: {  	_ =	shalt  }
0x81: {  	_ =	shalt  }
0x82: {  	_ =	shalt  }
0x83: {  	_ =	shalt  }
0x84: {  	_ =	shalt  }
0x85: {  	_ =	shalt  }
0x86: {  	_ =	shalt  }
0x87: {  	_ =	shalt  }
.Lfunc_end0:
.L_simem_size_0:
called_computation.1_lowered:
.L_overlay_start_0:
0x88: {  	s2 =	sld [smem:$0x3FD9]  }
0x89: {  	s3 =	sld [smem:$0x3FFE];
	_ =	sdelay $0x1  }
0x8a: {  	s1 =	srdreg.scid  }
0x8b: {  	s0 =	sand.u32 $0x1, s1  }
0x8c: {  	s14 =	sshll.u32 s0, $0xA;
	s2 =	sadd.s32 s3, s2  }
0x8d: {  	s2 =	sadd.s32 s2, s14  }
0x8e: {  	[smem:$0x3FBD] =	sst s2  }
0x8f: {  	_ = 	snop  }
0x90: {  	s2 =	sld [smem:$0x3FD0];
	_ =	sdelay $0x2  }
0x91: {  	s15 =	simm.s32 $0xA;
	s4 =	simm.s32 $0x10  }
0x92: {  	[smem:s4], [sflag:s15] =	dma.local [hbm:s2], $0x1  }
0x93: {  	_ =	swait.eq [sflag:s15], $0x1  }
0x94: {  	[sflag:s15] =	ssyncset.done $0x0  }
0x95: {  	[sflag:s15] =	ssyncadd.s32 $0xFFFFFFFF  }
0x96: {  	s16 =	sld [smem:$0x10];
	(tm) =	ssettm $0x1  }
0x97: {  	s17 =	sld [smem:$0x3FFB];
	_ =	sdelay $0x3  }
0x98: {  	_ =	strace s17  }
0x99: {  	s3 =	sld [smem:$0x3FFC];
	_ =	sdelay $0x3  }
0x9a: {  	_ =	strace s3  }
0x9b: {  	s3 =	sld [smem:$0x3FFD];
	_ =	sdelay $0x3  }
0x9c: {  	_ =	strace s3  }
0x9d: {  	_ =	strace $0x8FFFFFFF  }
0x9e: {  	s18 =	sld [smem:$0x3FDB];
	_ =	sdelay $0x1  }
0x9f: {  	s19 =	simm.s32 $_scs_section_size  }
0xa0: {  	s5 =	simm.s32 $_size__tile_overlayer_lowered;
	s6 =	simm.s32 $_tile_overlayer_lowered  }
0xa1: {  	s22 =	simm.s32 $0x1BFF;
	s21 =	sshll.u32 s6, $0x1;
	s3 =	sadd.s32 s19, s18  }
0xa2: {  	s7 =	simm.s32 $0x0;
	s20 =	sshll.u32 s5, $0x1;
	s5 =	sadd.s32 s21, s3  }
0xa3: {  	[timem:s7], [sflag:s22] =	dma.local [hbm:s5], s20  }
0xa4: {  	_ =	swait.ge [sflag:s22], s20  }
0xa5: {  	s4 =	ssub.s32 $0x0, s20;
	[sflag:s22] =	ssyncset.done $0x0  }
0xa6: {  	[sflag:s22] =	ssyncadd.s32 s4;
	_ =	sdelay $0x1  }
0xa7: {  	s23 =	simm.s32 $0x1B8B  }
0xa8: {  	_ =	swait.ge [sflag:s23], $0x1  }
0xa9: {  	[sflag:s23] =	ssyncset.done $0x0  }
0xaa: {  	s25 =	simm.s32 $0x1B8E;
	s24 =	sld [smem:$0x3FFE];
	[sflag:s23] =	ssyncadd.s32 $0xFFFFFFFF  }
0xab: {  	s26 =	simm.s32 $execute0_lowered;
	[smem:$0x3FD2] =	sst s25  }
0xac: {  	s5 =	sshll.u32 s26, $0x1;
	_ =	strace $0x80000049;
	[dreg:$0x1] =	wrdreg $0xFFFFFFFF  }
0xad: {  	s28 =	simm.s32 $_size_execute0_lowered;
	s3 =	sadd.s32 s3, s5;
	[dreg:$0x0] =	wrdreg $0x0  }
0xae: {  	s5 =	sshll.u32 s28, $0x1;
	[dreg:$0x2] =	wrdreg s3  }
0xaf: {  	[dreg:$0x3] =	wrdreg s5  }
0xb0: {  	[dreg:$0x4] =	wrdreg $0xC0  }
0xb1: {  	_ =	task [dreg:s7], $0x5FFFF  }
0xb2: {  	[dreg:$0x1] =	wrdreg $0xFFFFFFFF  }
0xb3: {  	[dreg:$0x0] =	wrdreg $0x60  }
0xb4: {  	[dreg:$0x2] =	wrdreg s24  }
0xb5: {  	[dreg:$0x3] =	wrdreg s16  }
0xb6: {  	[dreg:$0x4] =	wrdreg $0xB8000  }
0xb7: {  	[dreg:$0x5] =	wrdreg $0x9  }
0xb8: {  	_ =	task.clear_ibuf [dreg:s7], $0x6FFFF;
	_ =	strace $0x90000049  }
0xb9: {  	s29 =	simm.s32 $0x9;
	_ =	strace $0x8000004B  }
0xba: {  	_ =	swait.ge [sflag:s29], $0x1  }
0xbb: {  	[sflag:s29] =	ssyncadd.s32 $0xFFFFFFFF  }
0xbc: {  	_ =	strace $0x9000004B  }
0xbd: {  	_ =	sfence  }
0xbe: {  	s30 =	sld [smem:$0x0];
	_ =	sdelay $0x2  }
0xbf: {  	s31 =	sshll.u32 s1, $0xD;
	s1 =	sshrl.u32 s1, $0x2  }
0xc0: {  	s3 =	sand.u32 $0x4000, s31;
	s1 =	sadd.s32 s1, s30  }
0xc1: {  	s0 =	sor.u32 s3, s0;
	s1 =	sshll.u32 s1, $0x11  }
0xc2: {  	s0 =	sor.u32 s1, s0  }
0xc3: {  	s0 =	sadd.s32 $0x8F2B, s0  }
0xc4: {  	[sflag:s0] =	ssyncadd.remote.s32 $0x1  }
0xc5: {  	_ =	sfence.sel $0xFFFF  }
0xc6: {  	[dreg:$0x0] =	wrdreg $0xFFFFFFFF;
	(pc) =	sbr.abs _section_cstart, $3  }
0xc7: {  	[dreg:$0x1] =	wrdreg $0xFFFFFFFF  }
0xc8: {  	_ =	task.clear_ibuf [dreg:s7], $0x2FFFF;
	_ =	strace $0x9FFFFFFF  }
0xc9: {  	(tm) =	ssettm $0x7FFFFFFF  }
tec
execute0_lowered:
.L_overlay_start_1:
0x0: {  	(tag) =	ssettag $0x1  }
0x1: {  	s0 =	rddreg [dreg:$0x0]  }
0x2: {  	s1 =	rddreg [dreg:$0x1]  }
0x3: {  	s3 =	rddreg [dreg:$0x2]  }
0x4: {  	s2 =	srdreg.scid;
	s4 =	simm.s32 $0x0;
	s13 =	stileid.u32  }
0x5: {  	s17 =	simm.s32 $0x4;
	s18 =	simm.s32 $0x9000;
	s19 =	simm.s32 $0x4000  }
0x6: {  	s20 =	simm.s32 $0x6800;
	s21 =	simm.s32 $0x1;
	s22 =	simm.s32 $0x50  }
0x7: {  	s23 =	simm.s32 $0x2;
	s24 =	simm.s32 $0x3;
	s25 =	simm.s32 $0x80  }
0x8: {  	s28 =	simm.s32 $0x0;
	s2 =	sand.u32 $0x1, s2;
	s8 =	smul.u32 $0x1F400, s13  }
0x9: {  	[smem:$0x7FF] =	sst s4;
	s26 =	smul.u32 $0x7D000, s13;
	p0 =	sgt.u32 s13, $0x9  }
0xa: {  	s5 =	sshll.u32 s13, $0x1;
	s6 =	smul.u32 $0x138800, s2;
	_ =	strace $0x8000004A  }
0xb: {  	s7 =	sor.u32 s2, s5;
	s5 =	sadd.s32 $0x9E5C00, s0;
	s2 =	ssub.s32 $0x2, s2  }
0xc: {  	s15 =	sshll.u32 @!p0 s13, $0x6;
	s9 =	sshll.u32 s7, $0xB;
	s11 =	smul.u32 $0x138800, s7  }
0xd: {  	s10 =	sshrl.u32 s2, $0x1;
	s29 =	sshrl.u32 s26, $0x2;
	s30 =	smul.u32 $0x27100, s7  }
0xe: {  	s12 =	smul.u32 $0x2710, s7;
	s15 =	sor.u32 @!p0 $0x1C04, s15;
	s26 =	simm.s32 $0x3E00  }
0xf: {  	s6 =	sadd.s32 s8, s6;
	s9 =	sadd.s32 s9, s0;
	s2 =	ssub.s32 s2, s10  }
0x10: {  	s16 =	sadd.s32 s29, s3;
	s6 =	sshrl.u32 s6, $0x3;
	s31 =	sshrl.u32 s11, $0x3  }
0x11: {  	s7 =	sadd.s32 s5, s30;
	s11 =	sadd.s32 $0xA0, s12;
	s12 =	sadd.s32 $0xF0, s12  }
0x12: {  	s14 =	smax.u32 s2, $0x1;
	s16 =	sshrl.u32 @!p0 s16, $0x3;
	s10 =	sadd.s32 s5, s31  }
0x13: {  	v0 =	vimm.f32 $0.0e+00;
	vm0 =	vcmask $0x300;
	s0 =	sadd.s32 s6, s0;
	s6 =	sadd.s32 $0x1C00, s9;
	s8 =	sadd.s32 $0x500, s10  }
0x14: {  	v0 =	vsel vm0, $0x3F800000, v0;
	s9 =	sadd.s32 $0xA00, s10;
	s10 =	sadd.s32 $0xF00, s10;
	s13 =	sadd.s32 $0x11C00, s0  }
.LBB2_1:
0x15: {  	[spmem:s16], [sflag:s15] =	dma.local @!p0 [hbm:s1], $0x3E80  }
0x16: {  	s0 =	simm.s32 @!p0 $0x4  }
0x17: {  	_ =	swait.ge @!p0 [sflag:s0], $0x3E80  }
0x18: {  	[sflag:s0] =	ssyncset.done @!p0 $0x0  }
0x19: {  	[sflag:s0] =	ssyncadd.s32 @!p0 $0xFFFFC180  }
0x1a: {  	[tilespmem:s4], [sflag:$0x4] =	stream.linear.gather [hbm4b:s6+s4], $0x3E80, $0x38;
	[tilespmem:$0x1F080] =	vst v63  }
0x1b: {  	_ =	swait.ge [sflag:s17], $0x3E80  }
0x1c: {  	[sflag:s17] =	ssyncset.done $0x0  }
0x1d: {  	[sflag:s17] =	ssyncadd.s32 $0xFFFFC180  }
0x1e: {  	[tilespmem:s18], [sflag:$0x4] =	stream.linear.gather [hbm4b:s1+s4], $0x2800, $0x38;
	[tilespmem:$0x1F080] =	vst v63  }
0x1f: {  	_ =	swait.ge [sflag:s17], $0x2800  }
0x20: {  	[sflag:s17] =	ssyncset.done $0x0  }
0x21: {  	s29 =	simm.s32 $0x240;
	s0 =	simm.s32 $0x10;
	[sflag:s17] =	ssyncadd.s32 $0xFFFFD800  }
.LBB2_2:
0x22: {  	p1 =	sne.s32 s29, $0x9E40;
	[tilespmem:s0+$0x9000] =	vst v0;
	s0 =	smov.u32 s29;
	s29 =	sadd.s32 $0x200, s29  }
.Ltmp0:
0x23: {  	(pc) =	sbr.rel @p1 .LBB2_2-.Ltmp0, $2  }
0x24: {  	_ =	sdelay $0x2  }
0x25: {  	s0 =	sshra.s32 s0, $0x2  }
0x26: {  	[tilespmem:s0+$0x9000] =	vst v0  }
0x27: {  	s31 =	simm.s32 $0x0;
	[bflag:$0x0] =	sbarrier.arrive $0xFFFF  }
0x28: {  	[tilespmem:s19], [sflag:$0x1] =	stream.linear.gather [hbm4b:s7+s31], $0x2800, $0x38;
	[tilespmem:$0x1F080] =	vst v63  }
0x29: {  	_ = 	snop  }
0x2a: {  	[tilespmem:s20], [sflag:$0x2] =	stream.linear.gather [hbm4b:s8+s31], $0x2800, $0x38;
	[tilespmem:$0x1F080] =	vst v63  }
0x2b: {  	_ =	swait.ge [sflag:s21], $0x2800  }
0x2c: {  	[sflag:s21] =	ssyncset.done $0x0  }
0x2d: {  	s0 =	simm.s32 $0x0;
	[sflag:s21] =	ssyncadd.s32 $0xFFFFD800  }
0x2e: {  	s29 =	simm.s32 $0x200;
	v1 =	vld [tilespmem:s0+$0x4000]  }
.LBB2_4:
0x2f: {  	p1 =	sne.s32 s29, $0x9E00  }
.Ltmp1:
0x30: {  	_ = 	snop;
	(pc) =	sbr.rel @p1 .LBB2_4-.Ltmp1, $3  }
0x31: {  	_ =	sdelay $0x1  }
0x32: {  	[tilespmem:s0+$0x9000] =	vst v1;
	s0 =	sshra.s32 s29, $0x2;
	s29 =	sadd.s32 $0x200, s29  }
0x33: {  	v1 =	vld [tilespmem:s0+$0x4000]  }
0x34: {  	_ =	sdelay $0x3  }
0x35: {  	s31 =	simm.s32 $0x0;
	[tilespmem:s0+$0x9000] =	vst v1  }
0x36: {  	[tilespmem:s19], [sflag:$0x1] =	stream.linear.gather [hbm4b:s9+s31], $0x2800, $0x38;
	[tilespmem:$0x1F080] =	vst v63  }
0x37: {  	_ = 	snop  }
0x38: {  	[spmem:s3] =	stream.indirect.scatter.add.f32 [tilespmem:s18], [sflag:$0x3], $0x80, s31, s22, $0xb8;
	[tilespmem:$0x1F080] =	vst v63  }
0x39: {  	_ =	swait.ge [sflag:s23], $0x2800  }
0x3a: {  	[sflag:s23] =	ssyncset.done $0x0  }
0x3b: {  	[sflag:s23] =	ssyncadd.s32 $0xFFFFD800  }
0x3c: {  	_ =	swait.ge [sflag:s24], $0x2800  }
0x3d: {  	[sflag:s24] =	ssyncset.done $0x0  }
0x3e: {  	s0 =	simm.s32 $0x0;
	[sflag:s24] =	ssyncadd.s32 $0xFFFFD800  }
0x3f: {  	s29 =	simm.s32 $0x200;
	v1 =	vld [tilespmem:s0+$0x6800]  }
.LBB2_6:
0x40: {  	p1 =	sne.s32 s29, $0x9E00  }
.Ltmp2:
0x41: {  	_ = 	snop;
	(pc) =	sbr.rel @p1 .LBB2_6-.Ltmp2, $3  }
0x42: {  	_ =	sdelay $0x1  }
0x43: {  	[tilespmem:s0+$0x9000] =	vst v1;
	s0 =	sshra.s32 s29, $0x2;
	s29 =	sadd.s32 $0x200, s29  }
0x44: {  	v1 =	vld [tilespmem:s0+$0x6800]  }
0x45: {  	_ =	sdelay $0x3  }
0x46: {  	[tilespmem:s0+$0x9000] =	vst v1  }
0x47: {  	[tilespmem:s20], [sflag:$0x2] =	stream.linear.gather [hbm4b:s10+s4], $0x2800, $0x38;
	[tilespmem:$0x1F080] =	vst v63  }
0x48: {  	s29 =	simm.s32 $0x1  }
0x49: {  	[spmem:s3] =	stream.indirect.scatter.add.f32 [tilespmem:s18], [sflag:$0x3], $0x80, s25, s22, $0xb8;
	[tilespmem:$0x1F080] =	vst v63  }
.LBB2_8:
0x4a: {  	_ =	swait.ge [sflag:s21], $0x2800  }
0x4b: {  	[sflag:s21] =	ssyncset.done $0x0  }
0x4c: {  	[sflag:s21] =	ssyncadd.s32 $0xFFFFD800  }
0x4d: {  	_ =	swait.ge [sflag:s24], $0x2800  }
0x4e: {  	[sflag:s24] =	ssyncset.done $0x0  }
0x4f: {  	s31 =	simm.s32 $0x0;
	[sflag:s24] =	ssyncadd.s32 $0xFFFFD800  }
0x50: {  	s0 =	simm.s32 $0x200;
	v1 =	vld [tilespmem:s31+$0x4000]  }
.LBB2_9:
0x51: {  	p1 =	sne.s32 s0, $0x9E00  }
.Ltmp3:
0x52: {  	_ = 	snop;
	(pc) =	sbr.rel @p1 .LBB2_9-.Ltmp3, $3  }
0x53: {  	_ =	sdelay $0x1  }
0x54: {  	[tilespmem:s31+$0x9000] =	vst v1;
	s31 =	sshra.s32 s0, $0x2;
	s0 =	sadd.s32 $0x200, s0  }
0x55: {  	v1 =	vld [tilespmem:s31+$0x4000]  }
0x56: {  	s30 =	smul.u32 $0xA0, s29;
	_ =	sdelay $0x1  }
0x57: {  	s0 =	sadd.s32 s30, s11  }
0x58: {  	s0 =	sshll.u32 s0, $0x4  }
0x59: {  	s2 =	simm.s32 $0x0;
	[tilespmem:s31+$0x9000] =	vst v1;
	s0 =	sadd.s32 s5, s0  }
0x5a: {  	[tilespmem:s19], [sflag:$0x1] =	stream.linear.gather [hbm4b:s0+s2], $0x2800, $0x38;
	[tilespmem:$0x1F080] =	vst v63  }
0x5b: {  	s2 =	sshll.u32 s29, $0x8  }
0x5c: {  	s31 =	sand.u32 $0x3FFFFF00, s2  }
0x5d: {  	[spmem:s3] =	stream.indirect.scatter.add.f32 [tilespmem:s18], [sflag:$0x3], $0x80, s31, s22, $0xb8;
	[tilespmem:$0x1F080] =	vst v63  }
0x5e: {  	_ =	swait.ge [sflag:s23], $0x2800  }
0x5f: {  	[sflag:s23] =	ssyncset.done $0x0  }
0x60: {  	[sflag:s23] =	ssyncadd.s32 $0xFFFFD800  }
0x61: {  	_ =	swait.ge [sflag:s24], $0x2800  }
0x62: {  	[sflag:s24] =	ssyncset.done $0x0  }
0x63: {  	s0 =	simm.s32 $0x0;
	[sflag:s24] =	ssyncadd.s32 $0xFFFFD800  }
0x64: {  	s2 =	simm.s32 $0x200;
	v1 =	vld [tilespmem:s0+$0x6800]  }
.LBB2_11:
0x65: {  	p1 =	sne.s32 s2, $0x9E00  }
.Ltmp4:
0x66: {  	_ = 	snop;
	(pc) =	sbr.rel @p1 .LBB2_11-.Ltmp4, $3  }
0x67: {  	_ =	sdelay $0x1  }
0x68: {  	[tilespmem:s0+$0x9000] =	vst v1;
	s0 =	sshra.s32 s2, $0x2;
	s2 =	sadd.s32 $0x200, s2  }
0x69: {  	v1 =	vld [tilespmem:s0+$0x6800]  }
0x6a: {  	p1 =	seq.s32 s29, $0x3D  }
.Ltmp5:
0x6b: {  	_ = 	snop;
	(pc) =	sbr.rel @p1 .LBB2_14-.Ltmp5, $2  }
0x6c: {  	_ =	sdelay $0x2  }
0x6d: {  	[tilespmem:s0+$0x9000] =	vst v1;
	s0 =	sadd.s32 $0x80, s31  }
0x6e: {  	s2 =	sadd.s32 s30, s12  }
.Ltmp6:
0x6f: {  	s2 =	sshll.u32 s2, $0x4;
	(pc) =	sbr.rel .LBB2_8-.Ltmp6, $4  }
0x70: {  	s2 =	sadd.s32 s5, s2  }
0x71: {  	[tilespmem:s20], [sflag:$0x2] =	stream.linear.gather [hbm4b:s2+s4], $0x2800, $0x38;
	[tilespmem:$0x1F080] =	vst v63  }
0x72: {  	s29 =	sadd.s32 $0x1, s29  }
0x73: {  	[spmem:s3] =	stream.indirect.scatter.add.f32 [tilespmem:s18], [sflag:$0x3], $0x80, s0, s22, $0xb8;
	[tilespmem:$0x1F080] =	vst v63  }
.LBB2_14:
0x74: {  	[spmem:s3] =	stream.indirect.scatter.add.f32 [tilespmem:s18], [sflag:$0x3], $0x80, s0, s22, $0xb8;
	[tilespmem:$0x1F080] =	vst v63  }
0x75: {  	_ =	swait.ge [sflag:s21], $0x2800  }
0x76: {  	[sflag:s21] =	ssyncset.done $0x0  }
0x77: {  	[sflag:s21] =	ssyncadd.s32 $0xFFFFD800  }
0x78: {  	_ =	swait.ge [sflag:s24], $0x2800  }
0x79: {  	[sflag:s24] =	ssyncset.done $0x0  }
0x7a: {  	s0 =	simm.s32 $0x0;
	[sflag:s24] =	ssyncadd.s32 $0xFFFFD800  }
0x7b: {  	s2 =	simm.s32 $0x200;
	v1 =	vld [tilespmem:s0+$0x4000]  }
.LBB2_15:
0x7c: {  	p1 =	sne.s32 s2, $0x9E00  }
.Ltmp7:
0x7d: {  	_ = 	snop;
	(pc) =	sbr.rel @p1 .LBB2_15-.Ltmp7, $3  }
0x7e: {  	_ =	sdelay $0x1  }
0x7f: {  	[tilespmem:s0+$0x9000] =	vst v1;
	s0 =	sshra.s32 s2, $0x2;
	s2 =	sadd.s32 $0x200, s2  }
0x80: {  	v1 =	vld [tilespmem:s0+$0x4000]  }
0x81: {  	_ =	sdelay $0x3  }
0x82: {  	[tilespmem:s0+$0x9000] =	vst v1  }
0x83: {  	[spmem:s3] =	stream.indirect.scatter.add.f32 [tilespmem:s18], [sflag:$0x3], $0x80, s26, s22, $0xb8;
	[tilespmem:$0x1F080] =	vst v63  }
0x84: {  	_ =	swait.ge [sflag:s24], $0x2800  }
0x85: {  	s28 =	sadd.s32 $0x1, s28;
	[sflag:s24] =	ssyncset.done $0x0  }
0x86: {  	p1 =	sne.s32 s28, s14;
	[sflag:s24] =	ssyncadd.s32 $0xFFFFD800  }
.Ltmp8:
0x87: {  	s0 =	simm.s32 @!p0 $0x4;
	[bflag:$0x0] =	sbarrier.arrive $0xFFFF;
	(pc) =	sbr.rel @p1 .LBB2_1-.Ltmp8, $4  }
0x88: {  	[hbm:s13], [sflag:s15] =	dma.local @!p0 [spmem:s16], $0x3E80  }
0x89: {  	_ =	swait.ge @!p0 [sflag:s0], $0x3E80  }
0x8a: {  	[sflag:s0] =	ssyncset.done @!p0 $0x0  }
0x8b: {  	[sflag:s0] =	ssyncadd.s32 @!p0 $0xFFFFC180  }
0x8c: {  	_ =	sfence.sel $0x180000  }
0x8d: {  	[bflag:$0x0] =	sbarrier.arrive $0xFFFF  }
0x8e: {  	_ =	strace $0x9000004A  }
0x8f: {  	s0 =	stileid.u32;
	[bflag:$0x2] =	sbarrier.arrive $0xFFFF  }
0x90: {  	p0 =	sne.s32 s0, $0x0;
	s0 =	rddreg [dreg:$0x3]  }
0x91: {  	s0 =	sadd.s32 @!p0 $0x100000, s0  }
0x92: {  	[sflag:s0] =	ssyncadd.tile.s32 @!p0 $0x1;
	_ =	shalt  }
.Lfunc_end2:
_tile_overlayer_lowered:
.L_overlay_start_2:
0x93: {  	(tag) =	ssettag $0x2  }
0x94: {  	s0 =	rddreg [dreg:$0x0];
	s2 =	stileid.u32  }
0x95: {  	s1 =	rddreg [dreg:$0x1];
	p0 =	sne.s32 s2, $0x0  }
0x96: {  	s3 =	rddreg [dreg:$0x2];
	[bflag:$0x3] =	sbarrier.arrive $0xFFFF;
	s2 =	simm.s32 @!p0 $0x1C04  }
0x97: {  	[timem:s3], [sflag:s2] =	dma.local @!p0 [hbm:s0], s1  }
0x98: {  	s0 =	simm.s32 @!p0 $0x4  }
0x99: {  	_ =	swait.ge @!p0 [sflag:s0], s1  }
0x9a: {  	s1 =	ssub.s32 @!p0 $0x0, s1;
	[sflag:s0] =	ssyncset.done @!p0 $0x0  }
0x9b: {  	[sflag:s0] =	ssyncadd.s32 @!p0 s1  }
0x9c: {  	[bflag:$0x3] =	sbarrier.arrive $0xFFFF  }
0x9d: {  	_ =	shalt  }

// kernel: kernel.7.cloned.1.call-start
scs
__scs_entry_jumppad:
0x0: {  	(pc) =	sbr.rel $0x88, $3  }
0x1: {  	(tag) =	ssettag $0x0;
	lr =	simm.s32 $0x1  }
0x2: {  	[smem:$0x3F96] =	sst lr;
	_ =	strace $0xD0000000  }
0x3: {  	_ = 	snop  }
0x4: {  	_ = 	snop  }
0x5: {  	_ = 	snop  }
0x6: {  	_ = 	snop  }
0x7: {  	_ = 	snop  }
__scs_overlays_trampoline_lowered:
0x8: {  	[smem:$0x3FA5] =	sst s0  }
0x9: {  	[smem:$0x3FA6] =	sst s1  }
0xa: {  	[smem:$0x3FA7] =	sst s2  }
0xb: {  	[smem:$0x3FA8] =	sst s3  }
0xc: {  	[smem:$0x3FA9] =	sst s4  }
0xd: {  	[smem:$0x3FAA] =	sst s5  }
0xe: {  	[smem:$0x3FAB] =	sst s6  }
0xf: {  	[smem:$0x3FAC] =	sst s7  }
0x10: {  	[smem:$0x3FAD] =	sst s8  }
0x11: {  	[smem:$0x3FAE] =	sst s9;
	s0 =	simm.s32 @!p0 $0x0  }
0x12: {  	s1 =	sld [smem:$0x3F94];
	s0 =	simm.s32 @p0 $0x1  }
0x13: {  	[smem:$0x3FAF] =	sst s0;
	s0 =	simm.s32 @!p1 $0x0  }
0x14: {  	s2 =	sld [smem:$0x3F93];
	s0 =	simm.s32 @p1 $0x1  }
0x15: {  	[smem:$0x3FB0] =	sst s0;
	s0 =	simm.s32 @!p2 $0x0  }
0x16: {  	s3 =	sld [smem:$0x3FDB];
	s0 =	simm.s32 @p2 $0x1  }
0x17: {  	s4 =	simm.s32 $0x1BF5;
	[smem:$0x3FB2] =	sst s0  }
0x18: {  	s0 =	sld [smem:$0x3F95];
	_ =	swait.ge [sflag:s4], $0x0  }
0x19: {  	s7 =	sld [smem:$0x3F96]  }
0x1a: {  	s8 =	sadd.s32 $0xFFFFE003, lr  }
0x1b: {  	s9 =	sadd.s32 $0xFFFFFEF7, lr;
	s5 =	simm.s32 $0xFFFFFFFF;
	p2 =	slt.u32 s8, $0xFFFFF086  }
0x1c: {  	p1 =	slt.u32 s9, $0xF7A;
	s5 =	simm.s32 @!p2 $0x0  }
0x1d: {  	s5 =	simm.s32 @p1 $0x1;
	p0 =	seq.s32 s7, s2  }
0x1e: {  	s7 =	smul.u32 @!p0 $0xF7A, s2;
	p2 =	seq.s32 @!p0 s5, $0x0  }
0x1f: {  	s9 =	smul.u32 $0xF7A, s1;
	s8 =	simm.s32 @!p0 $0x1BF5;
	p2 =	por !p2, p0  }
0x20: {  	[sflag:s8] =	ssyncset.s32 @!p0 $0xFFFFF086;
	s6 =	sadd.s32 @!p0 s3, s7;
	s7 =	simm.s32 @!p0 $0x108  }
0x21: {  	s3 =	sadd.s32 s3, s9;
	s6 =	sadd.s32 @!p0 $0x88, s6;
	s7 =	simm.s32 @p2 $0x1082  }
0x22: {  	[simem:s7], [sflag:s8] =	dma.local @!p0 [hbm:s6], $0xF7A  }
0x23: {  	s9 =	sor.u32 $0xD0000000, s2;
	s6 =	simm.s32 $0x108;
	_ =	swait.ge @!p0 [sflag:s8], $0x0  }
0x24: {  	s3 =	sadd.s32 $0x88, s3;
	s6 =	simm.s32 @!p1 $0x1082;
	[sflag:s4] =	ssyncset.s32 $0xFFFFF086  }
0x25: {  	[simem:s6], [sflag:s4] =	dma.local [hbm:s3], $0xF7A  }
0x26: {  	[smem:$0x3F96] =	sst s1;
	(tag) =	ssettag s2;
	_ =	strace s9  }
0x27: {  	s1 =	sld [smem:$0x3FA6]  }
0x28: {  	s2 =	sld [smem:$0x3FA7]  }
0x29: {  	s4 =	sld [smem:$0x3FA9]  }
0x2a: {  	p0 =	seq.s32 s5, $0x0;
	s5 =	sld [smem:$0x3FAA]  }
0x2b: {  	s6 =	sld [smem:$0x3FAB]  }
0x2c: {  	s7 =	sld [smem:$0x3FAC]  }
0x2d: {  	s3 =	simm.s32 $0x108;
	s8 =	sld [smem:$0x3FAD]  }
0x2e: {  	s3 =	simm.s32 @!p0 $0x1082;
	s9 =	sld [smem:$0x3FAE]  }
0x2f: {  	lr =	sadd.s32 s0, s3;
	s0 =	sld [smem:$0x3FA5]  }
0x30: {  	s3 =	sld [smem:$0x3FA8]  }
0x31: {  	[smem:$0x3FB1] =	sst s10  }
0x32: {  	s10 =	sld [smem:$0x3FAF];
	_ =	sdelay $0x3  }
0x33: {  	p0 =	seq.s32 s10, $0x1;
	s10 =	sld [smem:$0x3FB1];
	_ =	sdelay $0x3  }
0x34: {  	[smem:$0x3FB1] =	sst s10  }
0x35: {  	s10 =	sld [smem:$0x3FB0];
	_ =	sdelay $0x3  }
0x36: {  	p1 =	seq.s32 s10, $0x1;
	s10 =	sld [smem:$0x3FB1];
	_ =	sdelay $0x3  }
0x37: {  	[smem:$0x3FB1] =	sst s10  }
0x38: {  	s10 =	sld [smem:$0x3FB2]  }
0x39: {  	_ = 	snop;
	(pc) =	sbr.ind lr, $3  }
0x3a: {  	_ = 	snop  }
0x3b: {  	_ = 	snop  }
0x3c: {  	p2 =	seq.s32 s10, $0x1;
	s10 =	sld [smem:$0x3FB1]  }
0x3d: {  	_ =	shalt  }
0x3e: {  	_ =	shalt  }
0x3f: {  	_ =	shalt  }
0x40: {  	_ =	shalt  }
0x41: {  	_ =	shalt  }
0x42: {  	_ =	shalt  }
0x43: {  	_ =	shalt  }
0x44: {  	_ =	shalt  }
0x45: {  	_ =	shalt  }
0x46: {  	_ =	shalt  }
0x47: {  	_ =	shalt  }
0x48: {  	_ =	shalt  }
0x49: {  	_ =	shalt  }
0x4a: {  	_ =	shalt  }
0x4b: {  	_ =	shalt  }
0x4c: {  	_ =	shalt  }
0x4d: {  	_ =	shalt  }
0x4e: {  	_ =	shalt  }
0x4f: {  	_ =	shalt  }
0x50: {  	_ =	shalt  }
0x51: {  	_ =	shalt  }
0x52: {  	_ =	shalt  }
0x53: {  	_ =	shalt  }
0x54: {  	_ =	shalt  }
0x55: {  	_ =	shalt  }
0x56: {  	_ =	shalt  }
0x57: {  	_ =	shalt  }
0x58: {  	_ =	shalt  }
0x59: {  	_ =	shalt  }
0x5a: {  	_ =	shalt  }
0x5b: {  	_ =	shalt  }
0x5c: {  	_ =	shalt  }
0x5d: {  	_ =	shalt  }
0x5e: {  	_ =	shalt  }
0x5f: {  	_ =	shalt  }
0x60: {  	_ =	shalt  }
0x61: {  	_ =	shalt  }
0x62: {  	_ =	shalt  }
0x63: {  	_ =	shalt  }
0x64: {  	_ =	shalt  }
0x65: {  	_ =	shalt  }
0x66: {  	_ =	shalt  }
0x67: {  	_ =	shalt  }
0x68: {  	_ =	shalt  }
0x69: {  	_ =	shalt  }
0x6a: {  	_ =	shalt  }
0x6b: {  	_ =	shalt  }
0x6c: {  	_ =	shalt  }
0x6d: {  	_ =	shalt  }
0x6e: {  	_ =	shalt  }
0x6f: {  	_ =	shalt  }
0x70: {  	_ =	shalt  }
0x71: {  	_ =	shalt  }
0x72: {  	_ =	shalt  }
0x73: {  	_ =	shalt  }
0x74: {  	_ =	shalt  }
0x75: {  	_ =	shalt  }
0x76: {  	_ =	shalt  }
0x77: {  	_ =	shalt  }
0x78: {  	_ =	shalt  }
0x79: {  	_ =	shalt  }
0x7a: {  	_ =	shalt  }
0x7b: {  	_ =	shalt  }
0x7c: {  	_ =	shalt  }
0x7d: {  	_ =	shalt  }
0x7e: {  	_ =	shalt  }
0x7f: {  	_ =	shalt  }
0x80: {  	_ =	shalt  }
0x81: {  	_ =	shalt  }
0x82: {  	_ =	shalt  }
0x83: {  	_ =	shalt  }
0x84: {  	_ =	shalt  }
0x85: {  	_ =	shalt  }
0x86: {  	_ =	shalt  }
0x87: {  	_ =	shalt  }
.Lfunc_end0:
.L_simem_size_0:
called_computation_lowered:
.L_overlay_start_0:
0x88: {  	s2 =	sld [smem:$0x3FD9]  }
0x89: {  	s3 =	sld [smem:$0x3FFE];
	_ =	sdelay $0x1  }
0x8a: {  	s1 =	srdreg.scid  }
0x8b: {  	s0 =	sand.u32 $0x1, s1  }
0x8c: {  	s14 =	sshll.u32 s0, $0xA;
	s2 =	sadd.s32 s3, s2  }
0x8d: {  	s2 =	sadd.s32 s2, s14  }
0x8e: {  	[smem:$0x3FBD] =	sst s2  }
0x8f: {  	_ = 	snop  }
0x90: {  	s2 =	sld [smem:$0x3FD0];
	_ =	sdelay $0x2  }
0x91: {  	s15 =	simm.s32 $0xA;
	s4 =	simm.s32 $0x10  }
0x92: {  	[smem:s4], [sflag:s15] =	dma.local [hbm:s2], $0x1  }
0x93: {  	_ =	swait.eq [sflag:s15], $0x1  }
0x94: {  	[sflag:s15] =	ssyncset.done $0x0  }
0x95: {  	s16 =	sld [smem:$0x10];
	[sflag:s15] =	ssyncadd.s32 $0xFFFFFFFF  }
0x96: {  	s17 =	sld [smem:$0x11];
	(tm) =	ssettm $0x1  }
0x97: {  	s18 =	sld [smem:$0x3FFB];
	_ =	sdelay $0x3  }
0x98: {  	_ =	strace s18  }
0x99: {  	s4 =	sld [smem:$0x3FFC];
	_ =	sdelay $0x3  }
0x9a: {  	_ =	strace s4  }
0x9b: {  	s4 =	sld [smem:$0x3FFD];
	_ =	sdelay $0x3  }
0x9c: {  	_ =	strace s4  }
0x9d: {  	_ =	strace $0x8FFFFFFF  }
0x9e: {  	s19 =	sld [smem:$0x3FDB];
	_ =	sdelay $0x1  }
0x9f: {  	s5 =	simm.s32 $_scs_section_size  }
0xa0: {  	s6 =	simm.s32 $_size__tile_overlayer_lowered;
	s7 =	simm.s32 $_tile_overlayer_lowered  }
0xa1: {  	s22 =	simm.s32 $0x1BFF;
	s21 =	sshll.u32 s7, $0x1;
	s4 =	sadd.s32 s5, s19  }
0xa2: {  	s8 =	simm.s32 $0x0;
	s20 =	sshll.u32 s6, $0x1;
	s6 =	sadd.s32 s21, s4  }
0xa3: {  	[timem:s8], [sflag:s22] =	dma.local [hbm:s6], s20  }
0xa4: {  	_ =	swait.ge [sflag:s22], s20  }
0xa5: {  	s5 =	ssub.s32 $0x0, s20;
	[sflag:s22] =	ssyncset.done $0x0  }
0xa6: {  	[sflag:s22] =	ssyncadd.s32 s5;
	_ =	sdelay $0x1  }
0xa7: {  	s23 =	simm.s32 $0x1B8B  }
0xa8: {  	_ =	swait.ge [sflag:s23], $0x1  }
0xa9: {  	[sflag:s23] =	ssyncset.done $0x0  }
0xaa: {  	s25 =	simm.s32 $0x1B8E;
	s24 =	sld [smem:$0x3FFE];
	[sflag:s23] =	ssyncadd.s32 $0xFFFFFFFF  }
0xab: {  	s26 =	simm.s32 $execute0_lowered;
	[smem:$0x3FD2] =	sst s25  }
0xac: {  	s6 =	sshll.u32 s26, $0x1;
	_ =	strace $0x80000046;
	[dreg:$0x1] =	wrdreg $0xFFFFFFFF  }
0xad: {  	s28 =	simm.s32 $_size_execute0_lowered;
	s4 =	sadd.s32 s4, s6;
	[dreg:$0x0] =	wrdreg $0x0  }
0xae: {  	s6 =	sshll.u32 s28, $0x1;
	[dreg:$0x2] =	wrdreg s4  }
0xaf: {  	[dreg:$0x3] =	wrdreg s6  }
0xb0: {  	[dreg:$0x4] =	wrdreg $0xC0  }
0xb1: {  	_ =	task [dreg:s8], $0x5FFFF  }
0xb2: {  	[dreg:$0x1] =	wrdreg $0xFFFFFFFF  }
0xb3: {  	[dreg:$0x0] =	wrdreg $0x60  }
0xb4: {  	[dreg:$0x2] =	wrdreg s16  }
0xb5: {  	[dreg:$0x3] =	wrdreg s17  }
0xb6: {  	[dreg:$0x4] =	wrdreg s24  }
0xb7: {  	[dreg:$0x5] =	wrdreg $0x9  }
0xb8: {  	_ =	task.clear_ibuf [dreg:s8], $0x6FFFF;
	_ =	strace $0x90000046  }
0xb9: {  	s29 =	simm.s32 $0x9;
	_ =	strace $0x80000048  }
0xba: {  	_ =	swait.ge [sflag:s29], $0x1  }
0xbb: {  	[sflag:s29] =	ssyncadd.s32 $0xFFFFFFFF  }
0xbc: {  	_ =	strace $0x90000048  }
0xbd: {  	_ =	sfence  }
0xbe: {  	s30 =	sld [smem:$0x0];
	_ =	sdelay $0x2  }
0xbf: {  	s31 =	sshll.u32 s1, $0xD;
	s1 =	sshrl.u32 s1, $0x2  }
0xc0: {  	s3 =	sand.u32 $0x4000, s31;
	s1 =	sadd.s32 s1, s30  }
0xc1: {  	s0 =	sor.u32 s3, s0;
	s1 =	sshll.u32 s1, $0x11  }
0xc2: {  	s0 =	sor.u32 s1, s0  }
0xc3: {  	s0 =	sadd.s32 $0x8F2B, s0  }
0xc4: {  	[sflag:s0] =	ssyncadd.remote.s32 $0x1  }
0xc5: {  	_ =	sfence.sel $0xFFFF  }
0xc6: {  	[dreg:$0x0] =	wrdreg $0xFFFFFFFF;
	(pc) =	sbr.abs _section_cstart, $3  }
0xc7: {  	[dreg:$0x1] =	wrdreg $0xFFFFFFFF  }
0xc8: {  	_ =	task.clear_ibuf [dreg:s8], $0x2FFFF;
	_ =	strace $0x9FFFFFFF  }
0xc9: {  	(tm) =	ssettm $0x7FFFFFFF  }
tec
execute0_lowered:
.L_overlay_start_1:
0x0: {  	(tag) =	ssettag $0x1  }
0x1: {  	s1 =	rddreg [dreg:$0x0]  }
0x2: {  	s3 =	rddreg [dreg:$0x1]  }
0x3: {  	s0 =	rddreg [dreg:$0x2];
	s2 =	srdreg.scid  }
0x4: {  	s5 =	stileid.u32;
	s4 =	simm.s32 $0x0;
	s14 =	simm.s32 $0x7  }
0x5: {  	s16 =	simm.s32 $0x50;
	s17 =	simm.s32 $0x8000;
	s18 =	simm.s32 $0xD000  }
0x6: {  	s20 =	simm.s32 $0xA800;
	s22 =	simm.s32 $0xF800;
	s23 =	simm.s32 $0x1  }
0x7: {  	s28 =	simm.s32 $0x12000;
	s29 =	simm.s32 $0x2;
	s30 =	simm.s32 $0x4  }
0x8: {  	s19 =	simm.s32 $0x5;
	s2 =	sand.u32 $0x1, s2;
	s5 =	sshll.u32 s5, $0x1  }
0x9: {  	s21 =	simm.s32 $0x6;
	[smem:$0x7FF] =	sst s4;
	s7 =	sor.u32 s2, s5  }
0xa: {  	_ =	strace $0x80000047;
	s2 =	ssub.s32 $0x2, s2;
	s9 =	smul.u32 $0x138800, s7  }
0xb: {  	s5 =	sshll.u32 s7, $0xB;
	s24 =	sshrl.u32 s2, $0x1;
	s6 =	smul.u32 $0x2710, s7  }
0xc: {  	s25 =	smul.u32 $0x27100, s7;
	s8 =	sadd.s32 s5, s0;
	s5 =	sadd.s32 $0x21C00, s0  }
0xd: {  	s0 =	ssub.s32 s2, s24;
	s24 =	simm.s32 $0x3;
	s2 =	simm.s32 $0x14800  }
0xe: {  	s26 =	sshrl.u32 s9, $0x3;
	s31 =	sadd.s32 $0x11C00, s8;
	s8 =	sadd.s32 $0x1C00, s8  }
0xf: {  	s9 =	sadd.s32 s5, s25;
	s11 =	sadd.s32 $0x50, s6;
	s13 =	smax.u32 s0, $0x1  }
0x10: {  	s25 =	simm.s32 $0x0;
	[dreg:$0x4] =	wrdreg s31;
	s7 =	sadd.s32 s5, s26  }
0x11: {  	[dreg:$0x5] =	wrdreg s8;
	s10 =	sadd.s32 $0x500, s7;
	s12 =	sadd.s32 $0x26C00, s7  }
.LBB2_1:
0x12: {  	s0 =	rddreg [dreg:$0x4]  }
0x13: {  	[tilespmem:s4], [sflag:$0x7] =	stream.linear.gather [hbm4b:s0+s4], $0x3E80, $0x38;
	[tilespmem:$0x17000] =	vst v63  }
0x14: {  	_ =	swait.ge [sflag:s14], $0x3E80  }
0x15: {  	[sflag:s14] =	ssyncset.done $0x0  }
0x16: {  	s7 =	simm.s32 $0x4000;
	s15 =	rddreg [dreg:$0x5];
	[sflag:s14] =	ssyncadd.s32 $0xFFFFC180  }
0x17: {  	[tilespmem:s7], [sflag:$0x7] =	stream.linear.gather [hbm4b:s15+s4], $0x3E80, $0x38;
	[tilespmem:$0x17000] =	vst v63  }
0x18: {  	_ =	swait.ge [sflag:s14], $0x3E80  }
0x19: {  	[sflag:s14] =	ssyncset.done $0x0  }
0x1a: {  	[sflag:s14] =	ssyncadd.s32 $0xFFFFC180  }
0x1b: {  	[tilespmem:s17], [sflag:$0x1] =	stream.indirect.gather [hbm4b:s1+s16], $0x80, s4, s16, $0xb8;
	[tilespmem:$0x17000] =	vst v63  }
0x1c: {  	_ = 	snop  }
0x1d: {  	[tilespmem:s18], [sflag:$0x3] =	stream.indirect.gather [hbm4b:s3+s16], $0x80, s7, s16, $0xb8;
	[tilespmem:$0x17000] =	vst v63  }
0x1e: {  	s26 =	simm.s32 $0x80  }
0x1f: {  	[tilespmem:s20], [sflag:$0x2] =	stream.indirect.gather [hbm4b:s1+s16], $0x80, s26, s16, $0xb8;
	[tilespmem:$0x17000] =	vst v63  }
0x20: {  	s31 =	simm.s32 $0x4080  }
0x21: {  	[tilespmem:s22], [sflag:$0x4] =	stream.indirect.gather [hbm4b:s3+s16], $0x80, s31, s16, $0xb8;
	[tilespmem:$0x17000] =	vst v63  }
0x22: {  	_ =	swait.ge [sflag:s23], $0x2800  }
0x23: {  	[sflag:s23] =	ssyncset.done $0x0  }
0x24: {  	[sflag:s23] =	ssyncadd.s32 $0xFFFFD800  }
0x25: {  	_ =	swait.ge [sflag:s24], $0x2800  }
0x26: {  	[sflag:s24] =	ssyncset.done $0x0  }
0x27: {  	s0 =	simm.s32 $0x0;
	[sflag:s24] =	ssyncadd.s32 $0xFFFFD800  }
0x28: {  	v0 =	vld [tilespmem:s0+$0x8070]  }
0x29: {  	v1 =	vld [tilespmem:s0+$0xD070]  }
0x2a: {  	v2 =	vld [tilespmem:s0+$0x8000]  }
0x2b: {  	v3 =	vld [tilespmem:s0+$0xD000]  }
0x2c: {  	v4 =	vld [tilespmem:s0+$0x8010]  }
0x2d: {  	v5 =	vld [tilespmem:s0+$0xD010]  }
0x2e: {  	v6 =	vld [tilespmem:s0+$0x8020]  }
0x2f: {  	v7 =	vld [tilespmem:s0+$0x8030]  }
0x30: {  	v0 =	vadd.f32 v1, v0;
	v1 =	vld [tilespmem:s0+$0xD020]  }
0x31: {  	v8 =	vld [tilespmem:s0+$0xD030]  }
0x32: {  	v9 =	vld [tilespmem:s0+$0xD040];
	v2 =	vadd.f32 v3, v2  }
0x33: {  	[tilespmem:s0+$0x12070] =	vst v0;
	v0 =	vadd.f32 v5, v4;
	v5 =	vld [tilespmem:s0+$0x8040]  }
0x34: {  	v3 =	vld [tilespmem:s0+$0xD050];
	[tilespmem:s0+$0x12000] =	vst v2  }
0x35: {  	v2 =	vld [tilespmem:s0+$0x8050];
	[tilespmem:s0+$0x12010] =	vst v0;
	v0 =	vadd.f32 v1, v6  }
0x36: {  	v4 =	vld [tilespmem:s0+$0xD060];
	v6 =	vadd.f32 v8, v7  }
0x37: {  	s7 =	simm.s32 $0x80;
	[tilespmem:s0+$0x12020] =	vst v0;
	v0 =	vld [tilespmem:s0+$0x8060]  }
0x38: {  	s15 =	simm.s32 $0x400;
	v5 =	vadd.f32 v9, v5;
	v1 =	vld [tilespmem:s7+$0x8070];
	[tilespmem:s0+$0x12030] =	vst v6  }
.LBB2_2:
0x39: {  	p0 =	sne.s32 s15, $0x9E00;
	v6 =	vld [tilespmem:s7+$0xD070]  }
0x3a: {  	v7 =	vld [tilespmem:s7+$0x8000];
	[tilespmem:s0+$0x12040] =	vst v5;
	v2 =	vadd.f32 v3, v2  }
0x3b: {  	v3 =	vld [tilespmem:s7+$0xD000]  }
0x3c: {  	v5 =	vld [tilespmem:s7+$0x8010];
	[tilespmem:s0+$0x12050] =	vst v2;
	v0 =	vadd.f32 v4, v0  }
0x3d: {  	v2 =	vld [tilespmem:s7+$0xD010]  }
0x3e: {  	v4 =	vld [tilespmem:s7+$0x8020];
	v1 =	vadd.f32 v6, v1;
	[tilespmem:s0+$0x12060] =	vst v0;
	s0 =	smov.u32 s7  }
0x3f: {  	v0 =	vld [tilespmem:s0+$0xD020]  }
0x40: {  	v3 =	vadd.f32 v3, v7;
	v6 =	vld [tilespmem:s0+$0x8030];
	[tilespmem:s0+$0x12070] =	vst v1  }
0x41: {  	v1 =	vld [tilespmem:s0+$0xD030]  }
0x42: {  	[tilespmem:s0+$0x12000] =	vst v3;
	v2 =	vadd.f32 v2, v5;
	v5 =	vld [tilespmem:s0+$0x8040]  }
0x43: {  	v7 =	vld [tilespmem:s0+$0xD040]  }
.Ltmp0:
0x44: {  	[tilespmem:s0+$0x12010] =	vst v2;
	v0 =	vadd.f32 v0, v4;
	v2 =	vld [tilespmem:s0+$0x8050];
	(pc) =	sbr.rel @p0 .LBB2_2-.Ltmp0, $4  }
0x45: {  	v3 =	vld [tilespmem:s0+$0xD050]  }
0x46: {  	[tilespmem:s0+$0x12020] =	vst v0;
	v6 =	vadd.f32 v1, v6;
	v0 =	vld [tilespmem:s0+$0x8060]  }
0x47: {  	s7 =	sshra.s32 s15, $0x2;
	v4 =	vld [tilespmem:s0+$0xD060]  }
0x48: {  	s15 =	sadd.s32 $0x200, s15;
	v1 =	vld [tilespmem:s7+$0x8070];
	[tilespmem:s0+$0x12030] =	vst v6;
	v5 =	vadd.f32 v7, v5  }
0x49: {  	v6 =	vld [tilespmem:s7+$0xD070]  }
0x4a: {  	v7 =	vld [tilespmem:s7+$0x8000];
	[tilespmem:s0+$0x12040] =	vst v5;
	v2 =	vadd.f32 v3, v2  }
0x4b: {  	v3 =	vld [tilespmem:s7+$0xD000]  }
0x4c: {  	v5 =	vld [tilespmem:s7+$0x8010];
	[tilespmem:s0+$0x12050] =	vst v2;
	v0 =	vadd.f32 v4, v0  }
0x4d: {  	v2 =	vld [tilespmem:s7+$0xD010]  }
0x4e: {  	v4 =	vld [tilespmem:s7+$0x8020];
	[tilespmem:s0+$0x12060] =	vst v0  }
0x4f: {  	v0 =	vadd.f32 v6, v1;
	v1 =	vld [tilespmem:s7+$0xD020]  }
0x50: {  	v6 =	vld [tilespmem:s7+$0x8030]  }
0x51: {  	v3 =	vadd.f32 v3, v7;
	[tilespmem:s7+$0x12070] =	vst v0;
	v0 =	vld [tilespmem:s7+$0xD030]  }
0x52: {  	v7 =	vld [tilespmem:s7+$0xD060]  }
0x53: {  	[tilespmem:s7+$0x12000] =	vst v3;
	v2 =	vadd.f32 v2, v5;
	v3 =	vld [tilespmem:s7+$0x8040]  }
0x54: {  	v5 =	vld [tilespmem:s7+$0xD040]  }
0x55: {  	[tilespmem:s7+$0x12010] =	vst v2;
	v1 =	vadd.f32 v1, v4;
	v2 =	vld [tilespmem:s7+$0x8050]  }
0x56: {  	v4 =	vld [tilespmem:s7+$0xD050]  }
0x57: {  	[tilespmem:s7+$0x12020] =	vst v1;
	v1 =	vld [tilespmem:s7+$0x8060];
	_ =	sdelay $0x1  }
0x58: {  	v0 =	vadd.f32 v0, v6  }
0x59: {  	v3 =	vadd.f32 v5, v3  }
0x5a: {  	[tilespmem:s7+$0x12030] =	vst v0;
	v0 =	vadd.f32 v4, v2  }
0x5b: {  	[tilespmem:s7+$0x12040] =	vst v3;
	v1 =	vadd.f32 v7, v1  }
0x5c: {  	[tilespmem:s7+$0x12050] =	vst v0  }
0x5d: {  	s15 =	simm.s32 $0x100;
	[tilespmem:s7+$0x12060] =	vst v1  }
0x5e: {  	[tilespmem:s17], [sflag:$0x1] =	stream.indirect.gather [hbm4b:s1+s16], $0x80, s15, s16, $0xb8;
	[tilespmem:$0x17000] =	vst v63  }
0x5f: {  	s26 =	simm.s32 $0x4100  }
0x60: {  	[tilespmem:s18], [sflag:$0x3] =	stream.indirect.gather [hbm4b:s3+s16], $0x80, s26, s16, $0xb8;
	[tilespmem:$0x17000] =	vst v63  }
0x61: {  	s31 =	simm.s32 $0x0  }
0x62: {  	[hbm4b:s9+s31] =	stream.linear.scatter [tilespmem:s28], [sflag:$0x5], $0x2800, $0x38;
	[tilespmem:$0x17000] =	vst v63  }
0x63: {  	_ =	swait.ge [sflag:s29], $0x2800  }
0x64: {  	[sflag:s29] =	ssyncset.done $0x0  }
0x65: {  	[sflag:s29] =	ssyncadd.s32 $0xFFFFD800  }
0x66: {  	_ =	swait.ge [sflag:s30], $0x2800  }
0x67: {  	[sflag:s30] =	ssyncset.done $0x0  }
0x68: {  	s0 =	simm.s32 $0x0;
	[sflag:s30] =	ssyncadd.s32 $0xFFFFD800  }
0x69: {  	v0 =	vld [tilespmem:s0+$0xA870]  }
0x6a: {  	v1 =	vld [tilespmem:s0+$0xF870]  }
0x6b: {  	v2 =	vld [tilespmem:s0+$0xA800]  }
0x6c: {  	v3 =	vld [tilespmem:s0+$0xF800]  }
0x6d: {  	v4 =	vld [tilespmem:s0+$0xA810]  }
0x6e: {  	v5 =	vld [tilespmem:s0+$0xF810]  }
0x6f: {  	v6 =	vld [tilespmem:s0+$0xA820]  }
0x70: {  	v7 =	vld [tilespmem:s0+$0xA830]  }
0x71: {  	v0 =	vadd.f32 v1, v0;
	v1 =	vld [tilespmem:s0+$0xF820]  }
0x72: {  	v8 =	vld [tilespmem:s0+$0xF830]  }
0x73: {  	v9 =	vld [tilespmem:s0+$0xF840];
	v2 =	vadd.f32 v3, v2  }
0x74: {  	[tilespmem:s0+$0x14870] =	vst v0;
	v0 =	vadd.f32 v5, v4;
	v5 =	vld [tilespmem:s0+$0xA840]  }
0x75: {  	v3 =	vld [tilespmem:s0+$0xF850];
	[tilespmem:s0+$0x14800] =	vst v2  }
0x76: {  	v2 =	vld [tilespmem:s0+$0xA850];
	[tilespmem:s0+$0x14810] =	vst v0;
	v0 =	vadd.f32 v1, v6  }
0x77: {  	v4 =	vld [tilespmem:s0+$0xF860];
	v6 =	vadd.f32 v8, v7  }
0x78: {  	s7 =	simm.s32 $0x80;
	[tilespmem:s0+$0x14820] =	vst v0;
	v0 =	vld [tilespmem:s0+$0xA860]  }
0x79: {  	s15 =	simm.s32 $0x400;
	v5 =	vadd.f32 v9, v5;
	v1 =	vld [tilespmem:s7+$0xA870];
	[tilespmem:s0+$0x14830] =	vst v6  }
.LBB2_4:
0x7a: {  	p0 =	sne.s32 s15, $0x9E00;
	v6 =	vld [tilespmem:s7+$0xF870]  }
0x7b: {  	v7 =	vld [tilespmem:s7+$0xA800];
	[tilespmem:s0+$0x14840] =	vst v5;
	v2 =	vadd.f32 v3, v2  }
0x7c: {  	v3 =	vld [tilespmem:s7+$0xF800]  }
0x7d: {  	v5 =	vld [tilespmem:s7+$0xA810];
	[tilespmem:s0+$0x14850] =	vst v2;
	v0 =	vadd.f32 v4, v0  }
0x7e: {  	v2 =	vld [tilespmem:s7+$0xF810]  }
0x7f: {  	v4 =	vld [tilespmem:s7+$0xA820];
	v1 =	vadd.f32 v6, v1;
	[tilespmem:s0+$0x14860] =	vst v0;
	s0 =	smov.u32 s7  }
0x80: {  	v0 =	vld [tilespmem:s0+$0xF820]  }
0x81: {  	v3 =	vadd.f32 v3, v7;
	v6 =	vld [tilespmem:s0+$0xA830];
	[tilespmem:s0+$0x14870] =	vst v1  }
0x82: {  	v1 =	vld [tilespmem:s0+$0xF830]  }
0x83: {  	[tilespmem:s0+$0x14800] =	vst v3;
	v2 =	vadd.f32 v2, v5;
	v5 =	vld [tilespmem:s0+$0xA840]  }
0x84: {  	v7 =	vld [tilespmem:s0+$0xF840]  }
.Ltmp1:
0x85: {  	[tilespmem:s0+$0x14810] =	vst v2;
	v0 =	vadd.f32 v0, v4;
	v2 =	vld [tilespmem:s0+$0xA850];
	(pc) =	sbr.rel @p0 .LBB2_4-.Ltmp1, $4  }
0x86: {  	v3 =	vld [tilespmem:s0+$0xF850]  }
0x87: {  	[tilespmem:s0+$0x14820] =	vst v0;
	v6 =	vadd.f32 v1, v6;
	v0 =	vld [tilespmem:s0+$0xA860]  }
0x88: {  	s7 =	sshra.s32 s15, $0x2;
	v4 =	vld [tilespmem:s0+$0xF860]  }
0x89: {  	s15 =	sadd.s32 $0x200, s15;
	v1 =	vld [tilespmem:s7+$0xA870];
	[tilespmem:s0+$0x14830] =	vst v6;
	v5 =	vadd.f32 v7, v5  }
0x8a: {  	v6 =	vld [tilespmem:s7+$0xF870]  }
0x8b: {  	v7 =	vld [tilespmem:s7+$0xA800];
	[tilespmem:s0+$0x14840] =	vst v5;
	v2 =	vadd.f32 v3, v2  }
0x8c: {  	v51 =	vld [tilespmem:s7+$0xF800]  }
0x8d: {  	v5 =	vld [tilespmem:s7+$0xA810];
	[tilespmem:s0+$0x14850] =	vst v2;
	v0 =	vadd.f32 v4, v0  }
0x8e: {  	v2 =	vld [tilespmem:s7+$0xF810]  }
0x8f: {  	v52 =	vld [tilespmem:s7+$0xA820];
	[tilespmem:s0+$0x14860] =	vst v0  }
0x90: {  	v54 =	vld [tilespmem:s7+$0xF820]  }
0x91: {  	v55 =	vld [tilespmem:s7+$0xA830]  }
0x92: {  	v56 =	vld [tilespmem:s7+$0xF830]  }
0x93: {  	v57 =	vld [tilespmem:s7+$0xA840]  }
0x94: {  	v58 =	vld [tilespmem:s7+$0xF840]  }
0x95: {  	v59 =	vld [tilespmem:s7+$0xA850]  }
0x96: {  	v53 =	vadd.f32 v6, v1;
	v60 =	vld [tilespmem:s7+$0xF850]  }
0x97: {  	v61 =	vld [tilespmem:s7+$0xA860];
	v3 =	vadd.f32 v51, v7  }
0x98: {  	v62 =	vld [tilespmem:s7+$0xF860];
	[tilespmem:s7+$0x14870] =	vst v53;
	v2 =	vadd.f32 v2, v5  }
0x99: {  	[tilespmem:s7+$0x14800] =	vst v3;
	v1 =	vadd.f32 v54, v52  }
0x9a: {  	[tilespmem:s7+$0x14810] =	vst v2;
	v0 =	vadd.f32 v56, v55  }
0x9b: {  	v3 =	vadd.f32 v58, v57;
	[tilespmem:s7+$0x14820] =	vst v1  }
0x9c: {  	v63 =	vadd.f32 v60, v59;
	[tilespmem:s7+$0x14830] =	vst v0  }
0x9d: {  	[tilespmem:s7+$0x14840] =	vst v3;
	v1 =	vadd.f32 v62, v61  }
0x9e: {  	[tilespmem:s7+$0x14850] =	vst v63  }
0x9f: {  	s26 =	simm.s32 $0x180;
	[tilespmem:s7+$0x14860] =	vst v1  }
0xa0: {  	[tilespmem:s20], [sflag:$0x2] =	stream.indirect.gather [hbm4b:s1+s16], $0x80, s26, s16, $0xb8;
	[tilespmem:$0x17000] =	vst v63  }
0xa1: {  	s31 =	simm.s32 $0x4180  }
0xa2: {  	[tilespmem:s22], [sflag:$0x4] =	stream.indirect.gather [hbm4b:s3+s16], $0x80, s31, s16, $0xb8;
	[tilespmem:$0x17000] =	vst v63  }
0xa3: {  	s26 =	simm.s32 $0x1  }
0xa4: {  	[hbm4b:s10+s4] =	stream.linear.scatter [tilespmem:s2], [sflag:$0x6], $0x2800, $0x38;
	[tilespmem:$0x17000] =	vst v63  }
.LBB2_6:
0xa5: {  	_ =	swait.ge [sflag:s23], $0x2800  }
0xa6: {  	[sflag:s23] =	ssyncset.done $0x0  }
0xa7: {  	[sflag:s23] =	ssyncadd.s32 $0xFFFFD800  }
0xa8: {  	_ =	swait.ge [sflag:s24], $0x2800  }
0xa9: {  	[sflag:s24] =	ssyncset.done $0x0  }
0xaa: {  	[sflag:s24] =	ssyncadd.s32 $0xFFFFD800  }
0xab: {  	_ =	swait.ge [sflag:s19], $0x2800  }
0xac: {  	[sflag:s19] =	ssyncset.done $0x0  }
0xad: {  	s0 =	simm.s32 $0x0;
	[sflag:s19] =	ssyncadd.s32 $0xFFFFD800  }
0xae: {  	v0 =	vld [tilespmem:s0+$0x8070]  }
0xaf: {  	v1 =	vld [tilespmem:s0+$0xD070]  }
0xb0: {  	v2 =	vld [tilespmem:s0+$0x8000]  }
0xb1: {  	v3 =	vld [tilespmem:s0+$0xD000]  }
0xb2: {  	v4 =	vld [tilespmem:s0+$0x8010]  }
0xb3: {  	v5 =	vld [tilespmem:s0+$0xD010]  }
0xb4: {  	v6 =	vld [tilespmem:s0+$0x8020]  }
0xb5: {  	v7 =	vld [tilespmem:s0+$0x8030]  }
0xb6: {  	v0 =	vadd.f32 v1, v0;
	v1 =	vld [tilespmem:s0+$0xD020]  }
0xb7: {  	v8 =	vld [tilespmem:s0+$0xD030]  }
0xb8: {  	v9 =	vld [tilespmem:s0+$0xD040];
	v2 =	vadd.f32 v3, v2  }
0xb9: {  	[tilespmem:s0+$0x12070] =	vst v0;
	v0 =	vadd.f32 v5, v4;
	v5 =	vld [tilespmem:s0+$0x8040]  }
0xba: {  	v3 =	vld [tilespmem:s0+$0xD050];
	[tilespmem:s0+$0x12000] =	vst v2  }
0xbb: {  	v2 =	vld [tilespmem:s0+$0x8050];
	[tilespmem:s0+$0x12010] =	vst v0;
	v0 =	vadd.f32 v1, v6  }
0xbc: {  	v4 =	vld [tilespmem:s0+$0xD060];
	v6 =	vadd.f32 v8, v7  }
0xbd: {  	s15 =	simm.s32 $0x80;
	[tilespmem:s0+$0x12020] =	vst v0;
	v0 =	vld [tilespmem:s0+$0x8060]  }
0xbe: {  	s7 =	simm.s32 $0x400;
	v5 =	vadd.f32 v9, v5;
	v1 =	vld [tilespmem:s15+$0x8070];
	[tilespmem:s0+$0x12030] =	vst v6  }
.LBB2_7:
0xbf: {  	p0 =	sne.s32 s7, $0x9E00;
	v6 =	vld [tilespmem:s15+$0xD070]  }
0xc0: {  	v7 =	vld [tilespmem:s15+$0x8000];
	[tilespmem:s0+$0x12040] =	vst v5;
	v2 =	vadd.f32 v3, v2  }
0xc1: {  	v3 =	vld [tilespmem:s15+$0xD000]  }
0xc2: {  	v5 =	vld [tilespmem:s15+$0x8010];
	[tilespmem:s0+$0x12050] =	vst v2;
	v0 =	vadd.f32 v4, v0  }
0xc3: {  	v2 =	vld [tilespmem:s15+$0xD010]  }
0xc4: {  	v4 =	vld [tilespmem:s15+$0x8020];
	v1 =	vadd.f32 v6, v1;
	[tilespmem:s0+$0x12060] =	vst v0;
	s0 =	smov.u32 s15  }
0xc5: {  	v0 =	vld [tilespmem:s0+$0xD020]  }
0xc6: {  	v3 =	vadd.f32 v3, v7;
	v6 =	vld [tilespmem:s0+$0x8030];
	[tilespmem:s0+$0x12070] =	vst v1  }
0xc7: {  	v1 =	vld [tilespmem:s0+$0xD030]  }
0xc8: {  	[tilespmem:s0+$0x12000] =	vst v3;
	v2 =	vadd.f32 v2, v5;
	v5 =	vld [tilespmem:s0+$0x8040]  }
0xc9: {  	v7 =	vld [tilespmem:s0+$0xD040]  }
.Ltmp2:
0xca: {  	[tilespmem:s0+$0x12010] =	vst v2;
	v0 =	vadd.f32 v0, v4;
	v2 =	vld [tilespmem:s0+$0x8050];
	(pc) =	sbr.rel @p0 .LBB2_7-.Ltmp2, $4  }
0xcb: {  	v3 =	vld [tilespmem:s0+$0xD050]  }
0xcc: {  	[tilespmem:s0+$0x12020] =	vst v0;
	v6 =	vadd.f32 v1, v6;
	v0 =	vld [tilespmem:s0+$0x8060]  }
0xcd: {  	s15 =	sshra.s32 s7, $0x2;
	v4 =	vld [tilespmem:s0+$0xD060]  }
0xce: {  	s7 =	sadd.s32 $0x200, s7;
	v1 =	vld [tilespmem:s15+$0x8070];
	[tilespmem:s0+$0x12030] =	vst v6;
	v5 =	vadd.f32 v7, v5  }
0xcf: {  	v6 =	vld [tilespmem:s15+$0xD070]  }
0xd0: {  	v7 =	vld [tilespmem:s15+$0x8000];
	[tilespmem:s0+$0x12040] =	vst v5;
	v2 =	vadd.f32 v3, v2  }
0xd1: {  	v3 =	vld [tilespmem:s15+$0xD000]  }
0xd2: {  	v5 =	vld [tilespmem:s15+$0x8010];
	[tilespmem:s0+$0x12050] =	vst v2;
	v0 =	vadd.f32 v4, v0  }
0xd3: {  	v2 =	vld [tilespmem:s15+$0xD010]  }
0xd4: {  	v4 =	vld [tilespmem:s15+$0x8020];
	[tilespmem:s0+$0x12060] =	vst v0  }
0xd5: {  	v0 =	vadd.f32 v6, v1;
	v1 =	vld [tilespmem:s15+$0xD020]  }
0xd6: {  	v6 =	vld [tilespmem:s15+$0x8030]  }
0xd7: {  	v3 =	vadd.f32 v3, v7;
	[tilespmem:s15+$0x12070] =	vst v0;
	v0 =	vld [tilespmem:s15+$0xD030]  }
0xd8: {  	v7 =	vld [tilespmem:s15+$0xD060]  }
0xd9: {  	[tilespmem:s15+$0x12000] =	vst v3;
	v2 =	vadd.f32 v2, v5;
	v3 =	vld [tilespmem:s15+$0x8040]  }
0xda: {  	v5 =	vld [tilespmem:s15+$0xD040]  }
0xdb: {  	[tilespmem:s15+$0x12010] =	vst v2;
	v1 =	vadd.f32 v1, v4;
	v2 =	vld [tilespmem:s15+$0x8050]  }
0xdc: {  	v4 =	vld [tilespmem:s15+$0xD050]  }
0xdd: {  	[tilespmem:s15+$0x12020] =	vst v1;
	v1 =	vld [tilespmem:s15+$0x8060];
	_ =	sdelay $0x1  }
0xde: {  	v0 =	vadd.f32 v0, v6  }
0xdf: {  	v3 =	vadd.f32 v5, v3  }
0xe0: {  	[tilespmem:s15+$0x12030] =	vst v0;
	v0 =	vadd.f32 v4, v2  }
0xe1: {  	[tilespmem:s15+$0x12040] =	vst v3;
	v1 =	vadd.f32 v7, v1  }
0xe2: {  	s31 =	sshll.u32 s26, $0x8;
	[tilespmem:s15+$0x12050] =	vst v0  }
0xe3: {  	s8 =	sadd.s32 $0x100, s31;
	s0 =	smul.u32 $0xA0, s26;
	[tilespmem:s15+$0x12060] =	vst v1  }
0xe4: {  	[tilespmem:s17], [sflag:$0x1] =	stream.indirect.gather [hbm4b:s1+s16], $0x80, s8, s16, $0xb8;
	[tilespmem:$0x17000] =	vst v63  }
0xe5: {  	s7 =	sadd.s32 $0x4100, s31;
	s15 =	sadd.s32 s6, s0  }
0xe6: {  	[tilespmem:s18], [sflag:$0x3] =	stream.indirect.gather [hbm4b:s3+s16], $0x80, s7, s16, $0xb8;
	[tilespmem:$0x17000] =	vst v63  }
0xe7: {  	s7 =	sshll.u32 s15, $0x4  }
0xe8: {  	s8 =	simm.s32 $0x0;
	s7 =	sadd.s32 s5, s7  }
0xe9: {  	[hbm4b:s7+s8] =	stream.linear.scatter [tilespmem:s28], [sflag:$0x5], $0x2800, $0x38;
	[tilespmem:$0x17000] =	vst v63  }
0xea: {  	_ =	swait.ge [sflag:s29], $0x2800  }
0xeb: {  	[sflag:s29] =	ssyncset.done $0x0  }
0xec: {  	[sflag:s29] =	ssyncadd.s32 $0xFFFFD800  }
0xed: {  	_ =	swait.ge [sflag:s30], $0x2800  }
0xee: {  	[sflag:s30] =	ssyncset.done $0x0  }
0xef: {  	[sflag:s30] =	ssyncadd.s32 $0xFFFFD800  }
0xf0: {  	_ =	swait.ge [sflag:s21], $0x2800  }
0xf1: {  	[sflag:s21] =	ssyncset.done $0x0  }
0xf2: {  	s15 =	simm.s32 $0x0;
	[sflag:s21] =	ssyncadd.s32 $0xFFFFD800  }
0xf3: {  	v0 =	vld [tilespmem:s15+$0xA870]  }
0xf4: {  	v1 =	vld [tilespmem:s15+$0xF870]  }
0xf5: {  	v2 =	vld [tilespmem:s15+$0xA800]  }
0xf6: {  	v3 =	vld [tilespmem:s15+$0xF800]  }
0xf7: {  	v4 =	vld [tilespmem:s15+$0xA810]  }
0xf8: {  	v5 =	vld [tilespmem:s15+$0xF810]  }
0xf9: {  	v6 =	vld [tilespmem:s15+$0xA820]  }
0xfa: {  	v7 =	vld [tilespmem:s15+$0xA830]  }
0xfb: {  	v0 =	vadd.f32 v1, v0;
	v1 =	vld [tilespmem:s15+$0xF820]  }
0xfc: {  	v8 =	vld [tilespmem:s15+$0xF830]  }
0xfd: {  	v9 =	vld [tilespmem:s15+$0xF840];
	v2 =	vadd.f32 v3, v2  }
0xfe: {  	[tilespmem:s15+$0x14870] =	vst v0;
	v0 =	vadd.f32 v5, v4;
	v5 =	vld [tilespmem:s15+$0xA840]  }
0xff: {  	v3 =	vld [tilespmem:s15+$0xF850];
	[tilespmem:s15+$0x14800] =	vst v2  }
0x100: {  	v2 =	vld [tilespmem:s15+$0xA850];
	[tilespmem:s15+$0x14810] =	vst v0;
	v0 =	vadd.f32 v1, v6  }
0x101: {  	v4 =	vld [tilespmem:s15+$0xF860];
	v6 =	vadd.f32 v8, v7  }
0x102: {  	s7 =	simm.s32 $0x80;
	[tilespmem:s15+$0x14820] =	vst v0;
	v0 =	vld [tilespmem:s15+$0xA860]  }
0x103: {  	s8 =	simm.s32 $0x400;
	v5 =	vadd.f32 v9, v5;
	v1 =	vld [tilespmem:s7+$0xA870];
	[tilespmem:s15+$0x14830] =	vst v6  }
.LBB2_9:
0x104: {  	p0 =	sne.s32 s8, $0x9E00;
	v6 =	vld [tilespmem:s7+$0xF870]  }
0x105: {  	v7 =	vld [tilespmem:s7+$0xA800];
	[tilespmem:s15+$0x14840] =	vst v5;
	v2 =	vadd.f32 v3, v2  }
0x106: {  	v3 =	vld [tilespmem:s7+$0xF800]  }
0x107: {  	v5 =	vld [tilespmem:s7+$0xA810];
	[tilespmem:s15+$0x14850] =	vst v2;
	v0 =	vadd.f32 v4, v0  }
0x108: {  	v2 =	vld [tilespmem:s7+$0xF810]  }
0x109: {  	v4 =	vld [tilespmem:s7+$0xA820];
	v1 =	vadd.f32 v6, v1;
	[tilespmem:s15+$0x14860] =	vst v0;
	s15 =	smov.u32 s7  }
0x10a: {  	v0 =	vld [tilespmem:s15+$0xF820]  }
0x10b: {  	v3 =	vadd.f32 v3, v7;
	v6 =	vld [tilespmem:s15+$0xA830];
	[tilespmem:s15+$0x14870] =	vst v1  }
0x10c: {  	v1 =	vld [tilespmem:s15+$0xF830]  }
0x10d: {  	[tilespmem:s15+$0x14800] =	vst v3;
	v2 =	vadd.f32 v2, v5;
	v5 =	vld [tilespmem:s15+$0xA840]  }
0x10e: {  	v7 =	vld [tilespmem:s15+$0xF840]  }
.Ltmp3:
0x10f: {  	[tilespmem:s15+$0x14810] =	vst v2;
	v0 =	vadd.f32 v0, v4;
	v2 =	vld [tilespmem:s15+$0xA850];
	(pc) =	sbr.rel @p0 .LBB2_9-.Ltmp3, $4  }
0x110: {  	v3 =	vld [tilespmem:s15+$0xF850]  }
0x111: {  	[tilespmem:s15+$0x14820] =	vst v0;
	v6 =	vadd.f32 v1, v6;
	v0 =	vld [tilespmem:s15+$0xA860]  }
0x112: {  	s7 =	sshra.s32 s8, $0x2;
	v4 =	vld [tilespmem:s15+$0xF860]  }
0x113: {  	s8 =	sadd.s32 $0x200, s8;
	v1 =	vld [tilespmem:s7+$0xA870];
	[tilespmem:s15+$0x14830] =	vst v6;
	v5 =	vadd.f32 v7, v5  }
0x114: {  	v6 =	vld [tilespmem:s7+$0xF870]  }
0x115: {  	v7 =	vld [tilespmem:s7+$0xA800];
	[tilespmem:s15+$0x14840] =	vst v5;
	v2 =	vadd.f32 v3, v2  }
0x116: {  	v51 =	vld [tilespmem:s7+$0xF800]  }
0x117: {  	v5 =	vld [tilespmem:s7+$0xA810];
	[tilespmem:s15+$0x14850] =	vst v2;
	v0 =	vadd.f32 v4, v0  }
0x118: {  	v2 =	vld [tilespmem:s7+$0xF810]  }
0x119: {  	v52 =	vld [tilespmem:s7+$0xA820];
	[tilespmem:s15+$0x14860] =	vst v0  }
0x11a: {  	v54 =	vld [tilespmem:s7+$0xF820]  }
0x11b: {  	v55 =	vld [tilespmem:s7+$0xA830]  }
0x11c: {  	v56 =	vld [tilespmem:s7+$0xF830]  }
0x11d: {  	v57 =	vld [tilespmem:s7+$0xA840]  }
0x11e: {  	v58 =	vld [tilespmem:s7+$0xF840]  }
0x11f: {  	v59 =	vld [tilespmem:s7+$0xA850]  }
0x120: {  	v53 =	vadd.f32 v6, v1;
	v60 =	vld [tilespmem:s7+$0xF850]  }
0x121: {  	v61 =	vld [tilespmem:s7+$0xA860];
	v3 =	vadd.f32 v51, v7  }
0x122: {  	v62 =	vld [tilespmem:s7+$0xF860];
	[tilespmem:s7+$0x14870] =	vst v53;
	v2 =	vadd.f32 v2, v5  }
0x123: {  	[tilespmem:s7+$0x14800] =	vst v3;
	v1 =	vadd.f32 v54, v52  }
0x124: {  	[tilespmem:s7+$0x14810] =	vst v2;
	v0 =	vadd.f32 v56, v55  }
0x125: {  	v3 =	vadd.f32 v58, v57;
	[tilespmem:s7+$0x14820] =	vst v1  }
0x126: {  	v63 =	vadd.f32 v60, v59;
	[tilespmem:s7+$0x14830] =	vst v0  }
0x127: {  	[tilespmem:s7+$0x14840] =	vst v3;
	v1 =	vadd.f32 v62, v61  }
0x128: {  	p0 =	seq.s32 s26, $0x3D;
	[tilespmem:s7+$0x14850] =	vst v63  }
0x129: {  	s8 =	simm.s32 @!p0 $0x50;
	s15 =	simm.s32 @!p0 $0xA800;
	[tilespmem:s7+$0x14860] =	vst v1;
	s7 =	sadd.s32 @!p0 $0x180, s31  }
0x12a: {  	[tilespmem:s15], [sflag:$0x2] =	stream.indirect.gather @!p0 [hbm4b:s1+s8], $0x80, s7, s8, $0xb8;
	[tilespmem:$0x17000] =	vst v63  }
0x12b: {  	s26 =	sadd.s32 $0x1, s26;
	s7 =	sadd.s32 @!p0 $0x4180, s31;
	s15 =	simm.s32 @!p0 $0xF800  }
0x12c: {  	[tilespmem:s15], [sflag:$0x4] =	stream.indirect.gather @!p0 [hbm4b:s3+s8], $0x80, s7, s8, $0xb8;
	[tilespmem:$0x17000] =	vst v63  }
0x12d: {  	p0 =	sne.s32 s26, $0x3E  }
.Ltmp4:
0x12e: {  	_ = 	snop;
	(pc) =	sbr.rel @p0 .LBB2_6-.Ltmp4, $4  }
0x12f: {  	s0 =	sadd.s32 s0, s11  }
0x130: {  	s0 =	sshll.u32 s0, $0x4  }
0x131: {  	s0 =	sadd.s32 s5, s0  }
0x132: {  	[hbm4b:s0+s4] =	stream.linear.scatter [tilespmem:s2], [sflag:$0x6], $0x2800, $0x38;
	[tilespmem:$0x17000] =	vst v63  }
0x133: {  	_ =	swait.ge [sflag:s23], $0x2800  }
0x134: {  	[sflag:s23] =	ssyncset.done $0x0  }
0x135: {  	[sflag:s23] =	ssyncadd.s32 $0xFFFFD800  }
0x136: {  	_ =	swait.ge [sflag:s24], $0x2800  }
0x137: {  	[sflag:s24] =	ssyncset.done $0x0  }
0x138: {  	[sflag:s24] =	ssyncadd.s32 $0xFFFFD800  }
0x139: {  	_ =	swait.ge [sflag:s19], $0x2800  }
0x13a: {  	[sflag:s19] =	ssyncset.done $0x0  }
0x13b: {  	s0 =	simm.s32 $0x0;
	[sflag:s19] =	ssyncadd.s32 $0xFFFFD800  }
0x13c: {  	v0 =	vld [tilespmem:s0+$0x8070]  }
0x13d: {  	v1 =	vld [tilespmem:s0+$0xD070]  }
0x13e: {  	v2 =	vld [tilespmem:s0+$0x8000]  }
0x13f: {  	v3 =	vld [tilespmem:s0+$0xD000]  }
0x140: {  	v4 =	vld [tilespmem:s0+$0x8010]  }
0x141: {  	v5 =	vld [tilespmem:s0+$0xD010]  }
0x142: {  	v6 =	vld [tilespmem:s0+$0x8020]  }
0x143: {  	v7 =	vld [tilespmem:s0+$0x8030]  }
0x144: {  	v0 =	vadd.f32 v1, v0;
	v1 =	vld [tilespmem:s0+$0xD020]  }
0x145: {  	v8 =	vld [tilespmem:s0+$0xD030]  }
0x146: {  	v9 =	vld [tilespmem:s0+$0xD040];
	v2 =	vadd.f32 v3, v2  }
0x147: {  	[tilespmem:s0+$0x12070] =	vst v0;
	v0 =	vadd.f32 v5, v4;
	v5 =	vld [tilespmem:s0+$0x8040]  }
0x148: {  	v3 =	vld [tilespmem:s0+$0xD050];
	[tilespmem:s0+$0x12000] =	vst v2  }
0x149: {  	v2 =	vld [tilespmem:s0+$0x8050];
	[tilespmem:s0+$0x12010] =	vst v0;
	v0 =	vadd.f32 v1, v6  }
0x14a: {  	v4 =	vld [tilespmem:s0+$0xD060];
	v6 =	vadd.f32 v8, v7  }
0x14b: {  	s7 =	simm.s32 $0x80;
	[tilespmem:s0+$0x12020] =	vst v0;
	v0 =	vld [tilespmem:s0+$0x8060]  }
0x14c: {  	s8 =	simm.s32 $0x400;
	v5 =	vadd.f32 v9, v5;
	v1 =	vld [tilespmem:s7+$0x8070];
	[tilespmem:s0+$0x12030] =	vst v6  }
.LBB2_12:
0x14d: {  	p0 =	sne.s32 s8, $0x9E00;
	v6 =	vld [tilespmem:s7+$0xD070]  }
0x14e: {  	v7 =	vld [tilespmem:s7+$0x8000];
	[tilespmem:s0+$0x12040] =	vst v5;
	v2 =	vadd.f32 v3, v2  }
0x14f: {  	v3 =	vld [tilespmem:s7+$0xD000]  }
0x150: {  	v5 =	vld [tilespmem:s7+$0x8010];
	[tilespmem:s0+$0x12050] =	vst v2;
	v0 =	vadd.f32 v4, v0  }
0x151: {  	v2 =	vld [tilespmem:s7+$0xD010]  }
0x152: {  	v4 =	vld [tilespmem:s7+$0x8020];
	v1 =	vadd.f32 v6, v1;
	[tilespmem:s0+$0x12060] =	vst v0;
	s0 =	smov.u32 s7  }
0x153: {  	v0 =	vld [tilespmem:s0+$0xD020]  }
0x154: {  	v3 =	vadd.f32 v3, v7;
	v6 =	vld [tilespmem:s0+$0x8030];
	[tilespmem:s0+$0x12070] =	vst v1  }
0x155: {  	v1 =	vld [tilespmem:s0+$0xD030]  }
0x156: {  	[tilespmem:s0+$0x12000] =	vst v3;
	v2 =	vadd.f32 v2, v5;
	v5 =	vld [tilespmem:s0+$0x8040]  }
0x157: {  	v7 =	vld [tilespmem:s0+$0xD040]  }
.Ltmp5:
0x158: {  	[tilespmem:s0+$0x12010] =	vst v2;
	v0 =	vadd.f32 v0, v4;
	v2 =	vld [tilespmem:s0+$0x8050];
	(pc) =	sbr.rel @p0 .LBB2_12-.Ltmp5, $4  }
0x159: {  	v3 =	vld [tilespmem:s0+$0xD050]  }
0x15a: {  	[tilespmem:s0+$0x12020] =	vst v0;
	v6 =	vadd.f32 v1, v6;
	v0 =	vld [tilespmem:s0+$0x8060]  }
0x15b: {  	s7 =	sshra.s32 s8, $0x2;
	v4 =	vld [tilespmem:s0+$0xD060]  }
0x15c: {  	s8 =	sadd.s32 $0x200, s8;
	v1 =	vld [tilespmem:s7+$0x8070];
	[tilespmem:s0+$0x12030] =	vst v6;
	v5 =	vadd.f32 v7, v5  }
0x15d: {  	v6 =	vld [tilespmem:s7+$0xD070]  }
0x15e: {  	v7 =	vld [tilespmem:s7+$0x8000];
	[tilespmem:s0+$0x12040] =	vst v5;
	v2 =	vadd.f32 v3, v2  }
0x15f: {  	v51 =	vld [tilespmem:s7+$0xD000]  }
0x160: {  	v5 =	vld [tilespmem:s7+$0x8010];
	[tilespmem:s0+$0x12050] =	vst v2;
	v0 =	vadd.f32 v4, v0  }
0x161: {  	v2 =	vld [tilespmem:s7+$0xD010]  }
0x162: {  	v52 =	vld [tilespmem:s7+$0x8020];
	[tilespmem:s0+$0x12060] =	vst v0  }
0x163: {  	v54 =	vld [tilespmem:s7+$0xD020]  }
0x164: {  	v55 =	vld [tilespmem:s7+$0x8030]  }
0x165: {  	v56 =	vld [tilespmem:s7+$0xD030]  }
0x166: {  	v57 =	vld [tilespmem:s7+$0x8040]  }
0x167: {  	v58 =	vld [tilespmem:s7+$0xD040]  }
0x168: {  	v59 =	vld [tilespmem:s7+$0x8050]  }
0x169: {  	v53 =	vadd.f32 v6, v1;
	v60 =	vld [tilespmem:s7+$0xD050]  }
0x16a: {  	v61 =	vld [tilespmem:s7+$0x8060];
	v3 =	vadd.f32 v51, v7  }
0x16b: {  	v62 =	vld [tilespmem:s7+$0xD060];
	[tilespmem:s7+$0x12070] =	vst v53;
	v2 =	vadd.f32 v2, v5  }
0x16c: {  	[tilespmem:s7+$0x12000] =	vst v3;
	v1 =	vadd.f32 v54, v52  }
0x16d: {  	[tilespmem:s7+$0x12010] =	vst v2;
	v0 =	vadd.f32 v56, v55  }
0x16e: {  	v3 =	vadd.f32 v58, v57;
	[tilespmem:s7+$0x12020] =	vst v1  }
0x16f: {  	v63 =	vadd.f32 v60, v59;
	[tilespmem:s7+$0x12030] =	vst v0  }
0x170: {  	[tilespmem:s7+$0x12040] =	vst v3;
	v1 =	vadd.f32 v62, v61  }
0x171: {  	[tilespmem:s7+$0x12050] =	vst v63  }
0x172: {  	s25 =	sadd.s32 $0x1, s25;
	[tilespmem:s7+$0x12060] =	vst v1  }
0x173: {  	[hbm4b:s12+s4] =	stream.linear.scatter [tilespmem:s28], [sflag:$0x5], $0x2800, $0x38;
	[tilespmem:$0x17000] =	vst v63  }
0x174: {  	p0 =	sne.s32 s25, s13;
	_ =	swait.ge [sflag:s19], $0x2800  }
.Ltmp6:
0x175: {  	[sflag:s19] =	ssyncset.done $0x0;
	(pc) =	sbr.rel @p0 .LBB2_1-.Ltmp6, $4  }
0x176: {  	[sflag:s19] =	ssyncadd.s32 $0xFFFFD800  }
0x177: {  	_ =	swait.ge [sflag:s21], $0x2800  }
0x178: {  	[sflag:s21] =	ssyncset.done $0x0  }
0x179: {  	[sflag:s21] =	ssyncadd.s32 $0xFFFFD800  }
0x17a: {  	_ =	sfence.sel $0x180000  }
0x17b: {  	[bflag:$0x0] =	sbarrier.arrive $0xFFFF  }
0x17c: {  	_ =	strace $0x90000047  }
0x17d: {  	s0 =	stileid.u32;
	[bflag:$0x2] =	sbarrier.arrive $0xFFFF  }
0x17e: {  	p0 =	sne.s32 s0, $0x0;
	s0 =	rddreg [dreg:$0x3]  }
0x17f: {  	s0 =	sadd.s32 @!p0 $0x100000, s0  }
0x180: {  	[sflag:s0] =	ssyncadd.tile.s32 @!p0 $0x1;
	_ =	shalt  }
.Lfunc_end2:
_tile_overlayer_lowered:
.L_overlay_start_2:
0x181: {  	(tag) =	ssettag $0x2  }
0x182: {  	s0 =	rddreg [dreg:$0x0];
	s2 =	stileid.u32  }
0x183: {  	s1 =	rddreg [dreg:$0x1];
	p0 =	sne.s32 s2, $0x0  }
0x184: {  	s3 =	rddreg [dreg:$0x2];
	[bflag:$0x3] =	sbarrier.arrive $0xFFFF;
	s2 =	simm.s32 @!p0 $0x1C07  }
0x185: {  	[timem:s3], [sflag:s2] =	dma.local @!p0 [hbm:s0], s1  }
0x186: {  	s0 =	simm.s32 @!p0 $0x7  }
0x187: {  	_ =	swait.ge @!p0 [sflag:s0], s1  }
0x188: {  	s1 =	ssub.s32 @!p0 $0x0, s1;
	[sflag:s0] =	ssyncset.done @!p0 $0x0  }
0x189: {  	[sflag:s0] =	ssyncadd.s32 @!p0 s1  }
0x18a: {  	[bflag:$0x3] =	sbarrier.arrive $0xFFFF  }
0x18b: {  	_ =	shalt  }

</sc_bundles>
